<compile_context>
chip_gen: v7x
topology: tpu7x:2x2x1
jax: 0.10.2.dev20260603
libtpu: 0.0.44.dev20260713+nightly
codegen_flags: <defaults>
</compile_context>

<pallas_src>
import functools

import jax
import jax.numpy as jnp
from jax import lax
from jax.experimental import pallas as pl
from jax.experimental.pallas import tpu as pltpu
from jax.experimental.pallas import tpu_sc as plsc

CLS = 100
F = 128
B = 16384
LAMBDA = 0.1

B_SC = 4096
NC = 2
NS = 16
L = 16
NW = NC * NS
RT = B_SC // NW
CHUNK = 64
NCH = RT // CHUNK
CPAD = 128
CPT = CPAD // NS
XW = 2 * L

RB = 4096
NBLK_TC = (B - B_SC) // RB
BLK0_TC = B_SC // RB


def _sc_body(f_hbm, t_hbm, s_out, x_out,
             fbuf, tbuf, idx, xbuf, obuf, ob2, sacc, xacc, sem, sem_s):
    cid = lax.axis_index("c")
    sid = lax.axis_index("s")
    wid = cid * NS + sid
    base = wid * RT

    copies = [
        pltpu.async_copy(f_hbm.at[pl.ds(base + q * CHUNK, CHUNK)],
                         fbuf.at[q], sem)
        for q in range(NCH)
    ]

    zv = jnp.zeros((L,), jnp.float32)
    for i in range(CPT):
        for j in range(F // L):
            obuf[i, pl.ds(j * L, L)] = zv
        for j in range(XW // L):
            ob2[i, pl.ds(j * L, L)] = zv
    pltpu.sync_copy(obuf, sacc.at[pl.ds(sid * CPT, CPT)])
    pltpu.sync_copy(ob2, xacc.at[pl.ds(sid * CPT, CPT)])

    pltpu.sync_copy(t_hbm.at[pl.ds(base, RT)], tbuf)
    for g in range(RT // L):
        v = tbuf[pl.ds(g * L, L)]
        idx[g // (CHUNK // L), pl.ds((g % (CHUNK // L)) * L, L)] = (
            v.astype(jnp.int32))

    plsc.subcore_barrier()

    ones = jnp.full((L,), 1.0, jnp.float32)
    UNROLL = 8
    scatters = []
    for q in range(NCH):
        copies[q].wait()

        def body(i, _, q=q):
            r = i * UNROLL
            for k in range(UNROLL):
                m = []
                for j in range(F // L):
                    fv = fbuf[q, r + k, pl.ds(j * L, L)]
                    m.append(fv * fv)
                while len(m) > 1:
                    m = [a + b for a, b in zip(m[::2], m[1::2])]
                xbuf[q, r + k, pl.ds(0, L)] = m[0]
                xbuf[q, r + k, pl.ds(L, L)] = ones
            return _

        lax.fori_loop(0, CHUNK // UNROLL, body, None)
        scatters.append(
            pltpu.async_copy(fbuf.at[q], sacc.at[idx.at[q]], sem_s, add=True))
        scatters.append(
            pltpu.async_copy(xbuf.at[q], xacc.at[idx.at[q]], sem_s, add=True))

    for c in scatters:
        c.wait()

    plsc.subcore_barrier()

    pltpu.sync_copy(xacc.at[pl.ds(sid * CPT, CPT)], ob2)
    for i in range(CPT):
        for j in range(XW // L):
            obuf[i, pl.ds(j * L, L)] = ob2[i, pl.ds(j * L, L)]
    pltpu.sync_copy(obuf, x_out.at[cid, pl.ds(sid * CPT, CPT)])
    pltpu.sync_copy(sacc.at[pl.ds(sid * CPT, CPT)], obuf)
    pltpu.sync_copy(obuf, s_out.at[cid, pl.ds(sid * CPT, CPT)])


_sc_call = functools.partial(
    pl.kernel,
    out_type=[
        jax.ShapeDtypeStruct((NC, CPAD, F), jnp.float32),
        jax.ShapeDtypeStruct((NC, CPAD, F), jnp.float32),
    ],
    mesh=plsc.VectorSubcoreMesh(core_axis_name="c", subcore_axis_name="s"),
    compiler_params=pltpu.CompilerParams(use_tc_tiling_on_sc=False),
    scratch_types=[
        pltpu.VMEM((NCH, CHUNK, F), jnp.float32),
        pltpu.VMEM((RT,), jnp.float32),
        pltpu.VMEM((NCH, CHUNK), jnp.int32),
        pltpu.VMEM((NCH, CHUNK, XW), jnp.float32),
        pltpu.VMEM((CPT, F), jnp.float32),
        pltpu.VMEM((CPT, XW), jnp.float32),
        pltpu.VMEM_SHARED((CPAD, F), jnp.float32),
        pltpu.VMEM_SHARED((CPAD, XW), jnp.float32),
        pltpu.SemaphoreType.DMA,
        pltpu.SemaphoreType.DMA,
    ],
)(_sc_body)


def _tc_body(t_ref, f_ref, s_ref, v_ref, sacc, s2acc, cntacc):
    b = pl.program_id(0)

    @pl.when(b == 0)
    def _init():
        sacc[...] = jnp.zeros_like(sacc)
        s2acc[...] = jnp.zeros_like(s2acc)
        cntacc[...] = jnp.zeros_like(cntacc)

    fblk = f_ref[...]
    idx = t_ref[0, 0, :].astype(jnp.int32)
    cls_iota = jax.lax.broadcasted_iota(jnp.int32, (RB, CPAD), 1)
    onehot = (idx[:, None] == cls_iota).astype(jnp.float32)

    sacc[...] += jax.lax.dot_general(
        onehot, fblk, (((0,), (0,)), ((), ())),
        preferred_element_type=jnp.float32,
        precision=jax.lax.Precision.DEFAULT)
    rowsq = jnp.sum(fblk * fblk, axis=1)[None, :]
    s2acc[...] += jax.lax.dot_general(
        rowsq, onehot, (((1,), (0,)), ((), ())),
        preferred_element_type=jnp.float32,
        precision=jax.lax.Precision.DEFAULT)
    cntacc[...] += jnp.sum(onehot, axis=0, keepdims=True)

    @pl.when(b == NBLK_TC - 1)
    def _fin():
        s_ref[...] = sacc[...]
        v_ref[...] = jnp.concatenate(
            [s2acc[...], cntacc[...],
             jnp.zeros((6, CPAD), jnp.float32)], axis=0)


def _tc_partial(feature, _target):
    t3 = _target.reshape(B // RB, 1, RB)
    return pl.pallas_call(
        _tc_body,
        grid=(NBLK_TC,),
        in_specs=[
            pl.BlockSpec((1, 1, RB), lambda b: (BLK0_TC + b, 0, 0)),
            pl.BlockSpec((RB, F), lambda b: (BLK0_TC + b, 0)),
        ],
        out_specs=[
            pl.BlockSpec((CPAD, F), lambda b: (0, 0)),
            pl.BlockSpec((8, CPAD), lambda b: (0, 0)),
        ],
        out_shape=[
            jax.ShapeDtypeStruct((CPAD, F), jnp.float32),
            jax.ShapeDtypeStruct((8, CPAD), jnp.float32),
        ],
        scratch_shapes=[
            pltpu.VMEM((CPAD, F), jnp.float32),
            pltpu.VMEM((1, CPAD), jnp.float32),
            pltpu.VMEM((1, CPAD), jnp.float32),
        ],
    )(t3, feature)


def _combine_body(sp_ref, xp_ref, stc_ref, vtc_ref, a_ref, out_ref):
    s = sp_ref[0, :CLS, :] + sp_ref[1, :CLS, :] + stc_ref[:CLS, :]
    x = xp_ref[0, :CLS, :] + xp_ref[1, :CLS, :]
    s2 = jnp.sum(x[:, :L], axis=1) + vtc_ref[0, :CLS]
    cnt = (jnp.sum(x[:, L:XW], axis=1) * (1.0 / L)
           + vtc_ref[1, :CLS])
    a = a_ref[...]
    adots = jnp.sum(a * s, axis=1)
    asq = jnp.sum(a * a, axis=1)
    good = cnt > 0.0
    contrib = jnp.where(
        good, (s2 - 2.0 * adots) / jnp.where(good, cnt, 1.0) + asq, 0.0)
    out_ref[...] = jnp.full((1, 1), LAMBDA * jnp.sum(contrib) / CLS,
                            dtype=jnp.float32)


@jax.jit
def kernel(feature, _target, anchor):
    s_p, x_p = _sc_call(feature, _target)
    s_tc, v_tc = _tc_partial(feature, _target)
    out = pl.pallas_call(
        _combine_body,
        out_shape=jax.ShapeDtypeStruct((1, 1), jnp.float32),
    )(s_p, x_p, s_tc, v_tc, anchor)
    return out[0, 0]

# --- scband reference (transcript-rebuilt; emitter-appended) ---
"""Pipeline reference for scband-anchor-loss-17428977287342 (READ-ONLY COPY).

The authoritative reference and input builder live on the scoring server;
editing this copy changes nothing except your own understanding.
"""

import jax, jax.numpy as jnp
import numpy as np

CLS_NUM = 100
FEATURE_NUM = 128
BATCH = 16384


def setup_inputs(seed: int = 0) -> dict:
    key = jax.random.key(seed)
    k1, k2, k3 = jax.random.split(key, 3)
    feature = jax.random.normal(k1, (BATCH, FEATURE_NUM), dtype=jnp.float32)
    # _target is float-valued class ids (torch.histc requires float input)
    _target = jax.random.randint(k2, (BATCH,), 0, CLS_NUM).astype(jnp.float32)
    # anchor init (ablation=0, cls_num <= feature_num): random rows of identity
    eye = jnp.eye(FEATURE_NUM, dtype=jnp.float32)
    sel = jax.random.permutation(k3, FEATURE_NUM)[:CLS_NUM]
    anchor = jnp.take(eye, sel, axis=0)
    return {"feature": feature, "_target": _target, "anchor": anchor}


def reference(feature, _target, anchor):
    Lambda = 0.1
    idx = _target.astype(jnp.int32)
    # centre = anchor.index_select(0, target)
    centre = jnp.take(anchor, idx, axis=0)
    # torch.histc(_target, bins=cls_num, min=0, max=cls_num-1) on integer-valued
    # targets in [0, cls_num) is exactly a per-class bincount
    counter = jnp.bincount(idx, length=CLS_NUM)
    count = jnp.take(counter, idx)
    centre_dis = feature - centre
    pow_ = centre_dis ** 2
    sum_1 = jnp.sum(pow_, axis=1)
    dis_ = sum_1 / count.astype(jnp.float32)
    sum_2 = jnp.sum(dis_) / CLS_NUM
    res = Lambda * sum_2
    return res

if __name__ == "__main__":
    import jax
    _d = setup_inputs()
    print(jax.jit(kernel)(*tuple(_d.values())))

</pallas_src>

<mosaic_0001>
#map = affine_map<(d0, d1) -> (0, 0)>
#map1 = affine_map<(d0, d1) -> (0)>
#map2 = affine_map<(d0, d1) -> (0, 0, 0)>
module attributes {stable_mosaic.version = 14 : i64} {
  func.func @_sc_body(%arg0: i32, %arg1: i32, %arg2: memref<16384x128xf32, #tpu.memory_space<hbm>>, %arg3: memref<16384xf32, #tpu.memory_space<hbm>>, %arg4: memref<2x128x128xf32, #tpu.memory_space<hbm>>, %arg5: memref<2x128x128xf32, #tpu.memory_space<hbm>>, %arg6: memref<2x64x128xf32, #tpu.memory_space<vmem>>, %arg7: memref<128xf32, #tpu.memory_space<vmem>>, %arg8: memref<2x64xi32, #tpu.memory_space<vmem>>, %arg9: memref<2x64x32xf32, #tpu.memory_space<vmem>>, %arg10: memref<8x128xf32, #tpu.memory_space<vmem>>, %arg11: memref<8x32xf32, #tpu.memory_space<vmem>>, %arg12: memref<128x128xf32, #tpu.memory_space<vmem_shared>>, %arg13: memref<128x32xf32, #tpu.memory_space<vmem_shared>>, %arg14: memref<!tpu.dma_semaphore, #tpu.memory_space<semaphore_mem>>, %arg15: memref<!tpu.dma_semaphore, #tpu.memory_space<semaphore_mem>>) attributes {dimension_semantics = [#tpu.dimension_semantics<core_parallel>, #tpu.dimension_semantics<subcore_parallel>], iteration_bounds = array<i64: 2, 16>, scalar_prefetch = 0 : i64, scratch_operands = 10 : i64, tpu.core_type = #tpu.core_type<sc_vector_subcore>, window_params = [{transform_indices = #map}, {transform_indices = #map1}, {transform_indices = #map2}, {transform_indices = #map2}]} {
    %mul3A = arith.constant 16 : i32
    %mul3A_0 = arith.muli %arg0, %mul3A : i32
    %add3A = arith.addi %mul3A_0, %arg1 : i32
    %mul3A_1 = arith.constant 128 : i32
    %mul3A_2 = arith.muli %add3A, %mul3A_1 : i32
    %add3A_3 = arith.constant 0 : i32
    %add3A_4 = arith.addi %mul3A_2, %add3A_3 : i32
    %dma_start3A = arith.constant 0 : i32
    %dma_start3A_5 = arith.constant 0 : i32
    %dma_start3A_6 = arith.constant 0 : i32
    %dma_start3A_7 = tpu.memref_slice %arg6[%dma_start3A, %dma_start3A_5, %dma_start3A_6] : memref<2x64x128xf32, #tpu.memory_space<vmem>> -> memref<1x64x128xf32, #tpu.memory_space<vmem>>
    %dma_start3A_8 = tpu.memref_squeeze %dma_start3A_7 : memref<1x64x128xf32, #tpu.memory_space<vmem>> -> memref<64x128xf32, #tpu.memory_space<vmem>>
    %dma_start3A_9 = arith.constant 0 : i32
    %dma_start3A_10 = tpu.memref_slice %arg2[%add3A_4, %dma_start3A_9] : memref<16384x128xf32, #tpu.memory_space<hbm>> -> memref<64x128xf32, #tpu.memory_space<hbm>>
    %dma_start3A_11 = arith.constant 0 : i32
    %dma_start3A_12 = arith.constant 0 : i32
    %dma_start3A_13 = tpu.memref_slice %arg6[%dma_start3A, %dma_start3A_11, %dma_start3A_12] : memref<2x64x128xf32, #tpu.memory_space<vmem>> -> memref<1x64x128xf32, #tpu.memory_space<vmem>>
    %dma_start3A_14 = tpu.memref_squeeze %dma_start3A_13 : memref<1x64x128xf32, #tpu.memory_space<vmem>> -> memref<64x128xf32, #tpu.memory_space<vmem>>
    %dma_start3A_15 = arith.constant 0 : i32
    %dma_start3A_16 = tpu.memref_slice %arg2[%add3A_4, %dma_start3A_15] : memref<16384x128xf32, #tpu.memory_space<hbm>> -> memref<64x128xf32, #tpu.memory_space<hbm>>
    tpu.enqueue_dma source(%dma_start3A_16 : memref<64x128xf32, #tpu.memory_space<hbm>>) target(%dma_start3A_14 : memref<64x128xf32, #tpu.memory_space<vmem>>) target_semaphore(%arg14 : memref<!tpu.dma_semaphore, #tpu.memory_space<semaphore_mem>>)
    %add3A_17 = arith.constant 64 : i32
    %add3A_18 = arith.addi %mul3A_2, %add3A_17 : i32
    %dma_start3A_19 = arith.constant 1 : i32
    %dma_start3A_20 = arith.constant 0 : i32
    %dma_start3A_21 = arith.constant 0 : i32
    %dma_start3A_22 = tpu.memref_slice %arg6[%dma_start3A_19, %dma_start3A_20, %dma_start3A_21] : memref<2x64x128xf32, #tpu.memory_space<vmem>> -> memref<1x64x128xf32, #tpu.memory_space<vmem>>
    %dma_start3A_23 = tpu.memref_squeeze %dma_start3A_22 : memref<1x64x128xf32, #tpu.memory_space<vmem>> -> memref<64x128xf32, #tpu.memory_space<vmem>>
    %dma_start3A_24 = arith.constant 0 : i32
    %dma_start3A_25 = tpu.memref_slice %arg2[%add3A_18, %dma_start3A_24] : memref<16384x128xf32, #tpu.memory_space<hbm>> -> memref<64x128xf32, #tpu.memory_space<hbm>>
    %dma_start3A_26 = arith.constant 0 : i32
    %dma_start3A_27 = arith.constant 0 : i32
    %dma_start3A_28 = tpu.memref_slice %arg6[%dma_start3A_19, %dma_start3A_26, %dma_start3A_27] : memref<2x64x128xf32, #tpu.memory_space<vmem>> -> memref<1x64x128xf32, #tpu.memory_space<vmem>>
    %dma_start3A_29 = tpu.memref_squeeze %dma_start3A_28 : memref<1x64x128xf32, #tpu.memory_space<vmem>> -> memref<64x128xf32, #tpu.memory_space<vmem>>
    %dma_start3A_30 = arith.constant 0 : i32
    %dma_start3A_31 = tpu.memref_slice %arg2[%add3A_18, %dma_start3A_30] : memref<16384x128xf32, #tpu.memory_space<hbm>> -> memref<64x128xf32, #tpu.memory_space<hbm>>
    tpu.enqueue_dma source(%dma_start3A_31 : memref<64x128xf32, #tpu.memory_space<hbm>>) target(%dma_start3A_29 : memref<64x128xf32, #tpu.memory_space<vmem>>) target_semaphore(%arg14 : memref<!tpu.dma_semaphore, #tpu.memory_space<semaphore_mem>>)
    %broadcast_in_dim3A = arith.constant 0.000000e+00 : f32
    %broadcast_in_dim3A_32 = vector.broadcast %broadcast_in_dim3A : f32 to vector<16xf32>
    %swap3A = arith.constant 0 : i32
    %swap3A_33 = arith.index_cast %swap3A : i32 to index
    %swap3A_34 = arith.constant 0 : index
    %swap3A_35 = tpu.vector_load %arg10[%swap3A_33, %swap3A_34] {strides = array<i32>} : memref<8x128xf32, #tpu.memory_space<vmem>>, vector<1x16xf32>,
    %swap3A_36 = vector.shape_cast %swap3A_35 : vector<1x16xf32> to vector<16xf32>
    %swap3A_37 = vector.shape_cast %broadcast_in_dim3A_32 : vector<16xf32> to vector<1x16xf32>
    tpu.vector_store %arg10[%swap3A_33, %swap3A_34], %swap3A_37 {strides = array<i32>} : memref<8x128xf32, #tpu.memory_space<vmem>>, vector<1x16xf32>,
    %swap3A_38 = arith.constant 0 : i32
    %swap3A_39 = arith.index_cast %swap3A_38 : i32 to index
    %swap3A_40 = arith.constant 16 : index
    %swap3A_41 = tpu.vector_load %arg10[%swap3A_39, %swap3A_40] {strides = array<i32>} : memref<8x128xf32, #tpu.memory_space<vmem>>, vector<1x16xf32>,
    %swap3A_42 = vector.shape_cast %swap3A_41 : vector<1x16xf32> to vector<16xf32>
    %swap3A_43 = vector.shape_cast %broadcast_in_dim3A_32 : vector<16xf32> to vector<1x16xf32>
    tpu.vector_store %arg10[%swap3A_39, %swap3A_40], %swap3A_43 {strides = array<i32>} : memref<8x128xf32, #tpu.memory_space<vmem>>, vector<1x16xf32>,
    %swap3A_44 = arith.constant 0 : i32
    %swap3A_45 = arith.index_cast %swap3A_44 : i32 to index
    %swap3A_46 = arith.constant 32 : index
    %swap3A_47 = tpu.vector_load %arg10[%swap3A_45, %swap3A_46] {strides = array<i32>} : memref<8x128xf32, #tpu.memory_space<vmem>>, vector<1x16xf32>,
    %swap3A_48 = vector.shape_cast %swap3A_47 : vector<1x16xf32> to vector<16xf32>
    %swap3A_49 = vector.shape_cast %broadcast_in_dim3A_32 : vector<16xf32> to vector<1x16xf32>
    tpu.vector_store %arg10[%swap3A_45, %swap3A_46], %swap3A_49 {strides = array<i32>} : memref<8x128xf32, #tpu.memory_space<vmem>>, vector<1x16xf32>,
    %swap3A_50 = arith.constant 0 : i32
    %swap3A_51 = arith.index_cast %swap3A_50 : i32 to index
    %swap3A_52 = arith.constant 48 : index
    %swap3A_53 = tpu.vector_load %arg10[%swap3A_51, %swap3A_52] {strides = array<i32>} : memref<8x128xf32, #tpu.memory_space<vmem>>, vector<1x16xf32>,
    %swap3A_54 = vector.shape_cast %swap3A_53 : vector<1x16xf32> to vector<16xf32>
    %swap3A_55 = vector.shape_cast %broadcast_in_dim3A_32 : vector<16xf32> to vector<1x16xf32>
    tpu.vector_store %arg10[%swap3A_51, %swap3A_52], %swap3A_55 {strides = array<i32>} : memref<8x128xf32, #tpu.memory_space<vmem>>, vector<1x16xf32>,
    %swap3A_56 = arith.constant 0 : i32
    %swap3A_57 = arith.index_cast %swap3A_56 : i32 to index
    %swap3A_58 = arith.constant 64 : index
    %swap3A_59 = tpu.vector_load %arg10[%swap3A_57, %swap3A_58] {strides = array<i32>} : memref<8x128xf32, #tpu.memory_space<vmem>>, vector<1x16xf32>,
    %swap3A_60 = vector.shape_cast %swap3A_59 : vector<1x16xf32> to vector<16xf32>
    %swap3A_61 = vector.shape_cast %broadcast_in_dim3A_32 : vector<16xf32> to vector<1x16xf32>
    tpu.vector_store %arg10[%swap3A_57, %swap3A_58], %swap3A_61 {strides = array<i32>} : memref<8x128xf32, #tpu.memory_space<vmem>>, vector<1x16xf32>,
    %swap3A_62 = arith.constant 0 : i32
    %swap3A_63 = arith.index_cast %swap3A_62 : i32 to index
    %swap3A_64 = arith.constant 80 : index
    %swap3A_65 = tpu.vector_load %arg10[%swap3A_63, %swap3A_64] {strides = array<i32>} : memref<8x128xf32, #tpu.memory_space<vmem>>, vector<1x16xf32>,
    %swap3A_66 = vector.shape_cast %swap3A_65 : vector<1x16xf32> to vector<16xf32>
    %swap3A_67 = vector.shape_cast %broadcast_in_dim3A_32 : vector<16xf32> to vector<1x16xf32>
    tpu.vector_store %arg10[%swap3A_63, %swap3A_64], %swap3A_67 {strides = array<i32>} : memref<8x128xf32, #tpu.memory_space<vmem>>, vector<1x16xf32>,
    %swap3A_68 = arith.constant 0 : i32
    %swap3A_69 = arith.index_cast %swap3A_68 : i32 to index
    %swap3A_70 = arith.constant 96 : index
    %swap3A_71 = tpu.vector_load %arg10[%swap3A_69, %swap3A_70] {strides = array<i32>} : memref<8x128xf32, #tpu.memory_space<vmem>>, vector<1x16xf32>,
    %swap3A_72 = vector.shape_cast %swap3A_71 : vector<1x16xf32> to vector<16xf32>
    %swap3A_73 = vector.shape_cast %broadcast_in_dim3A_32 : vector<16xf32> to vector<1x16xf32>
    tpu.vector_store %arg10[%swap3A_69, %swap3A_70], %swap3A_73 {strides = array<i32>} : memref<8x128xf32, #tpu.memory_space<vmem>>, vector<1x16xf32>,
    %swap3A_74 = arith.constant 0 : i32
    %swap3A_75 = arith.index_cast %swap3A_74 : i32 to index
    %swap3A_76 = arith.constant 112 : index
    %swap3A_77 = tpu.vector_load %arg10[%swap3A_75, %swap3A_76] {strides = array<i32>} : memref<8x128xf32, #tpu.memory_space<vmem>>, vector<1x16xf32>,
    %swap3A_78 = vector.shape_cast %swap3A_77 : vector<1x16xf32> to vector<16xf32>
    %swap3A_79 = vector.shape_cast %broadcast_in_dim3A_32 : vector<16xf32> to vector<1x16xf32>
    tpu.vector_store %arg10[%swap3A_75, %swap3A_76], %swap3A_79 {strides = array<i32>} : memref<8x128xf32, #tpu.memory_space<vmem>>, vector<1x16xf32>,
    %swap3A_80 = arith.constant 0 : i32
    %swap3A_81 = arith.index_cast %swap3A_80 : i32 to index
    %swap3A_82 = arith.constant 0 : index
    %swap3A_83 = tpu.vector_load %arg11[%swap3A_81, %swap3A_82] {strides = array<i32>} : memref<8x32xf32, #tpu.memory_space<vmem>>, vector<1x16xf32>,
    %swap3A_84 = vector.shape_cast %swap3A_83 : vector<1x16xf32> to vector<16xf32>
    %swap3A_85 = vector.shape_cast %broadcast_in_dim3A_32 : vector<16xf32> to vector<1x16xf32>
    tpu.vector_store %arg11[%swap3A_81, %swap3A_82], %swap3A_85 {strides = array<i32>} : memref<8x32xf32, #tpu.memory_space<vmem>>, vector<1x16xf32>,
    %swap3A_86 = arith.constant 0 : i32
    %swap3A_87 = arith.index_cast %swap3A_86 : i32 to index
    %swap3A_88 = arith.constant 16 : index
    %swap3A_89 = tpu.vector_load %arg11[%swap3A_87, %swap3A_88] {strides = array<i32>} : memref<8x32xf32, #tpu.memory_space<vmem>>, vector<1x16xf32>,
    %swap3A_90 = vector.shape_cast %swap3A_89 : vector<1x16xf32> to vector<16xf32>
    %swap3A_91 = vector.shape_cast %broadcast_in_dim3A_32 : vector<16xf32> to vector<1x16xf32>
    tpu.vector_store %arg11[%swap3A_87, %swap3A_88], %swap3A_91 {strides = array<i32>} : memref<8x32xf32, #tpu.memory_space<vmem>>, vector<1x16xf32>,
    %swap3A_92 = arith.constant 1 : i32
    %swap3A_93 = arith.index_cast %swap3A_92 : i32 to index
    %swap3A_94 = arith.constant 0 : index
    %swap3A_95 = tpu.vector_load %arg10[%swap3A_93, %swap3A_94] {strides = array<i32>} : memref<8x128xf32, #tpu.memory_space<vmem>>, vector<1x16xf32>,
    %swap3A_96 = vector.shape_cast %swap3A_95 : vector<1x16xf32> to vector<16xf32>
    %swap3A_97 = vector.shape_cast %broadcast_in_dim3A_32 : vector<16xf32> to vector<1x16xf32>
    tpu.vector_store %arg10[%swap3A_93, %swap3A_94], %swap3A_97 {strides = array<i32>} : memref<8x128xf32, #tpu.memory_space<vmem>>, vector<1x16xf32>,
    %swap3A_98 = arith.constant 1 : i32
    %swap3A_99 = arith.index_cast %swap3A_98 : i32 to index
    %swap3A_100 = arith.constant 16 : index
    %swap3A_101 = tpu.vector_load %arg10[%swap3A_99, %swap3A_100] {strides = array<i32>} : memref<8x128xf32, #tpu.memory_space<vmem>>, vector<1x16xf32>,
    %swap3A_102 = vector.shape_cast %swap3A_101 : vector<1x16xf32> to vector<16xf32>
    %swap3A_103 = vector.shape_cast %broadcast_in_dim3A_32 : vector<16xf32> to vector<1x16xf32>
    tpu.vector_store %arg10[%swap3A_99, %swap3A_100], %swap3A_103 {strides = array<i32>} : memref<8x128xf32, #tpu.memory_space<vmem>>, vector<1x16xf32>,
    %swap3A_104 = arith.constant 1 : i32
    %swap3A_105 = arith.index_cast %swap3A_104 : i32 to index
    %swap3A_106 = arith.constant 32 : index
    %swap3A_107 = tpu.vector_load %arg10[%swap3A_105, %swap3A_106] {strides = array<i32>} : memref<8x128xf32, #tpu.memory_space<vmem>>, vector<1x16xf32>,
    %swap3A_108 = vector.shape_cast %swap3A_107 : vector<1x16xf32> to vector<16xf32>
    %swap3A_109 = vector.shape_cast %broadcast_in_dim3A_32 : vector<16xf32> to vector<1x16xf32>
    tpu.vector_store %arg10[%swap3A_105, %swap3A_106], %swap3A_109 {strides = array<i32>} : memref<8x128xf32, #tpu.memory_space<vmem>>, vector<1x16xf32>,
    %swap3A_110 = arith.constant 1 : i32
    %swap3A_111 = arith.index_cast %swap3A_110 : i32 to index
    %swap3A_112 = arith.constant 48 : index
    %swap3A_113 = tpu.vector_load %arg10[%swap3A_111, %swap3A_112] {strides = array<i32>} : memref<8x128xf32, #tpu.memory_space<vmem>>, vector<1x16xf32>,
    %swap3A_114 = vector.shape_cast %swap3A_113 : vector<1x16xf32> to vector<16xf32>
    %swap3A_115 = vector.shape_cast %broadcast_in_dim3A_32 : vector<16xf32> to vector<1x16xf32>
    tpu.vector_store %arg10[%swap3A_111, %swap3A_112], %swap3A_115 {strides = array<i32>} : memref<8x128xf32, #tpu.memory_space<vmem>>, vector<1x16xf32>,
    %swap3A_116 = arith.constant 1 : i32
    %swap3A_117 = arith.index_cast %swap3A_116 : i32 to index
    %swap3A_118 = arith.constant 64 : index
    %swap3A_119 = tpu.vector_load %arg10[%swap3A_117, %swap3A_118] {strides = array<i32>} : memref<8x128xf32, #tpu.memory_space<vmem>>, vector<1x16xf32>,
    %swap3A_120 = vector.shape_cast %swap3A_119 : vector<1x16xf32> to vector<16xf32>
    %swap3A_121 = vector.shape_cast %broadcast_in_dim3A_32 : vector<16xf32> to vector<1x16xf32>
    tpu.vector_store %arg10[%swap3A_117, %swap3A_118], %swap3A_121 {strides = array<i32>} : memref<8x128xf32, #tpu.memory_space<vmem>>, vector<1x16xf32>,
    %swap3A_122 = arith.constant 1 : i32
    %swap3A_123 = arith.index_cast %swap3A_122 : i32 to index
    %swap3A_124 = arith.constant 80 : index
    %swap3A_125 = tpu.vector_load %arg10[%swap3A_123, %swap3A_124] {strides = array<i32>} : memref<8x128xf32, #tpu.memory_space<vmem>>, vector<1x16xf32>,
    %swap3A_126 = vector.shape_cast %swap3A_125 : vector<1x16xf32> to vector<16xf32>
    %swap3A_127 = vector.shape_cast %broadcast_in_dim3A_32 : vector<16xf32> to vector<1x16xf32>
    tpu.vector_store %arg10[%swap3A_123, %swap3A_124], %swap3A_127 {strides = array<i32>} : memref<8x128xf32, #tpu.memory_space<vmem>>, vector<1x16xf32>,
    %swap3A_128 = arith.constant 1 : i32
    %swap3A_129 = arith.index_cast %swap3A_128 : i32 to index
    %swap3A_130 = arith.constant 96 : index
    %swap3A_131 = tpu.vector_load %arg10[%swap3A_129, %swap3A_130] {strides = array<i32>} : memref<8x128xf32, #tpu.memory_space<vmem>>, vector<1x16xf32>,
    %swap3A_132 = vector.shape_cast %swap3A_131 : vector<1x16xf32> to vector<16xf32>
    %swap3A_133 = vector.shape_cast %broadcast_in_dim3A_32 : vector<16xf32> to vector<1x16xf32>
    tpu.vector_store %arg10[%swap3A_129, %swap3A_130], %swap3A_133 {strides = array<i32>} : memref<8x128xf32, #tpu.memory_space<vmem>>, vector<1x16xf32>,
    %swap3A_134 = arith.constant 1 : i32
    %swap3A_135 = arith.index_cast %swap3A_134 : i32 to index
    %swap3A_136 = arith.constant 112 : index
    %swap3A_137 = tpu.vector_load %arg10[%swap3A_135, %swap3A_136] {strides = array<i32>} : memref<8x128xf32, #tpu.memory_space<vmem>>, vector<1x16xf32>,
    %swap3A_138 = vector.shape_cast %swap3A_137 : vector<1x16xf32> to vector<16xf32>
    %swap3A_139 = vector.shape_cast %broadcast_in_dim3A_32 : vector<16xf32> to vector<1x16xf32>
    tpu.vector_store %arg10[%swap3A_135, %swap3A_136], %swap3A_139 {strides = array<i32>} : memref<8x128xf32, #tpu.memory_space<vmem>>, vector<1x16xf32>,
    %swap3A_140 = arith.constant 1 : i32
    %swap3A_141 = arith.index_cast %swap3A_140 : i32 to index
    %swap3A_142 = arith.constant 0 : index
    %swap3A_143 = tpu.vector_load %arg11[%swap3A_141, %swap3A_142] {strides = array<i32>} : memref<8x32xf32, #tpu.memory_space<vmem>>, vector<1x16xf32>,
    %swap3A_144 = vector.shape_cast %swap3A_143 : vector<1x16xf32> to vector<16xf32>
    %swap3A_145 = vector.shape_cast %broadcast_in_dim3A_32 : vector<16xf32> to vector<1x16xf32>
    tpu.vector_store %arg11[%swap3A_141, %swap3A_142], %swap3A_145 {strides = array<i32>} : memref<8x32xf32, #tpu.memory_space<vmem>>, vector<1x16xf32>,
    %swap3A_146 = arith.constant 1 : i32
    %swap3A_147 = arith.index_cast %swap3A_146 : i32 to index
    %swap3A_148 = arith.constant 16 : index
    %swap3A_149 = tpu.vector_load %arg11[%swap3A_147, %swap3A_148] {strides = array<i32>} : memref<8x32xf32, #tpu.memory_space<vmem>>, vector<1x16xf32>,
    %swap3A_150 = vector.shape_cast %swap3A_149 : vector<1x16xf32> to vector<16xf32>
    %swap3A_151 = vector.shape_cast %broadcast_in_dim3A_32 : vector<16xf32> to vector<1x16xf32>
    tpu.vector_store %arg11[%swap3A_147, %swap3A_148], %swap3A_151 {strides = array<i32>} : memref<8x32xf32, #tpu.memory_space<vmem>>, vector<1x16xf32>,
    %swap3A_152 = arith.constant 2 : i32
    %swap3A_153 = arith.index_cast %swap3A_152 : i32 to index
    %swap3A_154 = arith.constant 0 : index
    %swap3A_155 = tpu.vector_load %arg10[%swap3A_153, %swap3A_154] {strides = array<i32>} : memref<8x128xf32, #tpu.memory_space<vmem>>, vector<1x16xf32>,
    %swap3A_156 = vector.shape_cast %swap3A_155 : vector<1x16xf32> to vector<16xf32>
    %swap3A_157 = vector.shape_cast %broadcast_in_dim3A_32 : vector<16xf32> to vector<1x16xf32>
    tpu.vector_store %arg10[%swap3A_153, %swap3A_154], %swap3A_157 {strides = array<i32>} : memref<8x128xf32, #tpu.memory_space<vmem>>, vector<1x16xf32>,
    %swap3A_158 = arith.constant 2 : i32
    %swap3A_159 = arith.index_cast %swap3A_158 : i32 to index
    %swap3A_160 = arith.constant 16 : index
    %swap3A_161 = tpu.vector_load %arg10[%swap3A_159, %swap3A_160] {strides = array<i32>} : memref<8x128xf32, #tpu.memory_space<vmem>>, vector<1x16xf32>,
    %swap3A_162 = vector.shape_cast %swap3A_161 : vector<1x16xf32> to vector<16xf32>
    %swap3A_163 = vector.shape_cast %broadcast_in_dim3A_32 : vector<16xf32> to vector<1x16xf32>
    tpu.vector_store %arg10[%swap3A_159, %swap3A_160], %swap3A_163 {strides = array<i32>} : memref<8x128xf32, #tpu.memory_space<vmem>>, vector<1x16xf32>,
    %swap3A_164 = arith.constant 2 : i32
    %swap3A_165 = arith.index_cast %swap3A_164 : i32 to index
    %swap3A_166 = arith.constant 32 : index
    %swap3A_167 = tpu.vector_load %arg10[%swap3A_165, %swap3A_166] {strides = array<i32>} : memref<8x128xf32, #tpu.memory_space<vmem>>, vector<1x16xf32>,
    %swap3A_168 = vector.shape_cast %swap3A_167 : vector<1x16xf32> to vector<16xf32>
    %swap3A_169 = vector.shape_cast %broadcast_in_dim3A_32 : vector<16xf32> to vector<1x16xf32>
    tpu.vector_store %arg10[%swap3A_165, %swap3A_166], %swap3A_169 {strides = array<i32>} : memref<8x128xf32, #tpu.memory_space<vmem>>, vector<1x16xf32>,
    %swap3A_170 = arith.constant 2 : i32
    %swap3A_171 = arith.index_cast %swap3A_170 : i32 to index
    %swap3A_172 = arith.constant 48 : index
    %swap3A_173 = tpu.vector_load %arg10[%swap3A_171, %swap3A_172] {strides = array<i32>} : memref<8x128xf32, #tpu.memory_space<vmem>>, vector<1x16xf32>,
    %swap3A_174 = vector.shape_cast %swap3A_173 : vector<1x16xf32> to vector<16xf32>
    %swap3A_175 = vector.shape_cast %broadcast_in_dim3A_32 : vector<16xf32> to vector<1x16xf32>
    tpu.vector_store %arg10[%swap3A_171, %swap3A_172], %swap3A_175 {strides = array<i32>} : memref<8x128xf32, #tpu.memory_space<vmem>>, vector<1x16xf32>,
    %swap3A_176 = arith.constant 2 : i32
    %swap3A_177 = arith.index_cast %swap3A_176 : i32 to index
    %swap3A_178 = arith.constant 64 : index
    %swap3A_179 = tpu.vector_load %arg10[%swap3A_177, %swap3A_178] {strides = array<i32>} : memref<8x128xf32, #tpu.memory_space<vmem>>, vector<1x16xf32>,
    %swap3A_180 = vector.shape_cast %swap3A_179 : vector<1x16xf32> to vector<16xf32>
    %swap3A_181 = vector.shape_cast %broadcast_in_dim3A_32 : vector<16xf32> to vector<1x16xf32>
    tpu.vector_store %arg10[%swap3A_177, %swap3A_178], %swap3A_181 {strides = array<i32>} : memref<8x128xf32, #tpu.memory_space<vmem>>, vector<1x16xf32>,
    %swap3A_182 = arith.constant 2 : i32
    %swap3A_183 = arith.index_cast %swap3A_182 : i32 to index
    %swap3A_184 = arith.constant 80 : index
    %swap3A_185 = tpu.vector_load %arg10[%swap3A_183, %swap3A_184] {strides = array<i32>} : memref<8x128xf32, #tpu.memory_space<vmem>>, vector<1x16xf32>,
    %swap3A_186 = vector.shape_cast %swap3A_185 : vector<1x16xf32> to vector<16xf32>
    %swap3A_187 = vector.shape_cast %broadcast_in_dim3A_32 : vector<16xf32> to vector<1x16xf32>
    tpu.vector_store %arg10[%swap3A_183, %swap3A_184], %swap3A_187 {strides = array<i32>} : memref<8x128xf32, #tpu.memory_space<vmem>>, vector<1x16xf32>,
    %swap3A_188 = arith.constant 2 : i32
    %swap3A_189 = arith.index_cast %swap3A_188 : i32 to index
    %swap3A_190 = arith.constant 96 : index
    %swap3A_191 = tpu.vector_load %arg10[%swap3A_189, %swap3A_190] {strides = array<i32>} : memref<8x128xf32, #tpu.memory_space<vmem>>, vector<1x16xf32>,
    %swap3A_192 = vector.shape_cast %swap3A_191 : vector<1x16xf32> to vector<16xf32>
    %swap3A_193 = vector.shape_cast %broadcast_in_dim3A_32 : vector<16xf32> to vector<1x16xf32>
    tpu.vector_store %arg10[%swap3A_189, %swap3A_190], %swap3A_193 {strides = array<i32>} : memref<8x128xf32, #tpu.memory_space<vmem>>, vector<1x16xf32>,
    %swap3A_194 = arith.constant 2 : i32
    %swap3A_195 = arith.index_cast %swap3A_194 : i32 to index
    %swap3A_196 = arith.constant 112 : index
    %swap3A_197 = tpu.vector_load %arg10[%swap3A_195, %swap3A_196] {strides = array<i32>} : memref<8x128xf32, #tpu.memory_space<vmem>>, vector<1x16xf32>,
    %swap3A_198 = vector.shape_cast %swap3A_197 : vector<1x16xf32> to vector<16xf32>
    %swap3A_199 = vector.shape_cast %broadcast_in_dim3A_32 : vector<16xf32> to vector<1x16xf32>
    tpu.vector_store %arg10[%swap3A_195, %swap3A_196], %swap3A_199 {strides = array<i32>} : memref<8x128xf32, #tpu.memory_space<vmem>>, vector<1x16xf32>,
    %swap3A_200 = arith.constant 2 : i32
    %swap3A_201 = arith.index_cast %swap3A_200 : i32 to index
    %swap3A_202 = arith.constant 0 : index
    %swap3A_203 = tpu.vector_load %arg11[%swap3A_201, %swap3A_202] {strides = array<i32>} : memref<8x32xf32, #tpu.memory_space<vmem>>, vector<1x16xf32>,
    %swap3A_204 = vector.shape_cast %swap3A_203 : vector<1x16xf32> to vector<16xf32>
    %swap3A_205 = vector.shape_cast %broadcast_in_dim3A_32 : vector<16xf32> to vector<1x16xf32>
    tpu.vector_store %arg11[%swap3A_201, %swap3A_202], %swap3A_205 {strides = array<i32>} : memref<8x32xf32, #tpu.memory_space<vmem>>, vector<1x16xf32>,
    %swap3A_206 = arith.constant 2 : i32
    %swap3A_207 = arith.index_cast %swap3A_206 : i32 to index
    %swap3A_208 = arith.constant 16 : index
    %swap3A_209 = tpu.vector_load %arg11[%swap3A_207, %swap3A_208] {strides = array<i32>} : memref<8x32xf32, #tpu.memory_space<vmem>>, vector<1x16xf32>,
    %swap3A_210 = vector.shape_cast %swap3A_209 : vector<1x16xf32> to vector<16xf32>
    %swap3A_211 = vector.shape_cast %broadcast_in_dim3A_32 : vector<16xf32> to vector<1x16xf32>
    tpu.vector_store %arg11[%swap3A_207, %swap3A_208], %swap3A_211 {strides = array<i32>} : memref<8x32xf32, #tpu.memory_space<vmem>>, vector<1x16xf32>,
    %swap3A_212 = arith.constant 3 : i32
    %swap3A_213 = arith.index_cast %swap3A_212 : i32 to index
    %swap3A_214 = arith.constant 0 : index
    %swap3A_215 = tpu.vector_load %arg10[%swap3A_213, %swap3A_214] {strides = array<i32>} : memref<8x128xf32, #tpu.memory_space<vmem>>, vector<1x16xf32>,
    %swap3A_216 = vector.shape_cast %swap3A_215 : vector<1x16xf32> to vector<16xf32>
    %swap3A_217 = vector.shape_cast %broadcast_in_dim3A_32 : vector<16xf32> to vector<1x16xf32>
    tpu.vector_store %arg10[%swap3A_213, %swap3A_214], %swap3A_217 {strides = array<i32>} : memref<8x128xf32, #tpu.memory_space<vmem>>, vector<1x16xf32>,
    %swap3A_218 = arith.constant 3 : i32
    %swap3A_219 = arith.index_cast %swap3A_218 : i32 to index
    %swap3A_220 = arith.constant 16 : index
    %swap3A_221 = tpu.vector_load %arg10[%swap3A_219, %swap3A_220] {strides = array<i32>} : memref<8x128xf32, #tpu.memory_space<vmem>>, vector<1x16xf32>,
    %swap3A_222 = vector.shape_cast %swap3A_221 : vector<1x16xf32> to vector<16xf32>
    %swap3A_223 = vector.shape_cast %broadcast_in_dim3A_32 : vector<16xf32> to vector<1x16xf32>
    tpu.vector_store %arg10[%swap3A_219, %swap3A_220], %swap3A_223 {strides = array<i32>} : memref<8x128xf32, #tpu.memory_space<vmem>>, vector<1x16xf32>,
    %swap3A_224 = arith.constant 3 : i32
    %swap3A_225 = arith.index_cast %swap3A_224 : i32 to index
    %swap3A_226 = arith.constant 32 : index
    %swap3A_227 = tpu.vector_load %arg10[%swap3A_225, %swap3A_226] {strides = array<i32>} : memref<8x128xf32, #tpu.memory_space<vmem>>, vector<1x16xf32>,
    %swap3A_228 = vector.shape_cast %swap3A_227 : vector<1x16xf32> to vector<16xf32>
    %swap3A_229 = vector.shape_cast %broadcast_in_dim3A_32 : vector<16xf32> to vector<1x16xf32>
    tpu.vector_store %arg10[%swap3A_225, %swap3A_226], %swap3A_229 {strides = array<i32>} : memref<8x128xf32, #tpu.memory_space<vmem>>, vector<1x16xf32>,
    %swap3A_230 = arith.constant 3 : i32
    %swap3A_231 = arith.index_cast %swap3A_230 : i32 to index
    %swap3A_232 = arith.constant 48 : index
    %swap3A_233 = tpu.vector_load %arg10[%swap3A_231, %swap3A_232] {strides = array<i32>} : memref<8x128xf32, #tpu.memory_space<vmem>>, vector<1x16xf32>,
    %swap3A_234 = vector.shape_cast %swap3A_233 : vector<1x16xf32> to vector<16xf32>
    %swap3A_235 = vector.shape_cast %broadcast_in_dim3A_32 : vector<16xf32> to vector<1x16xf32>
    tpu.vector_store %arg10[%swap3A_231, %swap3A_232], %swap3A_235 {strides = array<i32>} : memref<8x128xf32, #tpu.memory_space<vmem>>, vector<1x16xf32>,
    %swap3A_236 = arith.constant 3 : i32
    %swap3A_237 = arith.index_cast %swap3A_236 : i32 to index
    %swap3A_238 = arith.constant 64 : index
    %swap3A_239 = tpu.vector_load %arg10[%swap3A_237, %swap3A_238] {strides = array<i32>} : memref<8x128xf32, #tpu.memory_space<vmem>>, vector<1x16xf32>,
    %swap3A_240 = vector.shape_cast %swap3A_239 : vector<1x16xf32> to vector<16xf32>
    %swap3A_241 = vector.shape_cast %broadcast_in_dim3A_32 : vector<16xf32> to vector<1x16xf32>
    tpu.vector_store %arg10[%swap3A_237, %swap3A_238], %swap3A_241 {strides = array<i32>} : memref<8x128xf32, #tpu.memory_space<vmem>>, vector<1x16xf32>,
    %swap3A_242 = arith.constant 3 : i32
    %swap3A_243 = arith.index_cast %swap3A_242 : i32 to index
    %swap3A_244 = arith.constant 80 : index
    %swap3A_245 = tpu.vector_load %arg10[%swap3A_243, %swap3A_244] {strides = array<i32>} : memref<8x128xf32, #tpu.memory_space<vmem>>, vector<1x16xf32>,
    %swap3A_246 = vector.shape_cast %swap3A_245 : vector<1x16xf32> to vector<16xf32>
    %swap3A_247 = vector.shape_cast %broadcast_in_dim3A_32 : vector<16xf32> to vector<1x16xf32>
    tpu.vector_store %arg10[%swap3A_243, %swap3A_244], %swap3A_247 {strides = array<i32>} : memref<8x128xf32, #tpu.memory_space<vmem>>, vector<1x16xf32>,
    %swap3A_248 = arith.constant 3 : i32
    %swap3A_249 = arith.index_cast %swap3A_248 : i32 to index
    %swap3A_250 = arith.constant 96 : index
    %swap3A_251 = tpu.vector_load %arg10[%swap3A_249, %swap3A_250] {strides = array<i32>} : memref<8x128xf32, #tpu.memory_space<vmem>>, vector<1x16xf32>,
    %swap3A_252 = vector.shape_cast %swap3A_251 : vector<1x16xf32> to vector<16xf32>
    %swap3A_253 = vector.shape_cast %broadcast_in_dim3A_32 : vector<16xf32> to vector<1x16xf32>
    tpu.vector_store %arg10[%swap3A_249, %swap3A_250], %swap3A_253 {strides = array<i32>} : memref<8x128xf32, #tpu.memory_space<vmem>>, vector<1x16xf32>,
    %swap3A_254 = arith.constant 3 : i32
    %swap3A_255 = arith.index_cast %swap3A_254 : i32 to index
    %swap3A_256 = arith.constant 112 : index
    %swap3A_257 = tpu.vector_load %arg10[%swap3A_255, %swap3A_256] {strides = array<i32>} : memref<8x128xf32, #tpu.memory_space<vmem>>, vector<1x16xf32>,
    %swap3A_258 = vector.shape_cast %swap3A_257 : vector<1x16xf32> to vector<16xf32>
    %swap3A_259 = vector.shape_cast %broadcast_in_dim3A_32 : vector<16xf32> to vector<1x16xf32>
    tpu.vector_store %arg10[%swap3A_255, %swap3A_256], %swap3A_259 {strides = array<i32>} : memref<8x128xf32, #tpu.memory_space<vmem>>, vector<1x16xf32>,
    %swap3A_260 = arith.constant 3 : i32
    %swap3A_261 = arith.index_cast %swap3A_260 : i32 to index
    %swap3A_262 = arith.constant 0 : index
    %swap3A_263 = tpu.vector_load %arg11[%swap3A_261, %swap3A_262] {strides = array<i32>} : memref<8x32xf32, #tpu.memory_space<vmem>>, vector<1x16xf32>,
    %swap3A_264 = vector.shape_cast %swap3A_263 : vector<1x16xf32> to vector<16xf32>
    %swap3A_265 = vector.shape_cast %broadcast_in_dim3A_32 : vector<16xf32> to vector<1x16xf32>
    tpu.vector_store %arg11[%swap3A_261, %swap3A_262], %swap3A_265 {strides = array<i32>} : memref<8x32xf32, #tpu.memory_space<vmem>>, vector<1x16xf32>,
    %swap3A_266 = arith.constant 3 : i32
    %swap3A_267 = arith.index_cast %swap3A_266 : i32 to index
    %swap3A_268 = arith.constant 16 : index
    %swap3A_269 = tpu.vector_load %arg11[%swap3A_267, %swap3A_268] {strides = array<i32>} : memref<8x32xf32, #tpu.memory_space<vmem>>, vector<1x16xf32>,
    %swap3A_270 = vector.shape_cast %swap3A_269 : vector<1x16xf32> to vector<16xf32>
    %swap3A_271 = vector.shape_cast %broadcast_in_dim3A_32 : vector<16xf32> to vector<1x16xf32>
    tpu.vector_store %arg11[%swap3A_267, %swap3A_268], %swap3A_271 {strides = array<i32>} : memref<8x32xf32, #tpu.memory_space<vmem>>, vector<1x16xf32>,
    %swap3A_272 = arith.constant 4 : i32
    %swap3A_273 = arith.index_cast %swap3A_272 : i32 to index
    %swap3A_274 = arith.constant 0 : index
    %swap3A_275 = tpu.vector_load %arg10[%swap3A_273, %swap3A_274] {strides = array<i32>} : memref<8x128xf32, #tpu.memory_space<vmem>>, vector<1x16xf32>,
    %swap3A_276 = vector.shape_cast %swap3A_275 : vector<1x16xf32> to vector<16xf32>
    %swap3A_277 = vector.shape_cast %broadcast_in_dim3A_32 : vector<16xf32> to vector<1x16xf32>
    tpu.vector_store %arg10[%swap3A_273, %swap3A_274], %swap3A_277 {strides = array<i32>} : memref<8x128xf32, #tpu.memory_space<vmem>>, vector<1x16xf32>,
    %swap3A_278 = arith.constant 4 : i32
    %swap3A_279 = arith.index_cast %swap3A_278 : i32 to index
    %swap3A_280 = arith.constant 16 : index
    %swap3A_281 = tpu.vector_load %arg10[%swap3A_279, %swap3A_280] {strides = array<i32>} : memref<8x128xf32, #tpu.memory_space<vmem>>, vector<1x16xf32>,
    %swap3A_282 = vector.shape_cast %swap3A_281 : vector<1x16xf32> to vector<16xf32>
    %swap3A_283 = vector.shape_cast %broadcast_in_dim3A_32 : vector<16xf32> to vector<1x16xf32>
    tpu.vector_store %arg10[%swap3A_279, %swap3A_280], %swap3A_283 {strides = array<i32>} : memref<8x128xf32, #tpu.memory_space<vmem>>, vector<1x16xf32>,
    %swap3A_284 = arith.constant 4 : i32
    %swap3A_285 = arith.index_cast %swap3A_284 : i32 to index
    %swap3A_286 = arith.constant 32 : index
    %swap3A_287 = tpu.vector_load %arg10[%swap3A_285, %swap3A_286] {strides = array<i32>} : memref<8x128xf32, #tpu.memory_space<vmem>>, vector<1x16xf32>,
    %swap3A_288 = vector.shape_cast %swap3A_287 : vector<1x16xf32> to vector<16xf32>
    %swap3A_289 = vector.shape_cast %broadcast_in_dim3A_32 : vector<16xf32> to vector<1x16xf32>
    tpu.vector_store %arg10[%swap3A_285, %swap3A_286], %swap3A_289 {strides = array<i32>} : memref<8x128xf32, #tpu.memory_space<vmem>>, vector<1x16xf32>,
    %swap3A_290 = arith.constant 4 : i32
    %swap3A_291 = arith.index_cast %swap3A_290 : i32 to index
    %swap3A_292 = arith.constant 48 : index
    %swap3A_293 = tpu.vector_load %arg10[%swap3A_291, %swap3A_292] {strides = array<i32>} : memref<8x128xf32, #tpu.memory_space<vmem>>, vector<1x16xf32>,
    %swap3A_294 = vector.shape_cast %swap3A_293 : vector<1x16xf32> to vector<16xf32>
    %swap3A_295 = vector.shape_cast %broadcast_in_dim3A_32 : vector<16xf32> to vector<1x16xf32>
    tpu.vector_store %arg10[%swap3A_291, %swap3A_292], %swap3A_295 {strides = array<i32>} : memref<8x128xf32, #tpu.memory_space<vmem>>, vector<1x16xf32>,
    %swap3A_296 = arith.constant 4 : i32
    %swap3A_297 = arith.index_cast %swap3A_296 : i32 to index
    %swap3A_298 = arith.constant 64 : index
    %swap3A_299 = tpu.vector_load %arg10[%swap3A_297, %swap3A_298] {strides = array<i32>} : memref<8x128xf32, #tpu.memory_space<vmem>>, vector<1x16xf32>,
    %swap3A_300 = vector.shape_cast %swap3A_299 : vector<1x16xf32> to vector<16xf32>
    %swap3A_301 = vector.shape_cast %broadcast_in_dim3A_32 : vector<16xf32> to vector<1x16xf32>
    tpu.vector_store %arg10[%swap3A_297, %swap3A_298], %swap3A_301 {strides = array<i32>} : memref<8x128xf32, #tpu.memory_space<vmem>>, vector<1x16xf32>,
    %swap3A_302 = arith.constant 4 : i32
    %swap3A_303 = arith.index_cast %swap3A_302 : i32 to index
    %swap3A_304 = arith.constant 80 : index
    %swap3A_305 = tpu.vector_load %arg10[%swap3A_303, %swap3A_304] {strides = array<i32>} : memref<8x128xf32, #tpu.memory_space<vmem>>, vector<1x16xf32>,
    %swap3A_306 = vector.shape_cast %swap3A_305 : vector<1x16xf32> to vector<16xf32>
    %swap3A_307 = vector.shape_cast %broadcast_in_dim3A_32 : vector<16xf32> to vector<1x16xf32>
    tpu.vector_store %arg10[%swap3A_303, %swap3A_304], %swap3A_307 {strides = array<i32>} : memref<8x128xf32, #tpu.memory_space<vmem>>, vector<1x16xf32>,
    %swap3A_308 = arith.constant 4 : i32
    %swap3A_309 = arith.index_cast %swap3A_308 : i32 to index
    %swap3A_310 = arith.constant 96 : index
    %swap3A_311 = tpu.vector_load %arg10[%swap3A_309, %swap3A_310] {strides = array<i32>} : memref<8x128xf32, #tpu.memory_space<vmem>>, vector<1x16xf32>,
    %swap3A_312 = vector.shape_cast %swap3A_311 : vector<1x16xf32> to vector<16xf32>
    %swap3A_313 = vector.shape_cast %broadcast_in_dim3A_32 : vector<16xf32> to vector<1x16xf32>
    tpu.vector_store %arg10[%swap3A_309, %swap3A_310], %swap3A_313 {strides = array<i32>} : memref<8x128xf32, #tpu.memory_space<vmem>>, vector<1x16xf32>,
    %swap3A_314 = arith.constant 4 : i32
    %swap3A_315 = arith.index_cast %swap3A_314 : i32 to index
    %swap3A_316 = arith.constant 112 : index
    %swap3A_317 = tpu.vector_load %arg10[%swap3A_315, %swap3A_316] {strides = array<i32>} : memref<8x128xf32, #tpu.memory_space<vmem>>, vector<1x16xf32>,
    %swap3A_318 = vector.shape_cast %swap3A_317 : vector<1x16xf32> to vector<16xf32>
    %swap3A_319 = vector.shape_cast %broadcast_in_dim3A_32 : vector<16xf32> to vector<1x16xf32>
    tpu.vector_store %arg10[%swap3A_315, %swap3A_316], %swap3A_319 {strides = array<i32>} : memref<8x128xf32, #tpu.memory_space<vmem>>, vector<1x16xf32>,
    %swap3A_320 = arith.constant 4 : i32
    %swap3A_321 = arith.index_cast %swap3A_320 : i32 to index
    %swap3A_322 = arith.constant 0 : index
    %swap3A_323 = tpu.vector_load %arg11[%swap3A_321, %swap3A_322] {strides = array<i32>} : memref<8x32xf32, #tpu.memory_space<vmem>>, vector<1x16xf32>,
    %swap3A_324 = vector.shape_cast %swap3A_323 : vector<1x16xf32> to vector<16xf32>
    %swap3A_325 = vector.shape_cast %broadcast_in_dim3A_32 : vector<16xf32> to vector<1x16xf32>
    tpu.vector_store %arg11[%swap3A_321, %swap3A_322], %swap3A_325 {strides = array<i32>} : memref<8x32xf32, #tpu.memory_space<vmem>>, vector<1x16xf32>,
    %swap3A_326 = arith.constant 4 : i32
    %swap3A_327 = arith.index_cast %swap3A_326 : i32 to index
    %swap3A_328 = arith.constant 16 : index
    %swap3A_329 = tpu.vector_load %arg11[%swap3A_327, %swap3A_328] {strides = array<i32>} : memref<8x32xf32, #tpu.memory_space<vmem>>, vector<1x16xf32>,
    %swap3A_330 = vector.shape_cast %swap3A_329 : vector<1x16xf32> to vector<16xf32>
    %swap3A_331 = vector.shape_cast %broadcast_in_dim3A_32 : vector<16xf32> to vector<1x16xf32>
    tpu.vector_store %arg11[%swap3A_327, %swap3A_328], %swap3A_331 {strides = array<i32>} : memref<8x32xf32, #tpu.memory_space<vmem>>, vector<1x16xf32>,
    %swap3A_332 = arith.constant 5 : i32
    %swap3A_333 = arith.index_cast %swap3A_332 : i32 to index
    %swap3A_334 = arith.constant 0 : index
    %swap3A_335 = tpu.vector_load %arg10[%swap3A_333, %swap3A_334] {strides = array<i32>} : memref<8x128xf32, #tpu.memory_space<vmem>>, vector<1x16xf32>,
    %swap3A_336 = vector.shape_cast %swap3A_335 : vector<1x16xf32> to vector<16xf32>
    %swap3A_337 = vector.shape_cast %broadcast_in_dim3A_32 : vector<16xf32> to vector<1x16xf32>
    tpu.vector_store %arg10[%swap3A_333, %swap3A_334], %swap3A_337 {strides = array<i32>} : memref<8x128xf32, #tpu.memory_space<vmem>>, vector<1x16xf32>,
    %swap3A_338 = arith.constant 5 : i32
    %swap3A_339 = arith.index_cast %swap3A_338 : i32 to index
    %swap3A_340 = arith.constant 16 : index
    %swap3A_341 = tpu.vector_load %arg10[%swap3A_339, %swap3A_340] {strides = array<i32>} : memref<8x128xf32, #tpu.memory_space<vmem>>, vector<1x16xf32>,
    %swap3A_342 = vector.shape_cast %swap3A_341 : vector<1x16xf32> to vector<16xf32>
    %swap3A_343 = vector.shape_cast %broadcast_in_dim3A_32 : vector<16xf32> to vector<1x16xf32>
    tpu.vector_store %arg10[%swap3A_339, %swap3A_340], %swap3A_343 {strides = array<i32>} : memref<8x128xf32, #tpu.memory_space<vmem>>, vector<1x16xf32>,
    %swap3A_344 = arith.constant 5 : i32
    %swap3A_345 = arith.index_cast %swap3A_344 : i32 to index
    %swap3A_346 = arith.constant 32 : index
    %swap3A_347 = tpu.vector_load %arg10[%swap3A_345, %swap3A_346] {strides = array<i32>} : memref<8x128xf32, #tpu.memory_space<vmem>>, vector<1x16xf32>,
    %swap3A_348 = vector.shape_cast %swap3A_347 : vector<1x16xf32> to vector<16xf32>
    %swap3A_349 = vector.shape_cast %broadcast_in_dim3A_32 : vector<16xf32> to vector<1x16xf32>
    tpu.vector_store %arg10[%swap3A_345, %swap3A_346], %swap3A_349 {strides = array<i32>} : memref<8x128xf32, #tpu.memory_space<vmem>>, vector<1x16xf32>,
    %swap3A_350 = arith.constant 5 : i32
    %swap3A_351 = arith.index_cast %swap3A_350 : i32 to index
    %swap3A_352 = arith.constant 48 : index
    %swap3A_353 = tpu.vector_load %arg10[%swap3A_351, %swap3A_352] {strides = array<i32>} : memref<8x128xf32, #tpu.memory_space<vmem>>, vector<1x16xf32>,
    %swap3A_354 = vector.shape_cast %swap3A_353 : vector<1x16xf32> to vector<16xf32>
    %swap3A_355 = vector.shape_cast %broadcast_in_dim3A_32 : vector<16xf32> to vector<1x16xf32>
    tpu.vector_store %arg10[%swap3A_351, %swap3A_352], %swap3A_355 {strides = array<i32>} : memref<8x128xf32, #tpu.memory_space<vmem>>, vector<1x16xf32>,
    %swap3A_356 = arith.constant 5 : i32
    %swap3A_357 = arith.index_cast %swap3A_356 : i32 to index
    %swap3A_358 = arith.constant 64 : index
    %swap3A_359 = tpu.vector_load %arg10[%swap3A_357, %swap3A_358] {strides = array<i32>} : memref<8x128xf32, #tpu.memory_space<vmem>>, vector<1x16xf32>,
    %swap3A_360 = vector.shape_cast %swap3A_359 : vector<1x16xf32> to vector<16xf32>
    %swap3A_361 = vector.shape_cast %broadcast_in_dim3A_32 : vector<16xf32> to vector<1x16xf32>
    tpu.vector_store %arg10[%swap3A_357, %swap3A_358], %swap3A_361 {strides = array<i32>} : memref<8x128xf32, #tpu.memory_space<vmem>>, vector<1x16xf32>,
    %swap3A_362 = arith.constant 5 : i32
    %swap3A_363 = arith.index_cast %swap3A_362 : i32 to index
    %swap3A_364 = arith.constant 80 : index
    %swap3A_365 = tpu.vector_load %arg10[%swap3A_363, %swap3A_364] {strides = array<i32>} : memref<8x128xf32, #tpu.memory_space<vmem>>, vector<1x16xf32>,
    %swap3A_366 = vector.shape_cast %swap3A_365 : vector<1x16xf32> to vector<16xf32>
    %swap3A_367 = vector.shape_cast %broadcast_in_dim3A_32 : vector<16xf32> to vector<1x16xf32>
    tpu.vector_store %arg10[%swap3A_363, %swap3A_364], %swap3A_367 {strides = array<i32>} : memref<8x128xf32, #tpu.memory_space<vmem>>, vector<1x16xf32>,
    %swap3A_368 = arith.constant 5 : i32
    %swap3A_369 = arith.index_cast %swap3A_368 : i32 to index
    %swap3A_370 = arith.constant 96 : index
    %swap3A_371 = tpu.vector_load %arg10[%swap3A_369, %swap3A_370] {strides = array<i32>} : memref<8x128xf32, #tpu.memory_space<vmem>>, vector<1x16xf32>,
    %swap3A_372 = vector.shape_cast %swap3A_371 : vector<1x16xf32> to vector<16xf32>
    %swap3A_373 = vector.shape_cast %broadcast_in_dim3A_32 : vector<16xf32> to vector<1x16xf32>
    tpu.vector_store %arg10[%swap3A_369, %swap3A_370], %swap3A_373 {strides = array<i32>} : memref<8x128xf32, #tpu.memory_space<vmem>>, vector<1x16xf32>,
    %swap3A_374 = arith.constant 5 : i32
    %swap3A_375 = arith.index_cast %swap3A_374 : i32 to index
    %swap3A_376 = arith.constant 112 : index
    %swap3A_377 = tpu.vector_load %arg10[%swap3A_375, %swap3A_376] {strides = array<i32>} : memref<8x128xf32, #tpu.memory_space<vmem>>, vector<1x16xf32>,
    %swap3A_378 = vector.shape_cast %swap3A_377 : vector<1x16xf32> to vector<16xf32>
    %swap3A_379 = vector.shape_cast %broadcast_in_dim3A_32 : vector<16xf32> to vector<1x16xf32>
    tpu.vector_store %arg10[%swap3A_375, %swap3A_376], %swap3A_379 {strides = array<i32>} : memref<8x128xf32, #tpu.memory_space<vmem>>, vector<1x16xf32>,
    %swap3A_380 = arith.constant 5 : i32
    %swap3A_381 = arith.index_cast %swap3A_380 : i32 to index
    %swap3A_382 = arith.constant 0 : index
    %swap3A_383 = tpu.vector_load %arg11[%swap3A_381, %swap3A_382] {strides = array<i32>} : memref<8x32xf32, #tpu.memory_space<vmem>>, vector<1x16xf32>,
    %swap3A_384 = vector.shape_cast %swap3A_383 : vector<1x16xf32> to vector<16xf32>
    %swap3A_385 = vector.shape_cast %broadcast_in_dim3A_32 : vector<16xf32> to vector<1x16xf32>
    tpu.vector_store %arg11[%swap3A_381, %swap3A_382], %swap3A_385 {strides = array<i32>} : memref<8x32xf32, #tpu.memory_space<vmem>>, vector<1x16xf32>,
    %swap3A_386 = arith.constant 5 : i32
    %swap3A_387 = arith.index_cast %swap3A_386 : i32 to index
    %swap3A_388 = arith.constant 16 : index
    %swap3A_389 = tpu.vector_load %arg11[%swap3A_387, %swap3A_388] {strides = array<i32>} : memref<8x32xf32, #tpu.memory_space<vmem>>, vector<1x16xf32>,
    %swap3A_390 = vector.shape_cast %swap3A_389 : vector<1x16xf32> to vector<16xf32>
    %swap3A_391 = vector.shape_cast %broadcast_in_dim3A_32 : vector<16xf32> to vector<1x16xf32>
    tpu.vector_store %arg11[%swap3A_387, %swap3A_388], %swap3A_391 {strides = array<i32>} : memref<8x32xf32, #tpu.memory_space<vmem>>, vector<1x16xf32>,
    %swap3A_392 = arith.constant 6 : i32
    %swap3A_393 = arith.index_cast %swap3A_392 : i32 to index
    %swap3A_394 = arith.constant 0 : index
    %swap3A_395 = tpu.vector_load %arg10[%swap3A_393, %swap3A_394] {strides = array<i32>} : memref<8x128xf32, #tpu.memory_space<vmem>>, vector<1x16xf32>,
    %swap3A_396 = vector.shape_cast %swap3A_395 : vector<1x16xf32> to vector<16xf32>
    %swap3A_397 = vector.shape_cast %broadcast_in_dim3A_32 : vector<16xf32> to vector<1x16xf32>
    tpu.vector_store %arg10[%swap3A_393, %swap3A_394], %swap3A_397 {strides = array<i32>} : memref<8x128xf32, #tpu.memory_space<vmem>>, vector<1x16xf32>,
    %swap3A_398 = arith.constant 6 : i32
    %swap3A_399 = arith.index_cast %swap3A_398 : i32 to index
    %swap3A_400 = arith.constant 16 : index
    %swap3A_401 = tpu.vector_load %arg10[%swap3A_399, %swap3A_400] {strides = array<i32>} : memref<8x128xf32, #tpu.memory_space<vmem>>, vector<1x16xf32>,
    %swap3A_402 = vector.shape_cast %swap3A_401 : vector<1x16xf32> to vector<16xf32>
    %swap3A_403 = vector.shape_cast %broadcast_in_dim3A_32 : vector<16xf32> to vector<1x16xf32>
    tpu.vector_store %arg10[%swap3A_399, %swap3A_400], %swap3A_403 {strides = array<i32>} : memref<8x128xf32, #tpu.memory_space<vmem>>, vector<1x16xf32>,
    %swap3A_404 = arith.constant 6 : i32
    %swap3A_405 = arith.index_cast %swap3A_404 : i32 to index
    %swap3A_406 = arith.constant 32 : index
    %swap3A_407 = tpu.vector_load %arg10[%swap3A_405, %swap3A_406] {strides = array<i32>} : memref<8x128xf32, #tpu.memory_space<vmem>>, vector<1x16xf32>,
    %swap3A_408 = vector.shape_cast %swap3A_407 : vector<1x16xf32> to vector<16xf32>
    %swap3A_409 = vector.shape_cast %broadcast_in_dim3A_32 : vector<16xf32> to vector<1x16xf32>
    tpu.vector_store %arg10[%swap3A_405, %swap3A_406], %swap3A_409 {strides = array<i32>} : memref<8x128xf32, #tpu.memory_space<vmem>>, vector<1x16xf32>,
    %swap3A_410 = arith.constant 6 : i32
    %swap3A_411 = arith.index_cast %swap3A_410 : i32 to index
    %swap3A_412 = arith.constant 48 : index
    %swap3A_413 = tpu.vector_load %arg10[%swap3A_411, %swap3A_412] {strides = array<i32>} : memref<8x128xf32, #tpu.memory_space<vmem>>, vector<1x16xf32>,
    %swap3A_414 = vector.shape_cast %swap3A_413 : vector<1x16xf32> to vector<16xf32>
    %swap3A_415 = vector.shape_cast %broadcast_in_dim3A_32 : vector<16xf32> to vector<1x16xf32>
    tpu.vector_store %arg10[%swap3A_411, %swap3A_412], %swap3A_415 {strides = array<i32>} : memref<8x128xf32, #tpu.memory_space<vmem>>, vector<1x16xf32>,
    %swap3A_416 = arith.constant 6 : i32
    %swap3A_417 = arith.index_cast %swap3A_416 : i32 to index
    %swap3A_418 = arith.constant 64 : index
    %swap3A_419 = tpu.vector_load %arg10[%swap3A_417, %swap3A_418] {strides = array<i32>} : memref<8x128xf32, #tpu.memory_space<vmem>>, vector<1x16xf32>,
    %swap3A_420 = vector.shape_cast %swap3A_419 : vector<1x16xf32> to vector<16xf32>
    %swap3A_421 = vector.shape_cast %broadcast_in_dim3A_32 : vector<16xf32> to vector<1x16xf32>
    tpu.vector_store %arg10[%swap3A_417, %swap3A_418], %swap3A_421 {strides = array<i32>} : memref<8x128xf32, #tpu.memory_space<vmem>>, vector<1x16xf32>,
    %swap3A_422 = arith.constant 6 : i32
    %swap3A_423 = arith.index_cast %swap3A_422 : i32 to index
    %swap3A_424 = arith.constant 80 : index
    %swap3A_425 = tpu.vector_load %arg10[%swap3A_423, %swap3A_424] {strides = array<i32>} : memref<8x128xf32, #tpu.memory_space<vmem>>, vector<1x16xf32>,
    %swap3A_426 = vector.shape_cast %swap3A_425 : vector<1x16xf32> to vector<16xf32>
    %swap3A_427 = vector.shape_cast %broadcast_in_dim3A_32 : vector<16xf32> to vector<1x16xf32>
    tpu.vector_store %arg10[%swap3A_423, %swap3A_424], %swap3A_427 {strides = array<i32>} : memref<8x128xf32, #tpu.memory_space<vmem>>, vector<1x16xf32>,
    %swap3A_428 = arith.constant 6 : i32
    %swap3A_429 = arith.index_cast %swap3A_428 : i32 to index
    %swap3A_430 = arith.constant 96 : index
    %swap3A_431 = tpu.vector_load %arg10[%swap3A_429, %swap3A_430] {strides = array<i32>} : memref<8x128xf32, #tpu.memory_space<vmem>>, vector<1x16xf32>,
    %swap3A_432 = vector.shape_cast %swap3A_431 : vector<1x16xf32> to vector<16xf32>
    %swap3A_433 = vector.shape_cast %broadcast_in_dim3A_32 : vector<16xf32> to vector<1x16xf32>
    tpu.vector_store %arg10[%swap3A_429, %swap3A_430], %swap3A_433 {strides = array<i32>} : memref<8x128xf32, #tpu.memory_space<vmem>>, vector<1x16xf32>,
    %swap3A_434 = arith.constant 6 : i32
    %swap3A_435 = arith.index_cast %swap3A_434 : i32 to index
    %swap3A_436 = arith.constant 112 : index
    %swap3A_437 = tpu.vector_load %arg10[%swap3A_435, %swap3A_436] {strides = array<i32>} : memref<8x128xf32, #tpu.memory_space<vmem>>, vector<1x16xf32>,
    %swap3A_438 = vector.shape_cast %swap3A_437 : vector<1x16xf32> to vector<16xf32>
    %swap3A_439 = vector.shape_cast %broadcast_in_dim3A_32 : vector<16xf32> to vector<1x16xf32>
    tpu.vector_store %arg10[%swap3A_435, %swap3A_436], %swap3A_439 {strides = array<i32>} : memref<8x128xf32, #tpu.memory_space<vmem>>, vector<1x16xf32>,
    %swap3A_440 = arith.constant 6 : i32
    %swap3A_441 = arith.index_cast %swap3A_440 : i32 to index
    %swap3A_442 = arith.constant 0 : index
    %swap3A_443 = tpu.vector_load %arg11[%swap3A_441, %swap3A_442] {strides = array<i32>} : memref<8x32xf32, #tpu.memory_space<vmem>>, vector<1x16xf32>,
    %swap3A_444 = vector.shape_cast %swap3A_443 : vector<1x16xf32> to vector<16xf32>
    %swap3A_445 = vector.shape_cast %broadcast_in_dim3A_32 : vector<16xf32> to vector<1x16xf32>
    tpu.vector_store %arg11[%swap3A_441, %swap3A_442], %swap3A_445 {strides = array<i32>} : memref<8x32xf32, #tpu.memory_space<vmem>>, vector<1x16xf32>,
    %swap3A_446 = arith.constant 6 : i32
    %swap3A_447 = arith.index_cast %swap3A_446 : i32 to index
    %swap3A_448 = arith.constant 16 : index
    %swap3A_449 = tpu.vector_load %arg11[%swap3A_447, %swap3A_448] {strides = array<i32>} : memref<8x32xf32, #tpu.memory_space<vmem>>, vector<1x16xf32>,
    %swap3A_450 = vector.shape_cast %swap3A_449 : vector<1x16xf32> to vector<16xf32>
    %swap3A_451 = vector.shape_cast %broadcast_in_dim3A_32 : vector<16xf32> to vector<1x16xf32>
    tpu.vector_store %arg11[%swap3A_447, %swap3A_448], %swap3A_451 {strides = array<i32>} : memref<8x32xf32, #tpu.memory_space<vmem>>, vector<1x16xf32>,
    %swap3A_452 = arith.constant 7 : i32
    %swap3A_453 = arith.index_cast %swap3A_452 : i32 to index
    %swap3A_454 = arith.constant 0 : index
    %swap3A_455 = tpu.vector_load %arg10[%swap3A_453, %swap3A_454] {strides = array<i32>} : memref<8x128xf32, #tpu.memory_space<vmem>>, vector<1x16xf32>,
    %swap3A_456 = vector.shape_cast %swap3A_455 : vector<1x16xf32> to vector<16xf32>
    %swap3A_457 = vector.shape_cast %broadcast_in_dim3A_32 : vector<16xf32> to vector<1x16xf32>
    tpu.vector_store %arg10[%swap3A_453, %swap3A_454], %swap3A_457 {strides = array<i32>} : memref<8x128xf32, #tpu.memory_space<vmem>>, vector<1x16xf32>,
    %swap3A_458 = arith.constant 7 : i32
    %swap3A_459 = arith.index_cast %swap3A_458 : i32 to index
    %swap3A_460 = arith.constant 16 : index
    %swap3A_461 = tpu.vector_load %arg10[%swap3A_459, %swap3A_460] {strides = array<i32>} : memref<8x128xf32, #tpu.memory_space<vmem>>, vector<1x16xf32>,
    %swap3A_462 = vector.shape_cast %swap3A_461 : vector<1x16xf32> to vector<16xf32>
    %swap3A_463 = vector.shape_cast %broadcast_in_dim3A_32 : vector<16xf32> to vector<1x16xf32>
    tpu.vector_store %arg10[%swap3A_459, %swap3A_460], %swap3A_463 {strides = array<i32>} : memref<8x128xf32, #tpu.memory_space<vmem>>, vector<1x16xf32>,
    %swap3A_464 = arith.constant 7 : i32
    %swap3A_465 = arith.index_cast %swap3A_464 : i32 to index
    %swap3A_466 = arith.constant 32 : index
    %swap3A_467 = tpu.vector_load %arg10[%swap3A_465, %swap3A_466] {strides = array<i32>} : memref<8x128xf32, #tpu.memory_space<vmem>>, vector<1x16xf32>,
    %swap3A_468 = vector.shape_cast %swap3A_467 : vector<1x16xf32> to vector<16xf32>
    %swap3A_469 = vector.shape_cast %broadcast_in_dim3A_32 : vector<16xf32> to vector<1x16xf32>
    tpu.vector_store %arg10[%swap3A_465, %swap3A_466], %swap3A_469 {strides = array<i32>} : memref<8x128xf32, #tpu.memory_space<vmem>>, vector<1x16xf32>,
    %swap3A_470 = arith.constant 7 : i32
    %swap3A_471 = arith.index_cast %swap3A_470 : i32 to index
    %swap3A_472 = arith.constant 48 : index
    %swap3A_473 = tpu.vector_load %arg10[%swap3A_471, %swap3A_472] {strides = array<i32>} : memref<8x128xf32, #tpu.memory_space<vmem>>, vector<1x16xf32>,
    %swap3A_474 = vector.shape_cast %swap3A_473 : vector<1x16xf32> to vector<16xf32>
    %swap3A_475 = vector.shape_cast %broadcast_in_dim3A_32 : vector<16xf32> to vector<1x16xf32>
    tpu.vector_store %arg10[%swap3A_471, %swap3A_472], %swap3A_475 {strides = array<i32>} : memref<8x128xf32, #tpu.memory_space<vmem>>, vector<1x16xf32>,
    %swap3A_476 = arith.constant 7 : i32
    %swap3A_477 = arith.index_cast %swap3A_476 : i32 to index
    %swap3A_478 = arith.constant 64 : index
    %swap3A_479 = tpu.vector_load %arg10[%swap3A_477, %swap3A_478] {strides = array<i32>} : memref<8x128xf32, #tpu.memory_space<vmem>>, vector<1x16xf32>,
    %swap3A_480 = vector.shape_cast %swap3A_479 : vector<1x16xf32> to vector<16xf32>
    %swap3A_481 = vector.shape_cast %broadcast_in_dim3A_32 : vector<16xf32> to vector<1x16xf32>
    tpu.vector_store %arg10[%swap3A_477, %swap3A_478], %swap3A_481 {strides = array<i32>} : memref<8x128xf32, #tpu.memory_space<vmem>>, vector<1x16xf32>,
    %swap3A_482 = arith.constant 7 : i32
    %swap3A_483 = arith.index_cast %swap3A_482 : i32 to index
    %swap3A_484 = arith.constant 80 : index
    %swap3A_485 = tpu.vector_load %arg10[%swap3A_483, %swap3A_484] {strides = array<i32>} : memref<8x128xf32, #tpu.memory_space<vmem>>, vector<1x16xf32>,
    %swap3A_486 = vector.shape_cast %swap3A_485 : vector<1x16xf32> to vector<16xf32>
    %swap3A_487 = vector.shape_cast %broadcast_in_dim3A_32 : vector<16xf32> to vector<1x16xf32>
    tpu.vector_store %arg10[%swap3A_483, %swap3A_484], %swap3A_487 {strides = array<i32>} : memref<8x128xf32, #tpu.memory_space<vmem>>, vector<1x16xf32>,
    %swap3A_488 = arith.constant 7 : i32
    %swap3A_489 = arith.index_cast %swap3A_488 : i32 to index
    %swap3A_490 = arith.constant 96 : index
    %swap3A_491 = tpu.vector_load %arg10[%swap3A_489, %swap3A_490] {strides = array<i32>} : memref<8x128xf32, #tpu.memory_space<vmem>>, vector<1x16xf32>,
    %swap3A_492 = vector.shape_cast %swap3A_491 : vector<1x16xf32> to vector<16xf32>
    %swap3A_493 = vector.shape_cast %broadcast_in_dim3A_32 : vector<16xf32> to vector<1x16xf32>
    tpu.vector_store %arg10[%swap3A_489, %swap3A_490], %swap3A_493 {strides = array<i32>} : memref<8x128xf32, #tpu.memory_space<vmem>>, vector<1x16xf32>,
    %swap3A_494 = arith.constant 7 : i32
    %swap3A_495 = arith.index_cast %swap3A_494 : i32 to index
    %swap3A_496 = arith.constant 112 : index
    %swap3A_497 = tpu.vector_load %arg10[%swap3A_495, %swap3A_496] {strides = array<i32>} : memref<8x128xf32, #tpu.memory_space<vmem>>, vector<1x16xf32>,
    %swap3A_498 = vector.shape_cast %swap3A_497 : vector<1x16xf32> to vector<16xf32>
    %swap3A_499 = vector.shape_cast %broadcast_in_dim3A_32 : vector<16xf32> to vector<1x16xf32>
    tpu.vector_store %arg10[%swap3A_495, %swap3A_496], %swap3A_499 {strides = array<i32>} : memref<8x128xf32, #tpu.memory_space<vmem>>, vector<1x16xf32>,
    %swap3A_500 = arith.constant 7 : i32
    %swap3A_501 = arith.index_cast %swap3A_500 : i32 to index
    %swap3A_502 = arith.constant 0 : index
    %swap3A_503 = tpu.vector_load %arg11[%swap3A_501, %swap3A_502] {strides = array<i32>} : memref<8x32xf32, #tpu.memory_space<vmem>>, vector<1x16xf32>,
    %swap3A_504 = vector.shape_cast %swap3A_503 : vector<1x16xf32> to vector<16xf32>
    %swap3A_505 = vector.shape_cast %broadcast_in_dim3A_32 : vector<16xf32> to vector<1x16xf32>
    tpu.vector_store %arg11[%swap3A_501, %swap3A_502], %swap3A_505 {strides = array<i32>} : memref<8x32xf32, #tpu.memory_space<vmem>>, vector<1x16xf32>,
    %swap3A_506 = arith.constant 7 : i32
    %swap3A_507 = arith.index_cast %swap3A_506 : i32 to index
    %swap3A_508 = arith.constant 16 : index
    %swap3A_509 = tpu.vector_load %arg11[%swap3A_507, %swap3A_508] {strides = array<i32>} : memref<8x32xf32, #tpu.memory_space<vmem>>, vector<1x16xf32>,
    %swap3A_510 = vector.shape_cast %swap3A_509 : vector<1x16xf32> to vector<16xf32>
    %swap3A_511 = vector.shape_cast %broadcast_in_dim3A_32 : vector<16xf32> to vector<1x16xf32>
    tpu.vector_store %arg11[%swap3A_507, %swap3A_508], %swap3A_511 {strides = array<i32>} : memref<8x32xf32, #tpu.memory_space<vmem>>, vector<1x16xf32>,
    %mul3A_512 = arith.constant 8 : i32
    %mul3A_513 = arith.muli %arg1, %mul3A_512 : i32
    "tpu.region"() ({
      %run_scoped3A = tpu.sem_alloc : memref<!tpu.dma_semaphore, #tpu.memory_space<semaphore_mem>>
      %dma_start3A_911 = arith.constant 0 : i32
      %dma_start3A_912 = tpu.memref_slice %arg12[%mul3A_513, %dma_start3A_911] : memref<128x128xf32, #tpu.memory_space<vmem_shared>> -> memref<8x128xf32, #tpu.memory_space<vmem_shared>>
      %dma_start3A_913 = arith.constant 0 : i32
      %dma_start3A_914 = tpu.memref_slice %arg12[%mul3A_513, %dma_start3A_913] : memref<128x128xf32, #tpu.memory_space<vmem_shared>> -> memref<8x128xf32, #tpu.memory_space<vmem_shared>>
      tpu.enqueue_dma source(%arg10 : memref<8x128xf32, #tpu.memory_space<vmem>>) target(%dma_start3A_914 : memref<8x128xf32, #tpu.memory_space<vmem_shared>>) target_semaphore(%run_scoped3A : memref<!tpu.dma_semaphore, #tpu.memory_space<semaphore_mem>>)
      %dma_wait3A_915 = arith.constant 0 : i32
      %dma_wait3A_916 = tpu.memref_slice %arg12[%mul3A_513, %dma_wait3A_915] : memref<128x128xf32, #tpu.memory_space<vmem_shared>> -> memref<8x128xf32, #tpu.memory_space<vmem_shared>>
      %dma_wait3A_917 = arith.constant 0 : i32
      %dma_wait3A_918 = tpu.memref_slice %arg12[%mul3A_513, %dma_wait3A_917] : memref<128x128xf32, #tpu.memory_space<vmem_shared>> -> memref<8x128xf32, #tpu.memory_space<vmem_shared>>
      tpu.wait_dma2 semaphore(%run_scoped3A : memref<!tpu.dma_semaphore, #tpu.memory_space<semaphore_mem>>) src(%arg10 : memref<8x128xf32, #tpu.memory_space<vmem>>) dst(%dma_wait3A_918 : memref<8x128xf32, #tpu.memory_space<vmem_shared>>)
      tpu.yield
    }) : () -> ()
    %mul3A_514 = arith.constant 8 : i32
    %mul3A_515 = arith.muli %arg1, %mul3A_514 : i32
    "tpu.region"() ({
      %run_scoped3A = tpu.sem_alloc : memref<!tpu.dma_semaphore, #tpu.memory_space<semaphore_mem>>
      %dma_start3A_911 = arith.constant 0 : i32
      %dma_start3A_912 = tpu.memref_slice %arg13[%mul3A_515, %dma_start3A_911] : memref<128x32xf32, #tpu.memory_space<vmem_shared>> -> memref<8x32xf32, #tpu.memory_space<vmem_shared>>
      %dma_start3A_913 = arith.constant 0 : i32
      %dma_start3A_914 = tpu.memref_slice %arg13[%mul3A_515, %dma_start3A_913] : memref<128x32xf32, #tpu.memory_space<vmem_shared>> -> memref<8x32xf32, #tpu.memory_space<vmem_shared>>
      tpu.enqueue_dma source(%arg11 : memref<8x32xf32, #tpu.memory_space<vmem>>) target(%dma_start3A_914 : memref<8x32xf32, #tpu.memory_space<vmem_shared>>) target_semaphore(%run_scoped3A : memref<!tpu.dma_semaphore, #tpu.memory_space<semaphore_mem>>)
      %dma_wait3A_915 = arith.constant 0 : i32
      %dma_wait3A_916 = tpu.memref_slice %arg13[%mul3A_515, %dma_wait3A_915] : memref<128x32xf32, #tpu.memory_space<vmem_shared>> -> memref<8x32xf32, #tpu.memory_space<vmem_shared>>
      %dma_wait3A_917 = arith.constant 0 : i32
      %dma_wait3A_918 = tpu.memref_slice %arg13[%mul3A_515, %dma_wait3A_917] : memref<128x32xf32, #tpu.memory_space<vmem_shared>> -> memref<8x32xf32, #tpu.memory_space<vmem_shared>>
      tpu.wait_dma2 semaphore(%run_scoped3A : memref<!tpu.dma_semaphore, #tpu.memory_space<semaphore_mem>>) src(%arg11 : memref<8x32xf32, #tpu.memory_space<vmem>>) dst(%dma_wait3A_918 : memref<8x32xf32, #tpu.memory_space<vmem_shared>>)
      tpu.yield
    }) : () -> ()
    "tpu.region"() ({
      %run_scoped3A = tpu.sem_alloc : memref<!tpu.dma_semaphore, #tpu.memory_space<semaphore_mem>>
      %dma_start3A_911 = tpu.memref_slice %arg3[%mul3A_2] : memref<16384xf32, #tpu.memory_space<hbm>> -> memref<128xf32, #tpu.memory_space<hbm>>
      %dma_start3A_912 = tpu.memref_slice %arg3[%mul3A_2] : memref<16384xf32, #tpu.memory_space<hbm>> -> memref<128xf32, #tpu.memory_space<hbm>>
      tpu.enqueue_dma source(%dma_start3A_912 : memref<128xf32, #tpu.memory_space<hbm>>) target(%arg7 : memref<128xf32, #tpu.memory_space<vmem>>) target_semaphore(%run_scoped3A : memref<!tpu.dma_semaphore, #tpu.memory_space<semaphore_mem>>)
      %dma_wait3A_913 = tpu.memref_slice %arg3[%mul3A_2] : memref<16384xf32, #tpu.memory_space<hbm>> -> memref<128xf32, #tpu.memory_space<hbm>>
      %dma_wait3A_914 = tpu.memref_slice %arg3[%mul3A_2] : memref<16384xf32, #tpu.memory_space<hbm>> -> memref<128xf32, #tpu.memory_space<hbm>>
      tpu.wait_dma2 semaphore(%run_scoped3A : memref<!tpu.dma_semaphore, #tpu.memory_space<semaphore_mem>>) src(%dma_wait3A_914 : memref<128xf32, #tpu.memory_space<hbm>>) dst(%arg7 : memref<128xf32, #tpu.memory_space<vmem>>)
      tpu.yield
    }) : () -> ()
    %get3A = arith.constant 0 : index
    %get3A_516 = tpu.vector_load %arg7[%get3A] {strides = array<i32>} : memref<128xf32, #tpu.memory_space<vmem>>, vector<16xf32>,
    %get3A_517 = vector.shape_cast %get3A_516 : vector<16xf32> to vector<16xf32>
    %convert_element_type3A = arith.fptosi %get3A_517 : vector<16xf32> to vector<16xi32>
    %swap3A_518 = arith.constant 0 : i32
    %swap3A_519 = arith.index_cast %swap3A_518 : i32 to index
    %swap3A_520 = arith.constant 0 : index
    %swap3A_521 = tpu.vector_load %arg8[%swap3A_519, %swap3A_520] {strides = array<i32>} : memref<2x64xi32, #tpu.memory_space<vmem>>, vector<1x16xi32>,
    %swap3A_522 = vector.shape_cast %swap3A_521 : vector<1x16xi32> to vector<16xi32>
    %swap3A_523 = vector.shape_cast %convert_element_type3A : vector<16xi32> to vector<1x16xi32>
    tpu.vector_store %arg8[%swap3A_519, %swap3A_520], %swap3A_523 {strides = array<i32>} : memref<2x64xi32, #tpu.memory_space<vmem>>, vector<1x16xi32>,
    %get3A_524 = arith.constant 16 : index
    %get3A_525 = tpu.vector_load %arg7[%get3A_524] {strides = array<i32>} : memref<128xf32, #tpu.memory_space<vmem>>, vector<16xf32>,
    %get3A_526 = vector.shape_cast %get3A_525 : vector<16xf32> to vector<16xf32>
    %convert_element_type3A_527 = arith.fptosi %get3A_526 : vector<16xf32> to vector<16xi32>
    %swap3A_528 = arith.constant 0 : i32
    %swap3A_529 = arith.index_cast %swap3A_528 : i32 to index
    %swap3A_530 = arith.constant 16 : index
    %swap3A_531 = tpu.vector_load %arg8[%swap3A_529, %swap3A_530] {strides = array<i32>} : memref<2x64xi32, #tpu.memory_space<vmem>>, vector<1x16xi32>,
    %swap3A_532 = vector.shape_cast %swap3A_531 : vector<1x16xi32> to vector<16xi32>
    %swap3A_533 = vector.shape_cast %convert_element_type3A_527 : vector<16xi32> to vector<1x16xi32>
    tpu.vector_store %arg8[%swap3A_529, %swap3A_530], %swap3A_533 {strides = array<i32>} : memref<2x64xi32, #tpu.memory_space<vmem>>, vector<1x16xi32>,
    %get3A_534 = arith.constant 32 : index
    %get3A_535 = tpu.vector_load %arg7[%get3A_534] {strides = array<i32>} : memref<128xf32, #tpu.memory_space<vmem>>, vector<16xf32>,
    %get3A_536 = vector.shape_cast %get3A_535 : vector<16xf32> to vector<16xf32>
    %convert_element_type3A_537 = arith.fptosi %get3A_536 : vector<16xf32> to vector<16xi32>
    %swap3A_538 = arith.constant 0 : i32
    %swap3A_539 = arith.index_cast %swap3A_538 : i32 to index
    %swap3A_540 = arith.constant 32 : index
    %swap3A_541 = tpu.vector_load %arg8[%swap3A_539, %swap3A_540] {strides = array<i32>} : memref<2x64xi32, #tpu.memory_space<vmem>>, vector<1x16xi32>,
    %swap3A_542 = vector.shape_cast %swap3A_541 : vector<1x16xi32> to vector<16xi32>
    %swap3A_543 = vector.shape_cast %convert_element_type3A_537 : vector<16xi32> to vector<1x16xi32>
    tpu.vector_store %arg8[%swap3A_539, %swap3A_540], %swap3A_543 {strides = array<i32>} : memref<2x64xi32, #tpu.memory_space<vmem>>, vector<1x16xi32>,
    %get3A_544 = arith.constant 48 : index
    %get3A_545 = tpu.vector_load %arg7[%get3A_544] {strides = array<i32>} : memref<128xf32, #tpu.memory_space<vmem>>, vector<16xf32>,
    %get3A_546 = vector.shape_cast %get3A_545 : vector<16xf32> to vector<16xf32>
    %convert_element_type3A_547 = arith.fptosi %get3A_546 : vector<16xf32> to vector<16xi32>
    %swap3A_548 = arith.constant 0 : i32
    %swap3A_549 = arith.index_cast %swap3A_548 : i32 to index
    %swap3A_550 = arith.constant 48 : index
    %swap3A_551 = tpu.vector_load %arg8[%swap3A_549, %swap3A_550] {strides = array<i32>} : memref<2x64xi32, #tpu.memory_space<vmem>>, vector<1x16xi32>,
    %swap3A_552 = vector.shape_cast %swap3A_551 : vector<1x16xi32> to vector<16xi32>
    %swap3A_553 = vector.shape_cast %convert_element_type3A_547 : vector<16xi32> to vector<1x16xi32>
    tpu.vector_store %arg8[%swap3A_549, %swap3A_550], %swap3A_553 {strides = array<i32>} : memref<2x64xi32, #tpu.memory_space<vmem>>, vector<1x16xi32>,
    %get3A_554 = arith.constant 64 : index
    %get3A_555 = tpu.vector_load %arg7[%get3A_554] {strides = array<i32>} : memref<128xf32, #tpu.memory_space<vmem>>, vector<16xf32>,
    %get3A_556 = vector.shape_cast %get3A_555 : vector<16xf32> to vector<16xf32>
    %convert_element_type3A_557 = arith.fptosi %get3A_556 : vector<16xf32> to vector<16xi32>
    %swap3A_558 = arith.constant 1 : i32
    %swap3A_559 = arith.index_cast %swap3A_558 : i32 to index
    %swap3A_560 = arith.constant 0 : index
    %swap3A_561 = tpu.vector_load %arg8[%swap3A_559, %swap3A_560] {strides = array<i32>} : memref<2x64xi32, #tpu.memory_space<vmem>>, vector<1x16xi32>,
    %swap3A_562 = vector.shape_cast %swap3A_561 : vector<1x16xi32> to vector<16xi32>
    %swap3A_563 = vector.shape_cast %convert_element_type3A_557 : vector<16xi32> to vector<1x16xi32>
    tpu.vector_store %arg8[%swap3A_559, %swap3A_560], %swap3A_563 {strides = array<i32>} : memref<2x64xi32, #tpu.memory_space<vmem>>, vector<1x16xi32>,
    %get3A_564 = arith.constant 80 : index
    %get3A_565 = tpu.vector_load %arg7[%get3A_564] {strides = array<i32>} : memref<128xf32, #tpu.memory_space<vmem>>, vector<16xf32>,
    %get3A_566 = vector.shape_cast %get3A_565 : vector<16xf32> to vector<16xf32>
    %convert_element_type3A_567 = arith.fptosi %get3A_566 : vector<16xf32> to vector<16xi32>
    %swap3A_568 = arith.constant 1 : i32
    %swap3A_569 = arith.index_cast %swap3A_568 : i32 to index
    %swap3A_570 = arith.constant 16 : index
    %swap3A_571 = tpu.vector_load %arg8[%swap3A_569, %swap3A_570] {strides = array<i32>} : memref<2x64xi32, #tpu.memory_space<vmem>>, vector<1x16xi32>,
    %swap3A_572 = vector.shape_cast %swap3A_571 : vector<1x16xi32> to vector<16xi32>
    %swap3A_573 = vector.shape_cast %convert_element_type3A_567 : vector<16xi32> to vector<1x16xi32>
    tpu.vector_store %arg8[%swap3A_569, %swap3A_570], %swap3A_573 {strides = array<i32>} : memref<2x64xi32, #tpu.memory_space<vmem>>, vector<1x16xi32>,
    %get3A_574 = arith.constant 96 : index
    %get3A_575 = tpu.vector_load %arg7[%get3A_574] {strides = array<i32>} : memref<128xf32, #tpu.memory_space<vmem>>, vector<16xf32>,
    %get3A_576 = vector.shape_cast %get3A_575 : vector<16xf32> to vector<16xf32>
    %convert_element_type3A_577 = arith.fptosi %get3A_576 : vector<16xf32> to vector<16xi32>
    %swap3A_578 = arith.constant 1 : i32
    %swap3A_579 = arith.index_cast %swap3A_578 : i32 to index
    %swap3A_580 = arith.constant 32 : index
    %swap3A_581 = tpu.vector_load %arg8[%swap3A_579, %swap3A_580] {strides = array<i32>} : memref<2x64xi32, #tpu.memory_space<vmem>>, vector<1x16xi32>,
    %swap3A_582 = vector.shape_cast %swap3A_581 : vector<1x16xi32> to vector<16xi32>
    %swap3A_583 = vector.shape_cast %convert_element_type3A_577 : vector<16xi32> to vector<1x16xi32>
    tpu.vector_store %arg8[%swap3A_579, %swap3A_580], %swap3A_583 {strides = array<i32>} : memref<2x64xi32, #tpu.memory_space<vmem>>, vector<1x16xi32>,
    %get3A_584 = arith.constant 112 : index
    %get3A_585 = tpu.vector_load %arg7[%get3A_584] {strides = array<i32>} : memref<128xf32, #tpu.memory_space<vmem>>, vector<16xf32>,
    %get3A_586 = vector.shape_cast %get3A_585 : vector<16xf32> to vector<16xf32>
    %convert_element_type3A_587 = arith.fptosi %get3A_586 : vector<16xf32> to vector<16xi32>
    %swap3A_588 = arith.constant 1 : i32
    %swap3A_589 = arith.index_cast %swap3A_588 : i32 to index
    %swap3A_590 = arith.constant 48 : index
    %swap3A_591 = tpu.vector_load %arg8[%swap3A_589, %swap3A_590] {strides = array<i32>} : memref<2x64xi32, #tpu.memory_space<vmem>>, vector<1x16xi32>,
    %swap3A_592 = vector.shape_cast %swap3A_591 : vector<1x16xi32> to vector<16xi32>
    %swap3A_593 = vector.shape_cast %convert_element_type3A_587 : vector<16xi32> to vector<1x16xi32>
    tpu.vector_store %arg8[%swap3A_589, %swap3A_590], %swap3A_593 {strides = array<i32>} : memref<2x64xi32, #tpu.memory_space<vmem>>, vector<1x16xi32>,
    %barrier3A = arith.constant 0 : index
    tpu.barrier barrier_id(%barrier3A)
    %broadcast_in_dim3A_594 = arith.constant 1.000000e+00 : f32
    %broadcast_in_dim3A_595 = vector.broadcast %broadcast_in_dim3A_594 : f32 to vector<16xf32>
    %dma_wait3A = arith.constant 0 : i32
    %dma_wait3A_596 = arith.constant 0 : i32
    %dma_wait3A_597 = arith.constant 0 : i32
    %dma_wait3A_598 = tpu.memref_slice %arg6[%dma_wait3A, %dma_wait3A_596, %dma_wait3A_597] : memref<2x64x128xf32, #tpu.memory_space<vmem>> -> memref<1x64x128xf32, #tpu.memory_space<vmem>>
    %dma_wait3A_599 = tpu.memref_squeeze %dma_wait3A_598 : memref<1x64x128xf32, #tpu.memory_space<vmem>> -> memref<64x128xf32, #tpu.memory_space<vmem>>
    %dma_wait3A_600 = arith.constant 0 : i32
    %dma_wait3A_601 = tpu.memref_slice %arg2[%add3A_4, %dma_wait3A_600] : memref<16384x128xf32, #tpu.memory_space<hbm>> -> memref<64x128xf32, #tpu.memory_space<hbm>>
    %dma_wait3A_602 = arith.constant 0 : i32
    %dma_wait3A_603 = arith.constant 0 : i32
    %dma_wait3A_604 = tpu.memref_slice %arg6[%dma_wait3A, %dma_wait3A_602, %dma_wait3A_603] : memref<2x64x128xf32, #tpu.memory_space<vmem>> -> memref<1x64x128xf32, #tpu.memory_space<vmem>>
    %dma_wait3A_605 = tpu.memref_squeeze %dma_wait3A_604 : memref<1x64x128xf32, #tpu.memory_space<vmem>> -> memref<64x128xf32, #tpu.memory_space<vmem>>
    %dma_wait3A_606 = arith.constant 0 : i32
    %dma_wait3A_607 = tpu.memref_slice %arg2[%add3A_4, %dma_wait3A_606] : memref<16384x128xf32, #tpu.memory_space<hbm>> -> memref<64x128xf32, #tpu.memory_space<hbm>>
    tpu.wait_dma2 semaphore(%arg14 : memref<!tpu.dma_semaphore, #tpu.memory_space<semaphore_mem>>) src(%dma_wait3A_607 : memref<64x128xf32, #tpu.memory_space<hbm>>) dst(%dma_wait3A_605 : memref<64x128xf32, #tpu.memory_space<vmem>>)
    %scan3A = arith.constant 0 : i32
    %scan3A_608 = arith.constant 8 : i32
    %scan3A_609 = arith.addi %scan3A, %scan3A_608 : i32
    %scan3A_610 = arith.constant 1 : i32
    scf.for %scan3A_911 = %scan3A to %scan3A_609 step %scan3A_610  : i32 {
      %mul3A_912 = arith.constant 8 : i32
      %mul3A_913 = arith.muli %scan3A_911, %mul3A_912 : i32
      %add3A_914 = arith.constant 0 : i32
      %add3A_915 = arith.addi %mul3A_913, %add3A_914 : i32
      %get3A_916 = arith.constant 0 : i32
      %get3A_917 = arith.index_cast %get3A_916 : i32 to index
      %get3A_918 = arith.index_cast %add3A_915 : i32 to index
      %get3A_919 = arith.constant 0 : index
      %get3A_920 = tpu.vector_load %arg6[%get3A_917, %get3A_918, %get3A_919] {strides = array<i32>} : memref<2x64x128xf32, #tpu.memory_space<vmem>>, vector<1x1x16xf32>,
      %get3A_921 = vector.shape_cast %get3A_920 : vector<1x1x16xf32> to vector<16xf32>
      %mul3A_922 = arith.mulf %get3A_921, %get3A_921 : vector<16xf32>
      %add3A_923 = arith.constant 0 : i32
      %add3A_924 = arith.addi %mul3A_913, %add3A_923 : i32
      %get3A_925 = arith.constant 0 : i32
      %get3A_926 = arith.index_cast %get3A_925 : i32 to index
      %get3A_927 = arith.index_cast %add3A_924 : i32 to index
      %get3A_928 = arith.constant 16 : index
      %get3A_929 = tpu.vector_load %arg6[%get3A_926, %get3A_927, %get3A_928] {strides = array<i32>} : memref<2x64x128xf32, #tpu.memory_space<vmem>>, vector<1x1x16xf32>,
      %get3A_930 = vector.shape_cast %get3A_929 : vector<1x1x16xf32> to vector<16xf32>
      %mul3A_931 = arith.mulf %get3A_930, %get3A_930 : vector<16xf32>
      %add3A_932 = arith.constant 0 : i32
      %add3A_933 = arith.addi %mul3A_913, %add3A_932 : i32
      %get3A_934 = arith.constant 0 : i32
      %get3A_935 = arith.index_cast %get3A_934 : i32 to index
      %get3A_936 = arith.index_cast %add3A_933 : i32 to index
      %get3A_937 = arith.constant 32 : index
      %get3A_938 = tpu.vector_load %arg6[%get3A_935, %get3A_936, %get3A_937] {strides = array<i32>} : memref<2x64x128xf32, #tpu.memory_space<vmem>>, vector<1x1x16xf32>,
      %get3A_939 = vector.shape_cast %get3A_938 : vector<1x1x16xf32> to vector<16xf32>
      %mul3A_940 = arith.mulf %get3A_939, %get3A_939 : vector<16xf32>
      %add3A_941 = arith.constant 0 : i32
      %add3A_942 = arith.addi %mul3A_913, %add3A_941 : i32
      %get3A_943 = arith.constant 0 : i32
      %get3A_944 = arith.index_cast %get3A_943 : i32 to index
      %get3A_945 = arith.index_cast %add3A_942 : i32 to index
      %get3A_946 = arith.constant 48 : index
      %get3A_947 = tpu.vector_load %arg6[%get3A_944, %get3A_945, %get3A_946] {strides = array<i32>} : memref<2x64x128xf32, #tpu.memory_space<vmem>>, vector<1x1x16xf32>,
      %get3A_948 = vector.shape_cast %get3A_947 : vector<1x1x16xf32> to vector<16xf32>
      %mul3A_949 = arith.mulf %get3A_948, %get3A_948 : vector<16xf32>
      %add3A_950 = arith.constant 0 : i32
      %add3A_951 = arith.addi %mul3A_913, %add3A_950 : i32
      %get3A_952 = arith.constant 0 : i32
      %get3A_953 = arith.index_cast %get3A_952 : i32 to index
      %get3A_954 = arith.index_cast %add3A_951 : i32 to index
      %get3A_955 = arith.constant 64 : index
      %get3A_956 = tpu.vector_load %arg6[%get3A_953, %get3A_954, %get3A_955] {strides = array<i32>} : memref<2x64x128xf32, #tpu.memory_space<vmem>>, vector<1x1x16xf32>,
      %get3A_957 = vector.shape_cast %get3A_956 : vector<1x1x16xf32> to vector<16xf32>
      %mul3A_958 = arith.mulf %get3A_957, %get3A_957 : vector<16xf32>
      %add3A_959 = arith.constant 0 : i32
      %add3A_960 = arith.addi %mul3A_913, %add3A_959 : i32
      %get3A_961 = arith.constant 0 : i32
      %get3A_962 = arith.index_cast %get3A_961 : i32 to index
      %get3A_963 = arith.index_cast %add3A_960 : i32 to index
      %get3A_964 = arith.constant 80 : index
      %get3A_965 = tpu.vector_load %arg6[%get3A_962, %get3A_963, %get3A_964] {strides = array<i32>} : memref<2x64x128xf32, #tpu.memory_space<vmem>>, vector<1x1x16xf32>,
      %get3A_966 = vector.shape_cast %get3A_965 : vector<1x1x16xf32> to vector<16xf32>
      %mul3A_967 = arith.mulf %get3A_966, %get3A_966 : vector<16xf32>
      %add3A_968 = arith.constant 0 : i32
      %add3A_969 = arith.addi %mul3A_913, %add3A_968 : i32
      %get3A_970 = arith.constant 0 : i32
      %get3A_971 = arith.index_cast %get3A_970 : i32 to index
      %get3A_972 = arith.index_cast %add3A_969 : i32 to index
      %get3A_973 = arith.constant 96 : index
      %get3A_974 = tpu.vector_load %arg6[%get3A_971, %get3A_972, %get3A_973] {strides = array<i32>} : memref<2x64x128xf32, #tpu.memory_space<vmem>>, vector<1x1x16xf32>,
      %get3A_975 = vector.shape_cast %get3A_974 : vector<1x1x16xf32> to vector<16xf32>
      %mul3A_976 = arith.mulf %get3A_975, %get3A_975 : vector<16xf32>
      %add3A_977 = arith.constant 0 : i32
      %add3A_978 = arith.addi %mul3A_913, %add3A_977 : i32
      %get3A_979 = arith.constant 0 : i32
      %get3A_980 = arith.index_cast %get3A_979 : i32 to index
      %get3A_981 = arith.index_cast %add3A_978 : i32 to index
      %get3A_982 = arith.constant 112 : index
      %get3A_983 = tpu.vector_load %arg6[%get3A_980, %get3A_981, %get3A_982] {strides = array<i32>} : memref<2x64x128xf32, #tpu.memory_space<vmem>>, vector<1x1x16xf32>,
      %get3A_984 = vector.shape_cast %get3A_983 : vector<1x1x16xf32> to vector<16xf32>
      %mul3A_985 = arith.mulf %get3A_984, %get3A_984 : vector<16xf32>
      %add3A_986 = arith.addf %mul3A_922, %mul3A_931 : vector<16xf32>
      %add3A_987 = arith.addf %mul3A_940, %mul3A_949 : vector<16xf32>
      %add3A_988 = arith.addf %mul3A_958, %mul3A_967 : vector<16xf32>
      %add3A_989 = arith.addf %mul3A_976, %mul3A_985 : vector<16xf32>
      %add3A_990 = arith.addf %add3A_986, %add3A_987 : vector<16xf32>
      %add3A_991 = arith.addf %add3A_988, %add3A_989 : vector<16xf32>
      %add3A_992 = arith.addf %add3A_990, %add3A_991 : vector<16xf32>
      %add3A_993 = arith.constant 0 : i32
      %add3A_994 = arith.addi %mul3A_913, %add3A_993 : i32
      %swap3A_995 = arith.constant 0 : i32
      %swap3A_996 = arith.index_cast %swap3A_995 : i32 to index
      %swap3A_997 = arith.index_cast %add3A_994 : i32 to index
      %swap3A_998 = arith.constant 0 : index
      %swap3A_999 = tpu.vector_load %arg9[%swap3A_996, %swap3A_997, %swap3A_998] {strides = array<i32>} : memref<2x64x32xf32, #tpu.memory_space<vmem>>, vector<1x1x16xf32>,
      %swap3A_1000 = vector.shape_cast %swap3A_999 : vector<1x1x16xf32> to vector<16xf32>
      %swap3A_1001 = vector.shape_cast %add3A_992 : vector<16xf32> to vector<1x1x16xf32>
      tpu.vector_store %arg9[%swap3A_996, %swap3A_997, %swap3A_998], %swap3A_1001 {strides = array<i32>} : memref<2x64x32xf32, #tpu.memory_space<vmem>>, vector<1x1x16xf32>,
      %add3A_1002 = arith.constant 0 : i32
      %add3A_1003 = arith.addi %mul3A_913, %add3A_1002 : i32
      %swap3A_1004 = arith.constant 0 : i32
      %swap3A_1005 = arith.index_cast %swap3A_1004 : i32 to index
      %swap3A_1006 = arith.index_cast %add3A_1003 : i32 to index
      %swap3A_1007 = arith.constant 16 : index
      %swap3A_1008 = tpu.vector_load %arg9[%swap3A_1005, %swap3A_1006, %swap3A_1007] {strides = array<i32>} : memref<2x64x32xf32, #tpu.memory_space<vmem>>, vector<1x1x16xf32>,
      %swap3A_1009 = vector.shape_cast %swap3A_1008 : vector<1x1x16xf32> to vector<16xf32>
      %swap3A_1010 = vector.shape_cast %broadcast_in_dim3A_595 : vector<16xf32> to vector<1x1x16xf32>
      tpu.vector_store %arg9[%swap3A_1005, %swap3A_1006, %swap3A_1007], %swap3A_1010 {strides = array<i32>} : memref<2x64x32xf32, #tpu.memory_space<vmem>>, vector<1x1x16xf32>,
      %add3A_1011 = arith.constant 1 : i32
      %add3A_1012 = arith.addi %mul3A_913, %add3A_1011 : i32
      %get3A_1013 = arith.constant 0 : i32
      %get3A_1014 = arith.index_cast %get3A_1013 : i32 to index
      %get3A_1015 = arith.index_cast %add3A_1012 : i32 to index
      %get3A_1016 = arith.constant 0 : index
      %get3A_1017 = tpu.vector_load %arg6[%get3A_1014, %get3A_1015, %get3A_1016] {strides = array<i32>} : memref<2x64x128xf32, #tpu.memory_space<vmem>>, vector<1x1x16xf32>,
      %get3A_1018 = vector.shape_cast %get3A_1017 : vector<1x1x16xf32> to vector<16xf32>
      %mul3A_1019 = arith.mulf %get3A_1018, %get3A_1018 : vector<16xf32>
      %add3A_1020 = arith.constant 1 : i32
      %add3A_1021 = arith.addi %mul3A_913, %add3A_1020 : i32
      %get3A_1022 = arith.constant 0 : i32
      %get3A_1023 = arith.index_cast %get3A_1022 : i32 to index
      %get3A_1024 = arith.index_cast %add3A_1021 : i32 to index
      %get3A_1025 = arith.constant 16 : index
      %get3A_1026 = tpu.vector_load %arg6[%get3A_1023, %get3A_1024, %get3A_1025] {strides = array<i32>} : memref<2x64x128xf32, #tpu.memory_space<vmem>>, vector<1x1x16xf32>,
      %get3A_1027 = vector.shape_cast %get3A_1026 : vector<1x1x16xf32> to vector<16xf32>
      %mul3A_1028 = arith.mulf %get3A_1027, %get3A_1027 : vector<16xf32>
      %add3A_1029 = arith.constant 1 : i32
      %add3A_1030 = arith.addi %mul3A_913, %add3A_1029 : i32
      %get3A_1031 = arith.constant 0 : i32
      %get3A_1032 = arith.index_cast %get3A_1031 : i32 to index
      %get3A_1033 = arith.index_cast %add3A_1030 : i32 to index
      %get3A_1034 = arith.constant 32 : index
      %get3A_1035 = tpu.vector_load %arg6[%get3A_1032, %get3A_1033, %get3A_1034] {strides = array<i32>} : memref<2x64x128xf32, #tpu.memory_space<vmem>>, vector<1x1x16xf32>,
      %get3A_1036 = vector.shape_cast %get3A_1035 : vector<1x1x16xf32> to vector<16xf32>
      %mul3A_1037 = arith.mulf %get3A_1036, %get3A_1036 : vector<16xf32>
      %add3A_1038 = arith.constant 1 : i32
      %add3A_1039 = arith.addi %mul3A_913, %add3A_1038 : i32
      %get3A_1040 = arith.constant 0 : i32
      %get3A_1041 = arith.index_cast %get3A_1040 : i32 to index
      %get3A_1042 = arith.index_cast %add3A_1039 : i32 to index
      %get3A_1043 = arith.constant 48 : index
      %get3A_1044 = tpu.vector_load %arg6[%get3A_1041, %get3A_1042, %get3A_1043] {strides = array<i32>} : memref<2x64x128xf32, #tpu.memory_space<vmem>>, vector<1x1x16xf32>,
      %get3A_1045 = vector.shape_cast %get3A_1044 : vector<1x1x16xf32> to vector<16xf32>
      %mul3A_1046 = arith.mulf %get3A_1045, %get3A_1045 : vector<16xf32>
      %add3A_1047 = arith.constant 1 : i32
      %add3A_1048 = arith.addi %mul3A_913, %add3A_1047 : i32
      %get3A_1049 = arith.constant 0 : i32
      %get3A_1050 = arith.index_cast %get3A_1049 : i32 to index
      %get3A_1051 = arith.index_cast %add3A_1048 : i32 to index
      %get3A_1052 = arith.constant 64 : index
      %get3A_1053 = tpu.vector_load %arg6[%get3A_1050, %get3A_1051, %get3A_1052] {strides = array<i32>} : memref<2x64x128xf32, #tpu.memory_space<vmem>>, vector<1x1x16xf32>,
      %get3A_1054 = vector.shape_cast %get3A_1053 : vector<1x1x16xf32> to vector<16xf32>
      %mul3A_1055 = arith.mulf %get3A_1054, %get3A_1054 : vector<16xf32>
      %add3A_1056 = arith.constant 1 : i32
      %add3A_1057 = arith.addi %mul3A_913, %add3A_1056 : i32
      %get3A_1058 = arith.constant 0 : i32
      %get3A_1059 = arith.index_cast %get3A_1058 : i32 to index
      %get3A_1060 = arith.index_cast %add3A_1057 : i32 to index
      %get3A_1061 = arith.constant 80 : index
      %get3A_1062 = tpu.vector_load %arg6[%get3A_1059, %get3A_1060, %get3A_1061] {strides = array<i32>} : memref<2x64x128xf32, #tpu.memory_space<vmem>>, vector<1x1x16xf32>,
      %get3A_1063 = vector.shape_cast %get3A_1062 : vector<1x1x16xf32> to vector<16xf32>
      %mul3A_1064 = arith.mulf %get3A_1063, %get3A_1063 : vector<16xf32>
      %add3A_1065 = arith.constant 1 : i32
      %add3A_1066 = arith.addi %mul3A_913, %add3A_1065 : i32
      %get3A_1067 = arith.constant 0 : i32
      %get3A_1068 = arith.index_cast %get3A_1067 : i32 to index
      %get3A_1069 = arith.index_cast %add3A_1066 : i32 to index
      %get3A_1070 = arith.constant 96 : index
      %get3A_1071 = tpu.vector_load %arg6[%get3A_1068, %get3A_1069, %get3A_1070] {strides = array<i32>} : memref<2x64x128xf32, #tpu.memory_space<vmem>>, vector<1x1x16xf32>,
      %get3A_1072 = vector.shape_cast %get3A_1071 : vector<1x1x16xf32> to vector<16xf32>
      %mul3A_1073 = arith.mulf %get3A_1072, %get3A_1072 : vector<16xf32>
      %add3A_1074 = arith.constant 1 : i32
      %add3A_1075 = arith.addi %mul3A_913, %add3A_1074 : i32
      %get3A_1076 = arith.constant 0 : i32
      %get3A_1077 = arith.index_cast %get3A_1076 : i32 to index
      %get3A_1078 = arith.index_cast %add3A_1075 : i32 to index
      %get3A_1079 = arith.constant 112 : index
      %get3A_1080 = tpu.vector_load %arg6[%get3A_1077, %get3A_1078, %get3A_1079] {strides = array<i32>} : memref<2x64x128xf32, #tpu.memory_space<vmem>>, vector<1x1x16xf32>,
      %get3A_1081 = vector.shape_cast %get3A_1080 : vector<1x1x16xf32> to vector<16xf32>
      %mul3A_1082 = arith.mulf %get3A_1081, %get3A_1081 : vector<16xf32>
      %add3A_1083 = arith.addf %mul3A_1019, %mul3A_1028 : vector<16xf32>
      %add3A_1084 = arith.addf %mul3A_1037, %mul3A_1046 : vector<16xf32>
      %add3A_1085 = arith.addf %mul3A_1055, %mul3A_1064 : vector<16xf32>
      %add3A_1086 = arith.addf %mul3A_1073, %mul3A_1082 : vector<16xf32>
      %add3A_1087 = arith.addf %add3A_1083, %add3A_1084 : vector<16xf32>
      %add3A_1088 = arith.addf %add3A_1085, %add3A_1086 : vector<16xf32>
      %add3A_1089 = arith.addf %add3A_1087, %add3A_1088 : vector<16xf32>
      %add3A_1090 = arith.constant 1 : i32
      %add3A_1091 = arith.addi %mul3A_913, %add3A_1090 : i32
      %swap3A_1092 = arith.constant 0 : i32
      %swap3A_1093 = arith.index_cast %swap3A_1092 : i32 to index
      %swap3A_1094 = arith.index_cast %add3A_1091 : i32 to index
      %swap3A_1095 = arith.constant 0 : index
      %swap3A_1096 = tpu.vector_load %arg9[%swap3A_1093, %swap3A_1094, %swap3A_1095] {strides = array<i32>} : memref<2x64x32xf32, #tpu.memory_space<vmem>>, vector<1x1x16xf32>,
      %swap3A_1097 = vector.shape_cast %swap3A_1096 : vector<1x1x16xf32> to vector<16xf32>
      %swap3A_1098 = vector.shape_cast %add3A_1089 : vector<16xf32> to vector<1x1x16xf32>
      tpu.vector_store %arg9[%swap3A_1093, %swap3A_1094, %swap3A_1095], %swap3A_1098 {strides = array<i32>} : memref<2x64x32xf32, #tpu.memory_space<vmem>>, vector<1x1x16xf32>,
      %add3A_1099 = arith.constant 1 : i32
      %add3A_1100 = arith.addi %mul3A_913, %add3A_1099 : i32
      %swap3A_1101 = arith.constant 0 : i32
      %swap3A_1102 = arith.index_cast %swap3A_1101 : i32 to index
      %swap3A_1103 = arith.index_cast %add3A_1100 : i32 to index
      %swap3A_1104 = arith.constant 16 : index
      %swap3A_1105 = tpu.vector_load %arg9[%swap3A_1102, %swap3A_1103, %swap3A_1104] {strides = array<i32>} : memref<2x64x32xf32, #tpu.memory_space<vmem>>, vector<1x1x16xf32>,
      %swap3A_1106 = vector.shape_cast %swap3A_1105 : vector<1x1x16xf32> to vector<16xf32>
      %swap3A_1107 = vector.shape_cast %broadcast_in_dim3A_595 : vector<16xf32> to vector<1x1x16xf32>
      tpu.vector_store %arg9[%swap3A_1102, %swap3A_1103, %swap3A_1104], %swap3A_1107 {strides = array<i32>} : memref<2x64x32xf32, #tpu.memory_space<vmem>>, vector<1x1x16xf32>,
      %add3A_1108 = arith.constant 2 : i32
      %add3A_1109 = arith.addi %mul3A_913, %add3A_1108 : i32
      %get3A_1110 = arith.constant 0 : i32
      %get3A_1111 = arith.index_cast %get3A_1110 : i32 to index
      %get3A_1112 = arith.index_cast %add3A_1109 : i32 to index
      %get3A_1113 = arith.constant 0 : index
      %get3A_1114 = tpu.vector_load %arg6[%get3A_1111, %get3A_1112, %get3A_1113] {strides = array<i32>} : memref<2x64x128xf32, #tpu.memory_space<vmem>>, vector<1x1x16xf32>,
      %get3A_1115 = vector.shape_cast %get3A_1114 : vector<1x1x16xf32> to vector<16xf32>
      %mul3A_1116 = arith.mulf %get3A_1115, %get3A_1115 : vector<16xf32>
      %add3A_1117 = arith.constant 2 : i32
      %add3A_1118 = arith.addi %mul3A_913, %add3A_1117 : i32
      %get3A_1119 = arith.constant 0 : i32
      %get3A_1120 = arith.index_cast %get3A_1119 : i32 to index
      %get3A_1121 = arith.index_cast %add3A_1118 : i32 to index
      %get3A_1122 = arith.constant 16 : index
      %get3A_1123 = tpu.vector_load %arg6[%get3A_1120, %get3A_1121, %get3A_1122] {strides = array<i32>} : memref<2x64x128xf32, #tpu.memory_space<vmem>>, vector<1x1x16xf32>,
      %get3A_1124 = vector.shape_cast %get3A_1123 : vector<1x1x16xf32> to vector<16xf32>
      %mul3A_1125 = arith.mulf %get3A_1124, %get3A_1124 : vector<16xf32>
      %add3A_1126 = arith.constant 2 : i32
      %add3A_1127 = arith.addi %mul3A_913, %add3A_1126 : i32
      %get3A_1128 = arith.constant 0 : i32
      %get3A_1129 = arith.index_cast %get3A_1128 : i32 to index
      %get3A_1130 = arith.index_cast %add3A_1127 : i32 to index
      %get3A_1131 = arith.constant 32 : index
      %get3A_1132 = tpu.vector_load %arg6[%get3A_1129, %get3A_1130, %get3A_1131] {strides = array<i32>} : memref<2x64x128xf32, #tpu.memory_space<vmem>>, vector<1x1x16xf32>,
      %get3A_1133 = vector.shape_cast %get3A_1132 : vector<1x1x16xf32> to vector<16xf32>
      %mul3A_1134 = arith.mulf %get3A_1133, %get3A_1133 : vector<16xf32>
      %add3A_1135 = arith.constant 2 : i32
      %add3A_1136 = arith.addi %mul3A_913, %add3A_1135 : i32
      %get3A_1137 = arith.constant 0 : i32
      %get3A_1138 = arith.index_cast %get3A_1137 : i32 to index
      %get3A_1139 = arith.index_cast %add3A_1136 : i32 to index
      %get3A_1140 = arith.constant 48 : index
      %get3A_1141 = tpu.vector_load %arg6[%get3A_1138, %get3A_1139, %get3A_1140] {strides = array<i32>} : memref<2x64x128xf32, #tpu.memory_space<vmem>>, vector<1x1x16xf32>,
      %get3A_1142 = vector.shape_cast %get3A_1141 : vector<1x1x16xf32> to vector<16xf32>
      %mul3A_1143 = arith.mulf %get3A_1142, %get3A_1142 : vector<16xf32>
      %add3A_1144 = arith.constant 2 : i32
      %add3A_1145 = arith.addi %mul3A_913, %add3A_1144 : i32
      %get3A_1146 = arith.constant 0 : i32
      %get3A_1147 = arith.index_cast %get3A_1146 : i32 to index
      %get3A_1148 = arith.index_cast %add3A_1145 : i32 to index
      %get3A_1149 = arith.constant 64 : index
      %get3A_1150 = tpu.vector_load %arg6[%get3A_1147, %get3A_1148, %get3A_1149] {strides = array<i32>} : memref<2x64x128xf32, #tpu.memory_space<vmem>>, vector<1x1x16xf32>,
      %get3A_1151 = vector.shape_cast %get3A_1150 : vector<1x1x16xf32> to vector<16xf32>
      %mul3A_1152 = arith.mulf %get3A_1151, %get3A_1151 : vector<16xf32>
      %add3A_1153 = arith.constant 2 : i32
      %add3A_1154 = arith.addi %mul3A_913, %add3A_1153 : i32
      %get3A_1155 = arith.constant 0 : i32
      %get3A_1156 = arith.index_cast %get3A_1155 : i32 to index
      %get3A_1157 = arith.index_cast %add3A_1154 : i32 to index
      %get3A_1158 = arith.constant 80 : index
      %get3A_1159 = tpu.vector_load %arg6[%get3A_1156, %get3A_1157, %get3A_1158] {strides = array<i32>} : memref<2x64x128xf32, #tpu.memory_space<vmem>>, vector<1x1x16xf32>,
      %get3A_1160 = vector.shape_cast %get3A_1159 : vector<1x1x16xf32> to vector<16xf32>
      %mul3A_1161 = arith.mulf %get3A_1160, %get3A_1160 : vector<16xf32>
      %add3A_1162 = arith.constant 2 : i32
      %add3A_1163 = arith.addi %mul3A_913, %add3A_1162 : i32
      %get3A_1164 = arith.constant 0 : i32
      %get3A_1165 = arith.index_cast %get3A_1164 : i32 to index
      %get3A_1166 = arith.index_cast %add3A_1163 : i32 to index
      %get3A_1167 = arith.constant 96 : index
      %get3A_1168 = tpu.vector_load %arg6[%get3A_1165, %get3A_1166, %get3A_1167] {strides = array<i32>} : memref<2x64x128xf32, #tpu.memory_space<vmem>>, vector<1x1x16xf32>,
      %get3A_1169 = vector.shape_cast %get3A_1168 : vector<1x1x16xf32> to vector<16xf32>
      %mul3A_1170 = arith.mulf %get3A_1169, %get3A_1169 : vector<16xf32>
      %add3A_1171 = arith.constant 2 : i32
      %add3A_1172 = arith.addi %mul3A_913, %add3A_1171 : i32
      %get3A_1173 = arith.constant 0 : i32
      %get3A_1174 = arith.index_cast %get3A_1173 : i32 to index
      %get3A_1175 = arith.index_cast %add3A_1172 : i32 to index
      %get3A_1176 = arith.constant 112 : index
      %get3A_1177 = tpu.vector_load %arg6[%get3A_1174, %get3A_1175, %get3A_1176] {strides = array<i32>} : memref<2x64x128xf32, #tpu.memory_space<vmem>>, vector<1x1x16xf32>,
      %get3A_1178 = vector.shape_cast %get3A_1177 : vector<1x1x16xf32> to vector<16xf32>
      %mul3A_1179 = arith.mulf %get3A_1178, %get3A_1178 : vector<16xf32>
      %add3A_1180 = arith.addf %mul3A_1116, %mul3A_1125 : vector<16xf32>
      %add3A_1181 = arith.addf %mul3A_1134, %mul3A_1143 : vector<16xf32>
      %add3A_1182 = arith.addf %mul3A_1152, %mul3A_1161 : vector<16xf32>
      %add3A_1183 = arith.addf %mul3A_1170, %mul3A_1179 : vector<16xf32>
      %add3A_1184 = arith.addf %add3A_1180, %add3A_1181 : vector<16xf32>
      %add3A_1185 = arith.addf %add3A_1182, %add3A_1183 : vector<16xf32>
      %add3A_1186 = arith.addf %add3A_1184, %add3A_1185 : vector<16xf32>
      %add3A_1187 = arith.constant 2 : i32
      %add3A_1188 = arith.addi %mul3A_913, %add3A_1187 : i32
      %swap3A_1189 = arith.constant 0 : i32
      %swap3A_1190 = arith.index_cast %swap3A_1189 : i32 to index
      %swap3A_1191 = arith.index_cast %add3A_1188 : i32 to index
      %swap3A_1192 = arith.constant 0 : index
      %swap3A_1193 = tpu.vector_load %arg9[%swap3A_1190, %swap3A_1191, %swap3A_1192] {strides = array<i32>} : memref<2x64x32xf32, #tpu.memory_space<vmem>>, vector<1x1x16xf32>,
      %swap3A_1194 = vector.shape_cast %swap3A_1193 : vector<1x1x16xf32> to vector<16xf32>
      %swap3A_1195 = vector.shape_cast %add3A_1186 : vector<16xf32> to vector<1x1x16xf32>
      tpu.vector_store %arg9[%swap3A_1190, %swap3A_1191, %swap3A_1192], %swap3A_1195 {strides = array<i32>} : memref<2x64x32xf32, #tpu.memory_space<vmem>>, vector<1x1x16xf32>,
      %add3A_1196 = arith.constant 2 : i32
      %add3A_1197 = arith.addi %mul3A_913, %add3A_1196 : i32
      %swap3A_1198 = arith.constant 0 : i32
      %swap3A_1199 = arith.index_cast %swap3A_1198 : i32 to index
      %swap3A_1200 = arith.index_cast %add3A_1197 : i32 to index
      %swap3A_1201 = arith.constant 16 : index
      %swap3A_1202 = tpu.vector_load %arg9[%swap3A_1199, %swap3A_1200, %swap3A_1201] {strides = array<i32>} : memref<2x64x32xf32, #tpu.memory_space<vmem>>, vector<1x1x16xf32>,
      %swap3A_1203 = vector.shape_cast %swap3A_1202 : vector<1x1x16xf32> to vector<16xf32>
      %swap3A_1204 = vector.shape_cast %broadcast_in_dim3A_595 : vector<16xf32> to vector<1x1x16xf32>
      tpu.vector_store %arg9[%swap3A_1199, %swap3A_1200, %swap3A_1201], %swap3A_1204 {strides = array<i32>} : memref<2x64x32xf32, #tpu.memory_space<vmem>>, vector<1x1x16xf32>,
      %add3A_1205 = arith.constant 3 : i32
      %add3A_1206 = arith.addi %mul3A_913, %add3A_1205 : i32
      %get3A_1207 = arith.constant 0 : i32
      %get3A_1208 = arith.index_cast %get3A_1207 : i32 to index
      %get3A_1209 = arith.index_cast %add3A_1206 : i32 to index
      %get3A_1210 = arith.constant 0 : index
      %get3A_1211 = tpu.vector_load %arg6[%get3A_1208, %get3A_1209, %get3A_1210] {strides = array<i32>} : memref<2x64x128xf32, #tpu.memory_space<vmem>>, vector<1x1x16xf32>,
      %get3A_1212 = vector.shape_cast %get3A_1211 : vector<1x1x16xf32> to vector<16xf32>
      %mul3A_1213 = arith.mulf %get3A_1212, %get3A_1212 : vector<16xf32>
      %add3A_1214 = arith.constant 3 : i32
      %add3A_1215 = arith.addi %mul3A_913, %add3A_1214 : i32
      %get3A_1216 = arith.constant 0 : i32
      %get3A_1217 = arith.index_cast %get3A_1216 : i32 to index
      %get3A_1218 = arith.index_cast %add3A_1215 : i32 to index
      %get3A_1219 = arith.constant 16 : index
      %get3A_1220 = tpu.vector_load %arg6[%get3A_1217, %get3A_1218, %get3A_1219] {strides = array<i32>} : memref<2x64x128xf32, #tpu.memory_space<vmem>>, vector<1x1x16xf32>,
      %get3A_1221 = vector.shape_cast %get3A_1220 : vector<1x1x16xf32> to vector<16xf32>
      %mul3A_1222 = arith.mulf %get3A_1221, %get3A_1221 : vector<16xf32>
      %add3A_1223 = arith.constant 3 : i32
      %add3A_1224 = arith.addi %mul3A_913, %add3A_1223 : i32
      %get3A_1225 = arith.constant 0 : i32
      %get3A_1226 = arith.index_cast %get3A_1225 : i32 to index
      %get3A_1227 = arith.index_cast %add3A_1224 : i32 to index
      %get3A_1228 = arith.constant 32 : index
      %get3A_1229 = tpu.vector_load %arg6[%get3A_1226, %get3A_1227, %get3A_1228] {strides = array<i32>} : memref<2x64x128xf32, #tpu.memory_space<vmem>>, vector<1x1x16xf32>,
      %get3A_1230 = vector.shape_cast %get3A_1229 : vector<1x1x16xf32> to vector<16xf32>
      %mul3A_1231 = arith.mulf %get3A_1230, %get3A_1230 : vector<16xf32>
      %add3A_1232 = arith.constant 3 : i32
      %add3A_1233 = arith.addi %mul3A_913, %add3A_1232 : i32
      %get3A_1234 = arith.constant 0 : i32
      %get3A_1235 = arith.index_cast %get3A_1234 : i32 to index
      %get3A_1236 = arith.index_cast %add3A_1233 : i32 to index
      %get3A_1237 = arith.constant 48 : index
      %get3A_1238 = tpu.vector_load %arg6[%get3A_1235, %get3A_1236, %get3A_1237] {strides = array<i32>} : memref<2x64x128xf32, #tpu.memory_space<vmem>>, vector<1x1x16xf32>,
      %get3A_1239 = vector.shape_cast %get3A_1238 : vector<1x1x16xf32> to vector<16xf32>
      %mul3A_1240 = arith.mulf %get3A_1239, %get3A_1239 : vector<16xf32>
      %add3A_1241 = arith.constant 3 : i32
      %add3A_1242 = arith.addi %mul3A_913, %add3A_1241 : i32
      %get3A_1243 = arith.constant 0 : i32
      %get3A_1244 = arith.index_cast %get3A_1243 : i32 to index
      %get3A_1245 = arith.index_cast %add3A_1242 : i32 to index
      %get3A_1246 = arith.constant 64 : index
      %get3A_1247 = tpu.vector_load %arg6[%get3A_1244, %get3A_1245, %get3A_1246] {strides = array<i32>} : memref<2x64x128xf32, #tpu.memory_space<vmem>>, vector<1x1x16xf32>,
      %get3A_1248 = vector.shape_cast %get3A_1247 : vector<1x1x16xf32> to vector<16xf32>
      %mul3A_1249 = arith.mulf %get3A_1248, %get3A_1248 : vector<16xf32>
      %add3A_1250 = arith.constant 3 : i32
      %add3A_1251 = arith.addi %mul3A_913, %add3A_1250 : i32
      %get3A_1252 = arith.constant 0 : i32
      %get3A_1253 = arith.index_cast %get3A_1252 : i32 to index
      %get3A_1254 = arith.index_cast %add3A_1251 : i32 to index
      %get3A_1255 = arith.constant 80 : index
      %get3A_1256 = tpu.vector_load %arg6[%get3A_1253, %get3A_1254, %get3A_1255] {strides = array<i32>} : memref<2x64x128xf32, #tpu.memory_space<vmem>>, vector<1x1x16xf32>,
      %get3A_1257 = vector.shape_cast %get3A_1256 : vector<1x1x16xf32> to vector<16xf32>
      %mul3A_1258 = arith.mulf %get3A_1257, %get3A_1257 : vector<16xf32>
      %add3A_1259 = arith.constant 3 : i32
      %add3A_1260 = arith.addi %mul3A_913, %add3A_1259 : i32
      %get3A_1261 = arith.constant 0 : i32
      %get3A_1262 = arith.index_cast %get3A_1261 : i32 to index
      %get3A_1263 = arith.index_cast %add3A_1260 : i32 to index
      %get3A_1264 = arith.constant 96 : index
      %get3A_1265 = tpu.vector_load %arg6[%get3A_1262, %get3A_1263, %get3A_1264] {strides = array<i32>} : memref<2x64x128xf32, #tpu.memory_space<vmem>>, vector<1x1x16xf32>,
      %get3A_1266 = vector.shape_cast %get3A_1265 : vector<1x1x16xf32> to vector<16xf32>
      %mul3A_1267 = arith.mulf %get3A_1266, %get3A_1266 : vector<16xf32>
      %add3A_1268 = arith.constant 3 : i32
      %add3A_1269 = arith.addi %mul3A_913, %add3A_1268 : i32
      %get3A_1270 = arith.constant 0 : i32
      %get3A_1271 = arith.index_cast %get3A_1270 : i32 to index
      %get3A_1272 = arith.index_cast %add3A_1269 : i32 to index
      %get3A_1273 = arith.constant 112 : index
      %get3A_1274 = tpu.vector_load %arg6[%get3A_1271, %get3A_1272, %get3A_1273] {strides = array<i32>} : memref<2x64x128xf32, #tpu.memory_space<vmem>>, vector<1x1x16xf32>,
      %get3A_1275 = vector.shape_cast %get3A_1274 : vector<1x1x16xf32> to vector<16xf32>
      %mul3A_1276 = arith.mulf %get3A_1275, %get3A_1275 : vector<16xf32>
      %add3A_1277 = arith.addf %mul3A_1213, %mul3A_1222 : vector<16xf32>
      %add3A_1278 = arith.addf %mul3A_1231, %mul3A_1240 : vector<16xf32>
      %add3A_1279 = arith.addf %mul3A_1249, %mul3A_1258 : vector<16xf32>
      %add3A_1280 = arith.addf %mul3A_1267, %mul3A_1276 : vector<16xf32>
      %add3A_1281 = arith.addf %add3A_1277, %add3A_1278 : vector<16xf32>
      %add3A_1282 = arith.addf %add3A_1279, %add3A_1280 : vector<16xf32>
      %add3A_1283 = arith.addf %add3A_1281, %add3A_1282 : vector<16xf32>
      %add3A_1284 = arith.constant 3 : i32
      %add3A_1285 = arith.addi %mul3A_913, %add3A_1284 : i32
      %swap3A_1286 = arith.constant 0 : i32
      %swap3A_1287 = arith.index_cast %swap3A_1286 : i32 to index
      %swap3A_1288 = arith.index_cast %add3A_1285 : i32 to index
      %swap3A_1289 = arith.constant 0 : index
      %swap3A_1290 = tpu.vector_load %arg9[%swap3A_1287, %swap3A_1288, %swap3A_1289] {strides = array<i32>} : memref<2x64x32xf32, #tpu.memory_space<vmem>>, vector<1x1x16xf32>,
      %swap3A_1291 = vector.shape_cast %swap3A_1290 : vector<1x1x16xf32> to vector<16xf32>
      %swap3A_1292 = vector.shape_cast %add3A_1283 : vector<16xf32> to vector<1x1x16xf32>
      tpu.vector_store %arg9[%swap3A_1287, %swap3A_1288, %swap3A_1289], %swap3A_1292 {strides = array<i32>} : memref<2x64x32xf32, #tpu.memory_space<vmem>>, vector<1x1x16xf32>,
      %add3A_1293 = arith.constant 3 : i32
      %add3A_1294 = arith.addi %mul3A_913, %add3A_1293 : i32
      %swap3A_1295 = arith.constant 0 : i32
      %swap3A_1296 = arith.index_cast %swap3A_1295 : i32 to index
      %swap3A_1297 = arith.index_cast %add3A_1294 : i32 to index
      %swap3A_1298 = arith.constant 16 : index
      %swap3A_1299 = tpu.vector_load %arg9[%swap3A_1296, %swap3A_1297, %swap3A_1298] {strides = array<i32>} : memref<2x64x32xf32, #tpu.memory_space<vmem>>, vector<1x1x16xf32>,
      %swap3A_1300 = vector.shape_cast %swap3A_1299 : vector<1x1x16xf32> to vector<16xf32>
      %swap3A_1301 = vector.shape_cast %broadcast_in_dim3A_595 : vector<16xf32> to vector<1x1x16xf32>
      tpu.vector_store %arg9[%swap3A_1296, %swap3A_1297, %swap3A_1298], %swap3A_1301 {strides = array<i32>} : memref<2x64x32xf32, #tpu.memory_space<vmem>>, vector<1x1x16xf32>,
      %add3A_1302 = arith.constant 4 : i32
      %add3A_1303 = arith.addi %mul3A_913, %add3A_1302 : i32
      %get3A_1304 = arith.constant 0 : i32
      %get3A_1305 = arith.index_cast %get3A_1304 : i32 to index
      %get3A_1306 = arith.index_cast %add3A_1303 : i32 to index
      %get3A_1307 = arith.constant 0 : index
      %get3A_1308 = tpu.vector_load %arg6[%get3A_1305, %get3A_1306, %get3A_1307] {strides = array<i32>} : memref<2x64x128xf32, #tpu.memory_space<vmem>>, vector<1x1x16xf32>,
      %get3A_1309 = vector.shape_cast %get3A_1308 : vector<1x1x16xf32> to vector<16xf32>
      %mul3A_1310 = arith.mulf %get3A_1309, %get3A_1309 : vector<16xf32>
      %add3A_1311 = arith.constant 4 : i32
      %add3A_1312 = arith.addi %mul3A_913, %add3A_1311 : i32
      %get3A_1313 = arith.constant 0 : i32
      %get3A_1314 = arith.index_cast %get3A_1313 : i32 to index
      %get3A_1315 = arith.index_cast %add3A_1312 : i32 to index
      %get3A_1316 = arith.constant 16 : index
      %get3A_1317 = tpu.vector_load %arg6[%get3A_1314, %get3A_1315, %get3A_1316] {strides = array<i32>} : memref<2x64x128xf32, #tpu.memory_space<vmem>>, vector<1x1x16xf32>,
      %get3A_1318 = vector.shape_cast %get3A_1317 : vector<1x1x16xf32> to vector<16xf32>
      %mul3A_1319 = arith.mulf %get3A_1318, %get3A_1318 : vector<16xf32>
      %add3A_1320 = arith.constant 4 : i32
      %add3A_1321 = arith.addi %mul3A_913, %add3A_1320 : i32
      %get3A_1322 = arith.constant 0 : i32
      %get3A_1323 = arith.index_cast %get3A_1322 : i32 to index
      %get3A_1324 = arith.index_cast %add3A_1321 : i32 to index
      %get3A_1325 = arith.constant 32 : index
      %get3A_1326 = tpu.vector_load %arg6[%get3A_1323, %get3A_1324, %get3A_1325] {strides = array<i32>} : memref<2x64x128xf32, #tpu.memory_space<vmem>>, vector<1x1x16xf32>,
      %get3A_1327 = vector.shape_cast %get3A_1326 : vector<1x1x16xf32> to vector<16xf32>
      %mul3A_1328 = arith.mulf %get3A_1327, %get3A_1327 : vector<16xf32>
      %add3A_1329 = arith.constant 4 : i32
      %add3A_1330 = arith.addi %mul3A_913, %add3A_1329 : i32
      %get3A_1331 = arith.constant 0 : i32
      %get3A_1332 = arith.index_cast %get3A_1331 : i32 to index
      %get3A_1333 = arith.index_cast %add3A_1330 : i32 to index
      %get3A_1334 = arith.constant 48 : index
      %get3A_1335 = tpu.vector_load %arg6[%get3A_1332, %get3A_1333, %get3A_1334] {strides = array<i32>} : memref<2x64x128xf32, #tpu.memory_space<vmem>>, vector<1x1x16xf32>,
      %get3A_1336 = vector.shape_cast %get3A_1335 : vector<1x1x16xf32> to vector<16xf32>
      %mul3A_1337 = arith.mulf %get3A_1336, %get3A_1336 : vector<16xf32>
      %add3A_1338 = arith.constant 4 : i32
      %add3A_1339 = arith.addi %mul3A_913, %add3A_1338 : i32
      %get3A_1340 = arith.constant 0 : i32
      %get3A_1341 = arith.index_cast %get3A_1340 : i32 to index
      %get3A_1342 = arith.index_cast %add3A_1339 : i32 to index
      %get3A_1343 = arith.constant 64 : index
      %get3A_1344 = tpu.vector_load %arg6[%get3A_1341, %get3A_1342, %get3A_1343] {strides = array<i32>} : memref<2x64x128xf32, #tpu.memory_space<vmem>>, vector<1x1x16xf32>,
      %get3A_1345 = vector.shape_cast %get3A_1344 : vector<1x1x16xf32> to vector<16xf32>
      %mul3A_1346 = arith.mulf %get3A_1345, %get3A_1345 : vector<16xf32>
      %add3A_1347 = arith.constant 4 : i32
      %add3A_1348 = arith.addi %mul3A_913, %add3A_1347 : i32
      %get3A_1349 = arith.constant 0 : i32
      %get3A_1350 = arith.index_cast %get3A_1349 : i32 to index
      %get3A_1351 = arith.index_cast %add3A_1348 : i32 to index
      %get3A_1352 = arith.constant 80 : index
      %get3A_1353 = tpu.vector_load %arg6[%get3A_1350, %get3A_1351, %get3A_1352] {strides = array<i32>} : memref<2x64x128xf32, #tpu.memory_space<vmem>>, vector<1x1x16xf32>,
      %get3A_1354 = vector.shape_cast %get3A_1353 : vector<1x1x16xf32> to vector<16xf32>
      %mul3A_1355 = arith.mulf %get3A_1354, %get3A_1354 : vector<16xf32>
      %add3A_1356 = arith.constant 4 : i32
      %add3A_1357 = arith.addi %mul3A_913, %add3A_1356 : i32
      %get3A_1358 = arith.constant 0 : i32
      %get3A_1359 = arith.index_cast %get3A_1358 : i32 to index
      %get3A_1360 = arith.index_cast %add3A_1357 : i32 to index
      %get3A_1361 = arith.constant 96 : index
      %get3A_1362 = tpu.vector_load %arg6[%get3A_1359, %get3A_1360, %get3A_1361] {strides = array<i32>} : memref<2x64x128xf32, #tpu.memory_space<vmem>>, vector<1x1x16xf32>,
      %get3A_1363 = vector.shape_cast %get3A_1362 : vector<1x1x16xf32> to vector<16xf32>
      %mul3A_1364 = arith.mulf %get3A_1363, %get3A_1363 : vector<16xf32>
      %add3A_1365 = arith.constant 4 : i32
      %add3A_1366 = arith.addi %mul3A_913, %add3A_1365 : i32
      %get3A_1367 = arith.constant 0 : i32
      %get3A_1368 = arith.index_cast %get3A_1367 : i32 to index
      %get3A_1369 = arith.index_cast %add3A_1366 : i32 to index
      %get3A_1370 = arith.constant 112 : index
      %get3A_1371 = tpu.vector_load %arg6[%get3A_1368, %get3A_1369, %get3A_1370] {strides = array<i32>} : memref<2x64x128xf32, #tpu.memory_space<vmem>>, vector<1x1x16xf32>,
      %get3A_1372 = vector.shape_cast %get3A_1371 : vector<1x1x16xf32> to vector<16xf32>
      %mul3A_1373 = arith.mulf %get3A_1372, %get3A_1372 : vector<16xf32>
      %add3A_1374 = arith.addf %mul3A_1310, %mul3A_1319 : vector<16xf32>
      %add3A_1375 = arith.addf %mul3A_1328, %mul3A_1337 : vector<16xf32>
      %add3A_1376 = arith.addf %mul3A_1346, %mul3A_1355 : vector<16xf32>
      %add3A_1377 = arith.addf %mul3A_1364, %mul3A_1373 : vector<16xf32>
      %add3A_1378 = arith.addf %add3A_1374, %add3A_1375 : vector<16xf32>
      %add3A_1379 = arith.addf %add3A_1376, %add3A_1377 : vector<16xf32>
      %add3A_1380 = arith.addf %add3A_1378, %add3A_1379 : vector<16xf32>
      %add3A_1381 = arith.constant 4 : i32
      %add3A_1382 = arith.addi %mul3A_913, %add3A_1381 : i32
      %swap3A_1383 = arith.constant 0 : i32
      %swap3A_1384 = arith.index_cast %swap3A_1383 : i32 to index
      %swap3A_1385 = arith.index_cast %add3A_1382 : i32 to index
      %swap3A_1386 = arith.constant 0 : index
      %swap3A_1387 = tpu.vector_load %arg9[%swap3A_1384, %swap3A_1385, %swap3A_1386] {strides = array<i32>} : memref<2x64x32xf32, #tpu.memory_space<vmem>>, vector<1x1x16xf32>,
      %swap3A_1388 = vector.shape_cast %swap3A_1387 : vector<1x1x16xf32> to vector<16xf32>
      %swap3A_1389 = vector.shape_cast %add3A_1380 : vector<16xf32> to vector<1x1x16xf32>
      tpu.vector_store %arg9[%swap3A_1384, %swap3A_1385, %swap3A_1386], %swap3A_1389 {strides = array<i32>} : memref<2x64x32xf32, #tpu.memory_space<vmem>>, vector<1x1x16xf32>,
      %add3A_1390 = arith.constant 4 : i32
      %add3A_1391 = arith.addi %mul3A_913, %add3A_1390 : i32
      %swap3A_1392 = arith.constant 0 : i32
      %swap3A_1393 = arith.index_cast %swap3A_1392 : i32 to index
      %swap3A_1394 = arith.index_cast %add3A_1391 : i32 to index
      %swap3A_1395 = arith.constant 16 : index
      %swap3A_1396 = tpu.vector_load %arg9[%swap3A_1393, %swap3A_1394, %swap3A_1395] {strides = array<i32>} : memref<2x64x32xf32, #tpu.memory_space<vmem>>, vector<1x1x16xf32>,
      %swap3A_1397 = vector.shape_cast %swap3A_1396 : vector<1x1x16xf32> to vector<16xf32>
      %swap3A_1398 = vector.shape_cast %broadcast_in_dim3A_595 : vector<16xf32> to vector<1x1x16xf32>
      tpu.vector_store %arg9[%swap3A_1393, %swap3A_1394, %swap3A_1395], %swap3A_1398 {strides = array<i32>} : memref<2x64x32xf32, #tpu.memory_space<vmem>>, vector<1x1x16xf32>,
      %add3A_1399 = arith.constant 5 : i32
      %add3A_1400 = arith.addi %mul3A_913, %add3A_1399 : i32
      %get3A_1401 = arith.constant 0 : i32
      %get3A_1402 = arith.index_cast %get3A_1401 : i32 to index
      %get3A_1403 = arith.index_cast %add3A_1400 : i32 to index
      %get3A_1404 = arith.constant 0 : index
      %get3A_1405 = tpu.vector_load %arg6[%get3A_1402, %get3A_1403, %get3A_1404] {strides = array<i32>} : memref<2x64x128xf32, #tpu.memory_space<vmem>>, vector<1x1x16xf32>,
      %get3A_1406 = vector.shape_cast %get3A_1405 : vector<1x1x16xf32> to vector<16xf32>
      %mul3A_1407 = arith.mulf %get3A_1406, %get3A_1406 : vector<16xf32>
      %add3A_1408 = arith.constant 5 : i32
      %add3A_1409 = arith.addi %mul3A_913, %add3A_1408 : i32
      %get3A_1410 = arith.constant 0 : i32
      %get3A_1411 = arith.index_cast %get3A_1410 : i32 to index
      %get3A_1412 = arith.index_cast %add3A_1409 : i32 to index
      %get3A_1413 = arith.constant 16 : index
      %get3A_1414 = tpu.vector_load %arg6[%get3A_1411, %get3A_1412, %get3A_1413] {strides = array<i32>} : memref<2x64x128xf32, #tpu.memory_space<vmem>>, vector<1x1x16xf32>,
      %get3A_1415 = vector.shape_cast %get3A_1414 : vector<1x1x16xf32> to vector<16xf32>
      %mul3A_1416 = arith.mulf %get3A_1415, %get3A_1415 : vector<16xf32>
      %add3A_1417 = arith.constant 5 : i32
      %add3A_1418 = arith.addi %mul3A_913, %add3A_1417 : i32
      %get3A_1419 = arith.constant 0 : i32
      %get3A_1420 = arith.index_cast %get3A_1419 : i32 to index
      %get3A_1421 = arith.index_cast %add3A_1418 : i32 to index
      %get3A_1422 = arith.constant 32 : index
      %get3A_1423 = tpu.vector_load %arg6[%get3A_1420, %get3A_1421, %get3A_1422] {strides = array<i32>} : memref<2x64x128xf32, #tpu.memory_space<vmem>>, vector<1x1x16xf32>,
      %get3A_1424 = vector.shape_cast %get3A_1423 : vector<1x1x16xf32> to vector<16xf32>
      %mul3A_1425 = arith.mulf %get3A_1424, %get3A_1424 : vector<16xf32>
      %add3A_1426 = arith.constant 5 : i32
      %add3A_1427 = arith.addi %mul3A_913, %add3A_1426 : i32
      %get3A_1428 = arith.constant 0 : i32
      %get3A_1429 = arith.index_cast %get3A_1428 : i32 to index
      %get3A_1430 = arith.index_cast %add3A_1427 : i32 to index
      %get3A_1431 = arith.constant 48 : index
      %get3A_1432 = tpu.vector_load %arg6[%get3A_1429, %get3A_1430, %get3A_1431] {strides = array<i32>} : memref<2x64x128xf32, #tpu.memory_space<vmem>>, vector<1x1x16xf32>,
      %get3A_1433 = vector.shape_cast %get3A_1432 : vector<1x1x16xf32> to vector<16xf32>
      %mul3A_1434 = arith.mulf %get3A_1433, %get3A_1433 : vector<16xf32>
      %add3A_1435 = arith.constant 5 : i32
      %add3A_1436 = arith.addi %mul3A_913, %add3A_1435 : i32
      %get3A_1437 = arith.constant 0 : i32
      %get3A_1438 = arith.index_cast %get3A_1437 : i32 to index
      %get3A_1439 = arith.index_cast %add3A_1436 : i32 to index
      %get3A_1440 = arith.constant 64 : index
      %get3A_1441 = tpu.vector_load %arg6[%get3A_1438, %get3A_1439, %get3A_1440] {strides = array<i32>} : memref<2x64x128xf32, #tpu.memory_space<vmem>>, vector<1x1x16xf32>,
      %get3A_1442 = vector.shape_cast %get3A_1441 : vector<1x1x16xf32> to vector<16xf32>
      %mul3A_1443 = arith.mulf %get3A_1442, %get3A_1442 : vector<16xf32>
      %add3A_1444 = arith.constant 5 : i32
      %add3A_1445 = arith.addi %mul3A_913, %add3A_1444 : i32
      %get3A_1446 = arith.constant 0 : i32
      %get3A_1447 = arith.index_cast %get3A_1446 : i32 to index
      %get3A_1448 = arith.index_cast %add3A_1445 : i32 to index
      %get3A_1449 = arith.constant 80 : index
      %get3A_1450 = tpu.vector_load %arg6[%get3A_1447, %get3A_1448, %get3A_1449] {strides = array<i32>} : memref<2x64x128xf32, #tpu.memory_space<vmem>>, vector<1x1x16xf32>,
      %get3A_1451 = vector.shape_cast %get3A_1450 : vector<1x1x16xf32> to vector<16xf32>
      %mul3A_1452 = arith.mulf %get3A_1451, %get3A_1451 : vector<16xf32>
      %add3A_1453 = arith.constant 5 : i32
      %add3A_1454 = arith.addi %mul3A_913, %add3A_1453 : i32
      %get3A_1455 = arith.constant 0 : i32
      %get3A_1456 = arith.index_cast %get3A_1455 : i32 to index
      %get3A_1457 = arith.index_cast %add3A_1454 : i32 to index
      %get3A_1458 = arith.constant 96 : index
      %get3A_1459 = tpu.vector_load %arg6[%get3A_1456, %get3A_1457, %get3A_1458] {strides = array<i32>} : memref<2x64x128xf32, #tpu.memory_space<vmem>>, vector<1x1x16xf32>,
      %get3A_1460 = vector.shape_cast %get3A_1459 : vector<1x1x16xf32> to vector<16xf32>
      %mul3A_1461 = arith.mulf %get3A_1460, %get3A_1460 : vector<16xf32>
      %add3A_1462 = arith.constant 5 : i32
      %add3A_1463 = arith.addi %mul3A_913, %add3A_1462 : i32
      %get3A_1464 = arith.constant 0 : i32
      %get3A_1465 = arith.index_cast %get3A_1464 : i32 to index
      %get3A_1466 = arith.index_cast %add3A_1463 : i32 to index
      %get3A_1467 = arith.constant 112 : index
      %get3A_1468 = tpu.vector_load %arg6[%get3A_1465, %get3A_1466, %get3A_1467] {strides = array<i32>} : memref<2x64x128xf32, #tpu.memory_space<vmem>>, vector<1x1x16xf32>,
      %get3A_1469 = vector.shape_cast %get3A_1468 : vector<1x1x16xf32> to vector<16xf32>
      %mul3A_1470 = arith.mulf %get3A_1469, %get3A_1469 : vector<16xf32>
      %add3A_1471 = arith.addf %mul3A_1407, %mul3A_1416 : vector<16xf32>
      %add3A_1472 = arith.addf %mul3A_1425, %mul3A_1434 : vector<16xf32>
      %add3A_1473 = arith.addf %mul3A_1443, %mul3A_1452 : vector<16xf32>
      %add3A_1474 = arith.addf %mul3A_1461, %mul3A_1470 : vector<16xf32>
      %add3A_1475 = arith.addf %add3A_1471, %add3A_1472 : vector<16xf32>
      %add3A_1476 = arith.addf %add3A_1473, %add3A_1474 : vector<16xf32>
      %add3A_1477 = arith.addf %add3A_1475, %add3A_1476 : vector<16xf32>
      %add3A_1478 = arith.constant 5 : i32
      %add3A_1479 = arith.addi %mul3A_913, %add3A_1478 : i32
      %swap3A_1480 = arith.constant 0 : i32
      %swap3A_1481 = arith.index_cast %swap3A_1480 : i32 to index
      %swap3A_1482 = arith.index_cast %add3A_1479 : i32 to index
      %swap3A_1483 = arith.constant 0 : index
      %swap3A_1484 = tpu.vector_load %arg9[%swap3A_1481, %swap3A_1482, %swap3A_1483] {strides = array<i32>} : memref<2x64x32xf32, #tpu.memory_space<vmem>>, vector<1x1x16xf32>,
      %swap3A_1485 = vector.shape_cast %swap3A_1484 : vector<1x1x16xf32> to vector<16xf32>
      %swap3A_1486 = vector.shape_cast %add3A_1477 : vector<16xf32> to vector<1x1x16xf32>
      tpu.vector_store %arg9[%swap3A_1481, %swap3A_1482, %swap3A_1483], %swap3A_1486 {strides = array<i32>} : memref<2x64x32xf32, #tpu.memory_space<vmem>>, vector<1x1x16xf32>,
      %add3A_1487 = arith.constant 5 : i32
      %add3A_1488 = arith.addi %mul3A_913, %add3A_1487 : i32
      %swap3A_1489 = arith.constant 0 : i32
      %swap3A_1490 = arith.index_cast %swap3A_1489 : i32 to index
      %swap3A_1491 = arith.index_cast %add3A_1488 : i32 to index
      %swap3A_1492 = arith.constant 16 : index
      %swap3A_1493 = tpu.vector_load %arg9[%swap3A_1490, %swap3A_1491, %swap3A_1492] {strides = array<i32>} : memref<2x64x32xf32, #tpu.memory_space<vmem>>, vector<1x1x16xf32>,
      %swap3A_1494 = vector.shape_cast %swap3A_1493 : vector<1x1x16xf32> to vector<16xf32>
      %swap3A_1495 = vector.shape_cast %broadcast_in_dim3A_595 : vector<16xf32> to vector<1x1x16xf32>
      tpu.vector_store %arg9[%swap3A_1490, %swap3A_1491, %swap3A_1492], %swap3A_1495 {strides = array<i32>} : memref<2x64x32xf32, #tpu.memory_space<vmem>>, vector<1x1x16xf32>,
      %add3A_1496 = arith.constant 6 : i32
      %add3A_1497 = arith.addi %mul3A_913, %add3A_1496 : i32
      %get3A_1498 = arith.constant 0 : i32
      %get3A_1499 = arith.index_cast %get3A_1498 : i32 to index
      %get3A_1500 = arith.index_cast %add3A_1497 : i32 to index
      %get3A_1501 = arith.constant 0 : index
      %get3A_1502 = tpu.vector_load %arg6[%get3A_1499, %get3A_1500, %get3A_1501] {strides = array<i32>} : memref<2x64x128xf32, #tpu.memory_space<vmem>>, vector<1x1x16xf32>,
      %get3A_1503 = vector.shape_cast %get3A_1502 : vector<1x1x16xf32> to vector<16xf32>
      %mul3A_1504 = arith.mulf %get3A_1503, %get3A_1503 : vector<16xf32>
      %add3A_1505 = arith.constant 6 : i32
      %add3A_1506 = arith.addi %mul3A_913, %add3A_1505 : i32
      %get3A_1507 = arith.constant 0 : i32
      %get3A_1508 = arith.index_cast %get3A_1507 : i32 to index
      %get3A_1509 = arith.index_cast %add3A_1506 : i32 to index
      %get3A_1510 = arith.constant 16 : index
      %get3A_1511 = tpu.vector_load %arg6[%get3A_1508, %get3A_1509, %get3A_1510] {strides = array<i32>} : memref<2x64x128xf32, #tpu.memory_space<vmem>>, vector<1x1x16xf32>,
      %get3A_1512 = vector.shape_cast %get3A_1511 : vector<1x1x16xf32> to vector<16xf32>
      %mul3A_1513 = arith.mulf %get3A_1512, %get3A_1512 : vector<16xf32>
      %add3A_1514 = arith.constant 6 : i32
      %add3A_1515 = arith.addi %mul3A_913, %add3A_1514 : i32
      %get3A_1516 = arith.constant 0 : i32
      %get3A_1517 = arith.index_cast %get3A_1516 : i32 to index
      %get3A_1518 = arith.index_cast %add3A_1515 : i32 to index
      %get3A_1519 = arith.constant 32 : index
      %get3A_1520 = tpu.vector_load %arg6[%get3A_1517, %get3A_1518, %get3A_1519] {strides = array<i32>} : memref<2x64x128xf32, #tpu.memory_space<vmem>>, vector<1x1x16xf32>,
      %get3A_1521 = vector.shape_cast %get3A_1520 : vector<1x1x16xf32> to vector<16xf32>
      %mul3A_1522 = arith.mulf %get3A_1521, %get3A_1521 : vector<16xf32>
      %add3A_1523 = arith.constant 6 : i32
      %add3A_1524 = arith.addi %mul3A_913, %add3A_1523 : i32
      %get3A_1525 = arith.constant 0 : i32
      %get3A_1526 = arith.index_cast %get3A_1525 : i32 to index
      %get3A_1527 = arith.index_cast %add3A_1524 : i32 to index
      %get3A_1528 = arith.constant 48 : index
      %get3A_1529 = tpu.vector_load %arg6[%get3A_1526, %get3A_1527, %get3A_1528] {strides = array<i32>} : memref<2x64x128xf32, #tpu.memory_space<vmem>>, vector<1x1x16xf32>,
      %get3A_1530 = vector.shape_cast %get3A_1529 : vector<1x1x16xf32> to vector<16xf32>
      %mul3A_1531 = arith.mulf %get3A_1530, %get3A_1530 : vector<16xf32>
      %add3A_1532 = arith.constant 6 : i32
      %add3A_1533 = arith.addi %mul3A_913, %add3A_1532 : i32
      %get3A_1534 = arith.constant 0 : i32
      %get3A_1535 = arith.index_cast %get3A_1534 : i32 to index
      %get3A_1536 = arith.index_cast %add3A_1533 : i32 to index
      %get3A_1537 = arith.constant 64 : index
      %get3A_1538 = tpu.vector_load %arg6[%get3A_1535, %get3A_1536, %get3A_1537] {strides = array<i32>} : memref<2x64x128xf32, #tpu.memory_space<vmem>>, vector<1x1x16xf32>,
      %get3A_1539 = vector.shape_cast %get3A_1538 : vector<1x1x16xf32> to vector<16xf32>
      %mul3A_1540 = arith.mulf %get3A_1539, %get3A_1539 : vector<16xf32>
      %add3A_1541 = arith.constant 6 : i32
      %add3A_1542 = arith.addi %mul3A_913, %add3A_1541 : i32
      %get3A_1543 = arith.constant 0 : i32
      %get3A_1544 = arith.index_cast %get3A_1543 : i32 to index
      %get3A_1545 = arith.index_cast %add3A_1542 : i32 to index
      %get3A_1546 = arith.constant 80 : index
      %get3A_1547 = tpu.vector_load %arg6[%get3A_1544, %get3A_1545, %get3A_1546] {strides = array<i32>} : memref<2x64x128xf32, #tpu.memory_space<vmem>>, vector<1x1x16xf32>,
      %get3A_1548 = vector.shape_cast %get3A_1547 : vector<1x1x16xf32> to vector<16xf32>
      %mul3A_1549 = arith.mulf %get3A_1548, %get3A_1548 : vector<16xf32>
      %add3A_1550 = arith.constant 6 : i32
      %add3A_1551 = arith.addi %mul3A_913, %add3A_1550 : i32
      %get3A_1552 = arith.constant 0 : i32
      %get3A_1553 = arith.index_cast %get3A_1552 : i32 to index
      %get3A_1554 = arith.index_cast %add3A_1551 : i32 to index
      %get3A_1555 = arith.constant 96 : index
      %get3A_1556 = tpu.vector_load %arg6[%get3A_1553, %get3A_1554, %get3A_1555] {strides = array<i32>} : memref<2x64x128xf32, #tpu.memory_space<vmem>>, vector<1x1x16xf32>,
      %get3A_1557 = vector.shape_cast %get3A_1556 : vector<1x1x16xf32> to vector<16xf32>
      %mul3A_1558 = arith.mulf %get3A_1557, %get3A_1557 : vector<16xf32>
      %add3A_1559 = arith.constant 6 : i32
      %add3A_1560 = arith.addi %mul3A_913, %add3A_1559 : i32
      %get3A_1561 = arith.constant 0 : i32
      %get3A_1562 = arith.index_cast %get3A_1561 : i32 to index
      %get3A_1563 = arith.index_cast %add3A_1560 : i32 to index
      %get3A_1564 = arith.constant 112 : index
      %get3A_1565 = tpu.vector_load %arg6[%get3A_1562, %get3A_1563, %get3A_1564] {strides = array<i32>} : memref<2x64x128xf32, #tpu.memory_space<vmem>>, vector<1x1x16xf32>,
      %get3A_1566 = vector.shape_cast %get3A_1565 : vector<1x1x16xf32> to vector<16xf32>
      %mul3A_1567 = arith.mulf %get3A_1566, %get3A_1566 : vector<16xf32>
      %add3A_1568 = arith.addf %mul3A_1504, %mul3A_1513 : vector<16xf32>
      %add3A_1569 = arith.addf %mul3A_1522, %mul3A_1531 : vector<16xf32>
      %add3A_1570 = arith.addf %mul3A_1540, %mul3A_1549 : vector<16xf32>
      %add3A_1571 = arith.addf %mul3A_1558, %mul3A_1567 : vector<16xf32>
      %add3A_1572 = arith.addf %add3A_1568, %add3A_1569 : vector<16xf32>
      %add3A_1573 = arith.addf %add3A_1570, %add3A_1571 : vector<16xf32>
      %add3A_1574 = arith.addf %add3A_1572, %add3A_1573 : vector<16xf32>
      %add3A_1575 = arith.constant 6 : i32
      %add3A_1576 = arith.addi %mul3A_913, %add3A_1575 : i32
      %swap3A_1577 = arith.constant 0 : i32
      %swap3A_1578 = arith.index_cast %swap3A_1577 : i32 to index
      %swap3A_1579 = arith.index_cast %add3A_1576 : i32 to index
      %swap3A_1580 = arith.constant 0 : index
      %swap3A_1581 = tpu.vector_load %arg9[%swap3A_1578, %swap3A_1579, %swap3A_1580] {strides = array<i32>} : memref<2x64x32xf32, #tpu.memory_space<vmem>>, vector<1x1x16xf32>,
      %swap3A_1582 = vector.shape_cast %swap3A_1581 : vector<1x1x16xf32> to vector<16xf32>
      %swap3A_1583 = vector.shape_cast %add3A_1574 : vector<16xf32> to vector<1x1x16xf32>
      tpu.vector_store %arg9[%swap3A_1578, %swap3A_1579, %swap3A_1580], %swap3A_1583 {strides = array<i32>} : memref<2x64x32xf32, #tpu.memory_space<vmem>>, vector<1x1x16xf32>,
      %add3A_1584 = arith.constant 6 : i32
      %add3A_1585 = arith.addi %mul3A_913, %add3A_1584 : i32
      %swap3A_1586 = arith.constant 0 : i32
      %swap3A_1587 = arith.index_cast %swap3A_1586 : i32 to index
      %swap3A_1588 = arith.index_cast %add3A_1585 : i32 to index
      %swap3A_1589 = arith.constant 16 : index
      %swap3A_1590 = tpu.vector_load %arg9[%swap3A_1587, %swap3A_1588, %swap3A_1589] {strides = array<i32>} : memref<2x64x32xf32, #tpu.memory_space<vmem>>, vector<1x1x16xf32>,
      %swap3A_1591 = vector.shape_cast %swap3A_1590 : vector<1x1x16xf32> to vector<16xf32>
      %swap3A_1592 = vector.shape_cast %broadcast_in_dim3A_595 : vector<16xf32> to vector<1x1x16xf32>
      tpu.vector_store %arg9[%swap3A_1587, %swap3A_1588, %swap3A_1589], %swap3A_1592 {strides = array<i32>} : memref<2x64x32xf32, #tpu.memory_space<vmem>>, vector<1x1x16xf32>,
      %add3A_1593 = arith.constant 7 : i32
      %add3A_1594 = arith.addi %mul3A_913, %add3A_1593 : i32
      %get3A_1595 = arith.constant 0 : i32
      %get3A_1596 = arith.index_cast %get3A_1595 : i32 to index
      %get3A_1597 = arith.index_cast %add3A_1594 : i32 to index
      %get3A_1598 = arith.constant 0 : index
      %get3A_1599 = tpu.vector_load %arg6[%get3A_1596, %get3A_1597, %get3A_1598] {strides = array<i32>} : memref<2x64x128xf32, #tpu.memory_space<vmem>>, vector<1x1x16xf32>,
      %get3A_1600 = vector.shape_cast %get3A_1599 : vector<1x1x16xf32> to vector<16xf32>
      %mul3A_1601 = arith.mulf %get3A_1600, %get3A_1600 : vector<16xf32>
      %add3A_1602 = arith.constant 7 : i32
      %add3A_1603 = arith.addi %mul3A_913, %add3A_1602 : i32
      %get3A_1604 = arith.constant 0 : i32
      %get3A_1605 = arith.index_cast %get3A_1604 : i32 to index
      %get3A_1606 = arith.index_cast %add3A_1603 : i32 to index
      %get3A_1607 = arith.constant 16 : index
      %get3A_1608 = tpu.vector_load %arg6[%get3A_1605, %get3A_1606, %get3A_1607] {strides = array<i32>} : memref<2x64x128xf32, #tpu.memory_space<vmem>>, vector<1x1x16xf32>,
      %get3A_1609 = vector.shape_cast %get3A_1608 : vector<1x1x16xf32> to vector<16xf32>
      %mul3A_1610 = arith.mulf %get3A_1609, %get3A_1609 : vector<16xf32>
      %add3A_1611 = arith.constant 7 : i32
      %add3A_1612 = arith.addi %mul3A_913, %add3A_1611 : i32
      %get3A_1613 = arith.constant 0 : i32
      %get3A_1614 = arith.index_cast %get3A_1613 : i32 to index
      %get3A_1615 = arith.index_cast %add3A_1612 : i32 to index
      %get3A_1616 = arith.constant 32 : index
      %get3A_1617 = tpu.vector_load %arg6[%get3A_1614, %get3A_1615, %get3A_1616] {strides = array<i32>} : memref<2x64x128xf32, #tpu.memory_space<vmem>>, vector<1x1x16xf32>,
      %get3A_1618 = vector.shape_cast %get3A_1617 : vector<1x1x16xf32> to vector<16xf32>
      %mul3A_1619 = arith.mulf %get3A_1618, %get3A_1618 : vector<16xf32>
      %add3A_1620 = arith.constant 7 : i32
      %add3A_1621 = arith.addi %mul3A_913, %add3A_1620 : i32
      %get3A_1622 = arith.constant 0 : i32
      %get3A_1623 = arith.index_cast %get3A_1622 : i32 to index
      %get3A_1624 = arith.index_cast %add3A_1621 : i32 to index
      %get3A_1625 = arith.constant 48 : index
      %get3A_1626 = tpu.vector_load %arg6[%get3A_1623, %get3A_1624, %get3A_1625] {strides = array<i32>} : memref<2x64x128xf32, #tpu.memory_space<vmem>>, vector<1x1x16xf32>,
      %get3A_1627 = vector.shape_cast %get3A_1626 : vector<1x1x16xf32> to vector<16xf32>
      %mul3A_1628 = arith.mulf %get3A_1627, %get3A_1627 : vector<16xf32>
      %add3A_1629 = arith.constant 7 : i32
      %add3A_1630 = arith.addi %mul3A_913, %add3A_1629 : i32
      %get3A_1631 = arith.constant 0 : i32
      %get3A_1632 = arith.index_cast %get3A_1631 : i32 to index
      %get3A_1633 = arith.index_cast %add3A_1630 : i32 to index
      %get3A_1634 = arith.constant 64 : index
      %get3A_1635 = tpu.vector_load %arg6[%get3A_1632, %get3A_1633, %get3A_1634] {strides = array<i32>} : memref<2x64x128xf32, #tpu.memory_space<vmem>>, vector<1x1x16xf32>,
      %get3A_1636 = vector.shape_cast %get3A_1635 : vector<1x1x16xf32> to vector<16xf32>
      %mul3A_1637 = arith.mulf %get3A_1636, %get3A_1636 : vector<16xf32>
      %add3A_1638 = arith.constant 7 : i32
      %add3A_1639 = arith.addi %mul3A_913, %add3A_1638 : i32
      %get3A_1640 = arith.constant 0 : i32
      %get3A_1641 = arith.index_cast %get3A_1640 : i32 to index
      %get3A_1642 = arith.index_cast %add3A_1639 : i32 to index
      %get3A_1643 = arith.constant 80 : index
      %get3A_1644 = tpu.vector_load %arg6[%get3A_1641, %get3A_1642, %get3A_1643] {strides = array<i32>} : memref<2x64x128xf32, #tpu.memory_space<vmem>>, vector<1x1x16xf32>,
      %get3A_1645 = vector.shape_cast %get3A_1644 : vector<1x1x16xf32> to vector<16xf32>
      %mul3A_1646 = arith.mulf %get3A_1645, %get3A_1645 : vector<16xf32>
      %add3A_1647 = arith.constant 7 : i32
      %add3A_1648 = arith.addi %mul3A_913, %add3A_1647 : i32
      %get3A_1649 = arith.constant 0 : i32
      %get3A_1650 = arith.index_cast %get3A_1649 : i32 to index
      %get3A_1651 = arith.index_cast %add3A_1648 : i32 to index
      %get3A_1652 = arith.constant 96 : index
      %get3A_1653 = tpu.vector_load %arg6[%get3A_1650, %get3A_1651, %get3A_1652] {strides = array<i32>} : memref<2x64x128xf32, #tpu.memory_space<vmem>>, vector<1x1x16xf32>,
      %get3A_1654 = vector.shape_cast %get3A_1653 : vector<1x1x16xf32> to vector<16xf32>
      %mul3A_1655 = arith.mulf %get3A_1654, %get3A_1654 : vector<16xf32>
      %add3A_1656 = arith.constant 7 : i32
      %add3A_1657 = arith.addi %mul3A_913, %add3A_1656 : i32
      %get3A_1658 = arith.constant 0 : i32
      %get3A_1659 = arith.index_cast %get3A_1658 : i32 to index
      %get3A_1660 = arith.index_cast %add3A_1657 : i32 to index
      %get3A_1661 = arith.constant 112 : index
      %get3A_1662 = tpu.vector_load %arg6[%get3A_1659, %get3A_1660, %get3A_1661] {strides = array<i32>} : memref<2x64x128xf32, #tpu.memory_space<vmem>>, vector<1x1x16xf32>,
      %get3A_1663 = vector.shape_cast %get3A_1662 : vector<1x1x16xf32> to vector<16xf32>
      %mul3A_1664 = arith.mulf %get3A_1663, %get3A_1663 : vector<16xf32>
      %add3A_1665 = arith.addf %mul3A_1601, %mul3A_1610 : vector<16xf32>
      %add3A_1666 = arith.addf %mul3A_1619, %mul3A_1628 : vector<16xf32>
      %add3A_1667 = arith.addf %mul3A_1637, %mul3A_1646 : vector<16xf32>
      %add3A_1668 = arith.addf %mul3A_1655, %mul3A_1664 : vector<16xf32>
      %add3A_1669 = arith.addf %add3A_1665, %add3A_1666 : vector<16xf32>
      %add3A_1670 = arith.addf %add3A_1667, %add3A_1668 : vector<16xf32>
      %add3A_1671 = arith.addf %add3A_1669, %add3A_1670 : vector<16xf32>
      %add3A_1672 = arith.constant 7 : i32
      %add3A_1673 = arith.addi %mul3A_913, %add3A_1672 : i32
      %swap3A_1674 = arith.constant 0 : i32
      %swap3A_1675 = arith.index_cast %swap3A_1674 : i32 to index
      %swap3A_1676 = arith.index_cast %add3A_1673 : i32 to index
      %swap3A_1677 = arith.constant 0 : index
      %swap3A_1678 = tpu.vector_load %arg9[%swap3A_1675, %swap3A_1676, %swap3A_1677] {strides = array<i32>} : memref<2x64x32xf32, #tpu.memory_space<vmem>>, vector<1x1x16xf32>,
      %swap3A_1679 = vector.shape_cast %swap3A_1678 : vector<1x1x16xf32> to vector<16xf32>
      %swap3A_1680 = vector.shape_cast %add3A_1671 : vector<16xf32> to vector<1x1x16xf32>
      tpu.vector_store %arg9[%swap3A_1675, %swap3A_1676, %swap3A_1677], %swap3A_1680 {strides = array<i32>} : memref<2x64x32xf32, #tpu.memory_space<vmem>>, vector<1x1x16xf32>,
      %add3A_1681 = arith.constant 7 : i32
      %add3A_1682 = arith.addi %mul3A_913, %add3A_1681 : i32
      %swap3A_1683 = arith.constant 0 : i32
      %swap3A_1684 = arith.index_cast %swap3A_1683 : i32 to index
      %swap3A_1685 = arith.index_cast %add3A_1682 : i32 to index
      %swap3A_1686 = arith.constant 16 : index
      %swap3A_1687 = tpu.vector_load %arg9[%swap3A_1684, %swap3A_1685, %swap3A_1686] {strides = array<i32>} : memref<2x64x32xf32, #tpu.memory_space<vmem>>, vector<1x1x16xf32>,
      %swap3A_1688 = vector.shape_cast %swap3A_1687 : vector<1x1x16xf32> to vector<16xf32>
      %swap3A_1689 = vector.shape_cast %broadcast_in_dim3A_595 : vector<16xf32> to vector<1x1x16xf32>
      tpu.vector_store %arg9[%swap3A_1684, %swap3A_1685, %swap3A_1686], %swap3A_1689 {strides = array<i32>} : memref<2x64x32xf32, #tpu.memory_space<vmem>>, vector<1x1x16xf32>,
    }
    %scan3A_611 = arith.constant 8 : i32
    %dma_start3A_612 = arith.constant 0 : i32
    %dma_start3A_613 = arith.constant 0 : i32
    %dma_start3A_614 = arith.constant 0 : i32
    %dma_start3A_615 = arith.constant 0 : i32
    %dma_start3A_616 = tpu.memref_slice %arg6[%dma_start3A_612, %dma_start3A_614, %dma_start3A_615] : memref<2x64x128xf32, #tpu.memory_space<vmem>> -> memref<1x64x128xf32, #tpu.memory_space<vmem>>
    %dma_start3A_617 = tpu.memref_squeeze %dma_start3A_616 : memref<1x64x128xf32, #tpu.memory_space<vmem>> -> memref<64x128xf32, #tpu.memory_space<vmem>>
    %dma_start3A_618 = arith.constant 0 : i32
    %dma_start3A_619 = tpu.memref_slice %arg8[%dma_start3A_613, %dma_start3A_618] : memref<2x64xi32, #tpu.memory_space<vmem>> -> memref<1x64xi32, #tpu.memory_space<vmem>>
    %dma_start3A_620 = tpu.memref_squeeze %dma_start3A_619 : memref<1x64xi32, #tpu.memory_space<vmem>> -> memref<64xi32, #tpu.memory_space<vmem>>
    %dma_start3A_621 = arith.constant 0 : i32
    %dma_start3A_622 = arith.constant 0 : i32
    %dma_start3A_623 = tpu.memref_slice %arg12[%dma_start3A_621, %dma_start3A_622] : memref<128x128xf32, #tpu.memory_space<vmem_shared>> -> memref<128x128xf32, #tpu.memory_space<vmem_shared>>
    tpu.enqueue_indirect_dma source(%dma_start3A_617 : memref<64x128xf32, #tpu.memory_space<vmem>>) target(%dma_start3A_623 : memref<128x128xf32, #tpu.memory_space<vmem_shared>>) offsets(%dma_start3A_620 : memref<64xi32, #tpu.memory_space<vmem>>) semaphore(%arg15 : memref<!tpu.dma_semaphore, #tpu.memory_space<semaphore_mem>>) {add = true}
    %dma_start3A_624 = arith.constant 0 : i32
    %dma_start3A_625 = arith.constant 0 : i32
    %dma_start3A_626 = arith.constant 0 : i32
    %dma_start3A_627 = arith.constant 0 : i32
    %dma_start3A_628 = tpu.memref_slice %arg9[%dma_start3A_624, %dma_start3A_626, %dma_start3A_627] : memref<2x64x32xf32, #tpu.memory_space<vmem>> -> memref<1x64x32xf32, #tpu.memory_space<vmem>>
    %dma_start3A_629 = tpu.memref_squeeze %dma_start3A_628 : memref<1x64x32xf32, #tpu.memory_space<vmem>> -> memref<64x32xf32, #tpu.memory_space<vmem>>
    %dma_start3A_630 = arith.constant 0 : i32
    %dma_start3A_631 = tpu.memref_slice %arg8[%dma_start3A_625, %dma_start3A_630] : memref<2x64xi32, #tpu.memory_space<vmem>> -> memref<1x64xi32, #tpu.memory_space<vmem>>
    %dma_start3A_632 = tpu.memref_squeeze %dma_start3A_631 : memref<1x64xi32, #tpu.memory_space<vmem>> -> memref<64xi32, #tpu.memory_space<vmem>>
    %dma_start3A_633 = arith.constant 0 : i32
    %dma_start3A_634 = arith.constant 0 : i32
    %dma_start3A_635 = tpu.memref_slice %arg13[%dma_start3A_633, %dma_start3A_634] : memref<128x32xf32, #tpu.memory_space<vmem_shared>> -> memref<128x32xf32, #tpu.memory_space<vmem_shared>>
    tpu.enqueue_indirect_dma source(%dma_start3A_629 : memref<64x32xf32, #tpu.memory_space<vmem>>) target(%dma_start3A_635 : memref<128x32xf32, #tpu.memory_space<vmem_shared>>) offsets(%dma_start3A_632 : memref<64xi32, #tpu.memory_space<vmem>>) semaphore(%arg15 : memref<!tpu.dma_semaphore, #tpu.memory_space<semaphore_mem>>) {add = true}
    %dma_wait3A_636 = arith.constant 1 : i32
    %dma_wait3A_637 = arith.constant 0 : i32
    %dma_wait3A_638 = arith.constant 0 : i32
    %dma_wait3A_639 = tpu.memref_slice %arg6[%dma_wait3A_636, %dma_wait3A_637, %dma_wait3A_638] : memref<2x64x128xf32, #tpu.memory_space<vmem>> -> memref<1x64x128xf32, #tpu.memory_space<vmem>>
    %dma_wait3A_640 = tpu.memref_squeeze %dma_wait3A_639 : memref<1x64x128xf32, #tpu.memory_space<vmem>> -> memref<64x128xf32, #tpu.memory_space<vmem>>
    %dma_wait3A_641 = arith.constant 0 : i32
    %dma_wait3A_642 = tpu.memref_slice %arg2[%add3A_18, %dma_wait3A_641] : memref<16384x128xf32, #tpu.memory_space<hbm>> -> memref<64x128xf32, #tpu.memory_space<hbm>>
    %dma_wait3A_643 = arith.constant 0 : i32
    %dma_wait3A_644 = arith.constant 0 : i32
    %dma_wait3A_645 = tpu.memref_slice %arg6[%dma_wait3A_636, %dma_wait3A_643, %dma_wait3A_644] : memref<2x64x128xf32, #tpu.memory_space<vmem>> -> memref<1x64x128xf32, #tpu.memory_space<vmem>>
    %dma_wait3A_646 = tpu.memref_squeeze %dma_wait3A_645 : memref<1x64x128xf32, #tpu.memory_space<vmem>> -> memref<64x128xf32, #tpu.memory_space<vmem>>
    %dma_wait3A_647 = arith.constant 0 : i32
    %dma_wait3A_648 = tpu.memref_slice %arg2[%add3A_18, %dma_wait3A_647] : memref<16384x128xf32, #tpu.memory_space<hbm>> -> memref<64x128xf32, #tpu.memory_space<hbm>>
    tpu.wait_dma2 semaphore(%arg14 : memref<!tpu.dma_semaphore, #tpu.memory_space<semaphore_mem>>) src(%dma_wait3A_648 : memref<64x128xf32, #tpu.memory_space<hbm>>) dst(%dma_wait3A_646 : memref<64x128xf32, #tpu.memory_space<vmem>>)
    %scan3A_649 = arith.constant 0 : i32
    %scan3A_650 = arith.constant 8 : i32
    %scan3A_651 = arith.addi %scan3A_649, %scan3A_650 : i32
    %scan3A_652 = arith.constant 1 : i32
    scf.for %scan3A_911 = %scan3A_649 to %scan3A_651 step %scan3A_652  : i32 {
      %mul3A_912 = arith.constant 8 : i32
      %mul3A_913 = arith.muli %scan3A_911, %mul3A_912 : i32
      %add3A_914 = arith.constant 0 : i32
      %add3A_915 = arith.addi %mul3A_913, %add3A_914 : i32
      %get3A_916 = arith.constant 1 : i32
      %get3A_917 = arith.index_cast %get3A_916 : i32 to index
      %get3A_918 = arith.index_cast %add3A_915 : i32 to index
      %get3A_919 = arith.constant 0 : index
      %get3A_920 = tpu.vector_load %arg6[%get3A_917, %get3A_918, %get3A_919] {strides = array<i32>} : memref<2x64x128xf32, #tpu.memory_space<vmem>>, vector<1x1x16xf32>,
      %get3A_921 = vector.shape_cast %get3A_920 : vector<1x1x16xf32> to vector<16xf32>
      %mul3A_922 = arith.mulf %get3A_921, %get3A_921 : vector<16xf32>
      %add3A_923 = arith.constant 0 : i32
      %add3A_924 = arith.addi %mul3A_913, %add3A_923 : i32
      %get3A_925 = arith.constant 1 : i32
      %get3A_926 = arith.index_cast %get3A_925 : i32 to index
      %get3A_927 = arith.index_cast %add3A_924 : i32 to index
      %get3A_928 = arith.constant 16 : index
      %get3A_929 = tpu.vector_load %arg6[%get3A_926, %get3A_927, %get3A_928] {strides = array<i32>} : memref<2x64x128xf32, #tpu.memory_space<vmem>>, vector<1x1x16xf32>,
      %get3A_930 = vector.shape_cast %get3A_929 : vector<1x1x16xf32> to vector<16xf32>
      %mul3A_931 = arith.mulf %get3A_930, %get3A_930 : vector<16xf32>
      %add3A_932 = arith.constant 0 : i32
      %add3A_933 = arith.addi %mul3A_913, %add3A_932 : i32
      %get3A_934 = arith.constant 1 : i32
      %get3A_935 = arith.index_cast %get3A_934 : i32 to index
      %get3A_936 = arith.index_cast %add3A_933 : i32 to index
      %get3A_937 = arith.constant 32 : index
      %get3A_938 = tpu.vector_load %arg6[%get3A_935, %get3A_936, %get3A_937] {strides = array<i32>} : memref<2x64x128xf32, #tpu.memory_space<vmem>>, vector<1x1x16xf32>,
      %get3A_939 = vector.shape_cast %get3A_938 : vector<1x1x16xf32> to vector<16xf32>
      %mul3A_940 = arith.mulf %get3A_939, %get3A_939 : vector<16xf32>
      %add3A_941 = arith.constant 0 : i32
      %add3A_942 = arith.addi %mul3A_913, %add3A_941 : i32
      %get3A_943 = arith.constant 1 : i32
      %get3A_944 = arith.index_cast %get3A_943 : i32 to index
      %get3A_945 = arith.index_cast %add3A_942 : i32 to index
      %get3A_946 = arith.constant 48 : index
      %get3A_947 = tpu.vector_load %arg6[%get3A_944, %get3A_945, %get3A_946] {strides = array<i32>} : memref<2x64x128xf32, #tpu.memory_space<vmem>>, vector<1x1x16xf32>,
      %get3A_948 = vector.shape_cast %get3A_947 : vector<1x1x16xf32> to vector<16xf32>
      %mul3A_949 = arith.mulf %get3A_948, %get3A_948 : vector<16xf32>
      %add3A_950 = arith.constant 0 : i32
      %add3A_951 = arith.addi %mul3A_913, %add3A_950 : i32
      %get3A_952 = arith.constant 1 : i32
      %get3A_953 = arith.index_cast %get3A_952 : i32 to index
      %get3A_954 = arith.index_cast %add3A_951 : i32 to index
      %get3A_955 = arith.constant 64 : index
      %get3A_956 = tpu.vector_load %arg6[%get3A_953, %get3A_954, %get3A_955] {strides = array<i32>} : memref<2x64x128xf32, #tpu.memory_space<vmem>>, vector<1x1x16xf32>,
      %get3A_957 = vector.shape_cast %get3A_956 : vector<1x1x16xf32> to vector<16xf32>
      %mul3A_958 = arith.mulf %get3A_957, %get3A_957 : vector<16xf32>
      %add3A_959 = arith.constant 0 : i32
      %add3A_960 = arith.addi %mul3A_913, %add3A_959 : i32
      %get3A_961 = arith.constant 1 : i32
      %get3A_962 = arith.index_cast %get3A_961 : i32 to index
      %get3A_963 = arith.index_cast %add3A_960 : i32 to index
      %get3A_964 = arith.constant 80 : index
      %get3A_965 = tpu.vector_load %arg6[%get3A_962, %get3A_963, %get3A_964] {strides = array<i32>} : memref<2x64x128xf32, #tpu.memory_space<vmem>>, vector<1x1x16xf32>,
      %get3A_966 = vector.shape_cast %get3A_965 : vector<1x1x16xf32> to vector<16xf32>
      %mul3A_967 = arith.mulf %get3A_966, %get3A_966 : vector<16xf32>
      %add3A_968 = arith.constant 0 : i32
      %add3A_969 = arith.addi %mul3A_913, %add3A_968 : i32
      %get3A_970 = arith.constant 1 : i32
      %get3A_971 = arith.index_cast %get3A_970 : i32 to index
      %get3A_972 = arith.index_cast %add3A_969 : i32 to index
      %get3A_973 = arith.constant 96 : index
      %get3A_974 = tpu.vector_load %arg6[%get3A_971, %get3A_972, %get3A_973] {strides = array<i32>} : memref<2x64x128xf32, #tpu.memory_space<vmem>>, vector<1x1x16xf32>,
      %get3A_975 = vector.shape_cast %get3A_974 : vector<1x1x16xf32> to vector<16xf32>
      %mul3A_976 = arith.mulf %get3A_975, %get3A_975 : vector<16xf32>
      %add3A_977 = arith.constant 0 : i32
      %add3A_978 = arith.addi %mul3A_913, %add3A_977 : i32
      %get3A_979 = arith.constant 1 : i32
      %get3A_980 = arith.index_cast %get3A_979 : i32 to index
      %get3A_981 = arith.index_cast %add3A_978 : i32 to index
      %get3A_982 = arith.constant 112 : index
      %get3A_983 = tpu.vector_load %arg6[%get3A_980, %get3A_981, %get3A_982] {strides = array<i32>} : memref<2x64x128xf32, #tpu.memory_space<vmem>>, vector<1x1x16xf32>,
      %get3A_984 = vector.shape_cast %get3A_983 : vector<1x1x16xf32> to vector<16xf32>
      %mul3A_985 = arith.mulf %get3A_984, %get3A_984 : vector<16xf32>
      %add3A_986 = arith.addf %mul3A_922, %mul3A_931 : vector<16xf32>
      %add3A_987 = arith.addf %mul3A_940, %mul3A_949 : vector<16xf32>
      %add3A_988 = arith.addf %mul3A_958, %mul3A_967 : vector<16xf32>
      %add3A_989 = arith.addf %mul3A_976, %mul3A_985 : vector<16xf32>
      %add3A_990 = arith.addf %add3A_986, %add3A_987 : vector<16xf32>
      %add3A_991 = arith.addf %add3A_988, %add3A_989 : vector<16xf32>
      %add3A_992 = arith.addf %add3A_990, %add3A_991 : vector<16xf32>
      %add3A_993 = arith.constant 0 : i32
      %add3A_994 = arith.addi %mul3A_913, %add3A_993 : i32
      %swap3A_995 = arith.constant 1 : i32
      %swap3A_996 = arith.index_cast %swap3A_995 : i32 to index
      %swap3A_997 = arith.index_cast %add3A_994 : i32 to index
      %swap3A_998 = arith.constant 0 : index
      %swap3A_999 = tpu.vector_load %arg9[%swap3A_996, %swap3A_997, %swap3A_998] {strides = array<i32>} : memref<2x64x32xf32, #tpu.memory_space<vmem>>, vector<1x1x16xf32>,
      %swap3A_1000 = vector.shape_cast %swap3A_999 : vector<1x1x16xf32> to vector<16xf32>
      %swap3A_1001 = vector.shape_cast %add3A_992 : vector<16xf32> to vector<1x1x16xf32>
      tpu.vector_store %arg9[%swap3A_996, %swap3A_997, %swap3A_998], %swap3A_1001 {strides = array<i32>} : memref<2x64x32xf32, #tpu.memory_space<vmem>>, vector<1x1x16xf32>,
      %add3A_1002 = arith.constant 0 : i32
      %add3A_1003 = arith.addi %mul3A_913, %add3A_1002 : i32
      %swap3A_1004 = arith.constant 1 : i32
      %swap3A_1005 = arith.index_cast %swap3A_1004 : i32 to index
      %swap3A_1006 = arith.index_cast %add3A_1003 : i32 to index
      %swap3A_1007 = arith.constant 16 : index
      %swap3A_1008 = tpu.vector_load %arg9[%swap3A_1005, %swap3A_1006, %swap3A_1007] {strides = array<i32>} : memref<2x64x32xf32, #tpu.memory_space<vmem>>, vector<1x1x16xf32>,
      %swap3A_1009 = vector.shape_cast %swap3A_1008 : vector<1x1x16xf32> to vector<16xf32>
      %swap3A_1010 = vector.shape_cast %broadcast_in_dim3A_595 : vector<16xf32> to vector<1x1x16xf32>
      tpu.vector_store %arg9[%swap3A_1005, %swap3A_1006, %swap3A_1007], %swap3A_1010 {strides = array<i32>} : memref<2x64x32xf32, #tpu.memory_space<vmem>>, vector<1x1x16xf32>,
      %add3A_1011 = arith.constant 1 : i32
      %add3A_1012 = arith.addi %mul3A_913, %add3A_1011 : i32
      %get3A_1013 = arith.constant 1 : i32
      %get3A_1014 = arith.index_cast %get3A_1013 : i32 to index
      %get3A_1015 = arith.index_cast %add3A_1012 : i32 to index
      %get3A_1016 = arith.constant 0 : index
      %get3A_1017 = tpu.vector_load %arg6[%get3A_1014, %get3A_1015, %get3A_1016] {strides = array<i32>} : memref<2x64x128xf32, #tpu.memory_space<vmem>>, vector<1x1x16xf32>,
      %get3A_1018 = vector.shape_cast %get3A_1017 : vector<1x1x16xf32> to vector<16xf32>
      %mul3A_1019 = arith.mulf %get3A_1018, %get3A_1018 : vector<16xf32>
      %add3A_1020 = arith.constant 1 : i32
      %add3A_1021 = arith.addi %mul3A_913, %add3A_1020 : i32
      %get3A_1022 = arith.constant 1 : i32
      %get3A_1023 = arith.index_cast %get3A_1022 : i32 to index
      %get3A_1024 = arith.index_cast %add3A_1021 : i32 to index
      %get3A_1025 = arith.constant 16 : index
      %get3A_1026 = tpu.vector_load %arg6[%get3A_1023, %get3A_1024, %get3A_1025] {strides = array<i32>} : memref<2x64x128xf32, #tpu.memory_space<vmem>>, vector<1x1x16xf32>,
      %get3A_1027 = vector.shape_cast %get3A_1026 : vector<1x1x16xf32> to vector<16xf32>
      %mul3A_1028 = arith.mulf %get3A_1027, %get3A_1027 : vector<16xf32>
      %add3A_1029 = arith.constant 1 : i32
      %add3A_1030 = arith.addi %mul3A_913, %add3A_1029 : i32
      %get3A_1031 = arith.constant 1 : i32
      %get3A_1032 = arith.index_cast %get3A_1031 : i32 to index
      %get3A_1033 = arith.index_cast %add3A_1030 : i32 to index
      %get3A_1034 = arith.constant 32 : index
      %get3A_1035 = tpu.vector_load %arg6[%get3A_1032, %get3A_1033, %get3A_1034] {strides = array<i32>} : memref<2x64x128xf32, #tpu.memory_space<vmem>>, vector<1x1x16xf32>,
      %get3A_1036 = vector.shape_cast %get3A_1035 : vector<1x1x16xf32> to vector<16xf32>
      %mul3A_1037 = arith.mulf %get3A_1036, %get3A_1036 : vector<16xf32>
      %add3A_1038 = arith.constant 1 : i32
      %add3A_1039 = arith.addi %mul3A_913, %add3A_1038 : i32
      %get3A_1040 = arith.constant 1 : i32
      %get3A_1041 = arith.index_cast %get3A_1040 : i32 to index
      %get3A_1042 = arith.index_cast %add3A_1039 : i32 to index
      %get3A_1043 = arith.constant 48 : index
      %get3A_1044 = tpu.vector_load %arg6[%get3A_1041, %get3A_1042, %get3A_1043] {strides = array<i32>} : memref<2x64x128xf32, #tpu.memory_space<vmem>>, vector<1x1x16xf32>,
      %get3A_1045 = vector.shape_cast %get3A_1044 : vector<1x1x16xf32> to vector<16xf32>
      %mul3A_1046 = arith.mulf %get3A_1045, %get3A_1045 : vector<16xf32>
      %add3A_1047 = arith.constant 1 : i32
      %add3A_1048 = arith.addi %mul3A_913, %add3A_1047 : i32
      %get3A_1049 = arith.constant 1 : i32
      %get3A_1050 = arith.index_cast %get3A_1049 : i32 to index
      %get3A_1051 = arith.index_cast %add3A_1048 : i32 to index
      %get3A_1052 = arith.constant 64 : index
      %get3A_1053 = tpu.vector_load %arg6[%get3A_1050, %get3A_1051, %get3A_1052] {strides = array<i32>} : memref<2x64x128xf32, #tpu.memory_space<vmem>>, vector<1x1x16xf32>,
      %get3A_1054 = vector.shape_cast %get3A_1053 : vector<1x1x16xf32> to vector<16xf32>
      %mul3A_1055 = arith.mulf %get3A_1054, %get3A_1054 : vector<16xf32>
      %add3A_1056 = arith.constant 1 : i32
      %add3A_1057 = arith.addi %mul3A_913, %add3A_1056 : i32
      %get3A_1058 = arith.constant 1 : i32
      %get3A_1059 = arith.index_cast %get3A_1058 : i32 to index
      %get3A_1060 = arith.index_cast %add3A_1057 : i32 to index
      %get3A_1061 = arith.constant 80 : index
      %get3A_1062 = tpu.vector_load %arg6[%get3A_1059, %get3A_1060, %get3A_1061] {strides = array<i32>} : memref<2x64x128xf32, #tpu.memory_space<vmem>>, vector<1x1x16xf32>,
      %get3A_1063 = vector.shape_cast %get3A_1062 : vector<1x1x16xf32> to vector<16xf32>
      %mul3A_1064 = arith.mulf %get3A_1063, %get3A_1063 : vector<16xf32>
      %add3A_1065 = arith.constant 1 : i32
      %add3A_1066 = arith.addi %mul3A_913, %add3A_1065 : i32
      %get3A_1067 = arith.constant 1 : i32
      %get3A_1068 = arith.index_cast %get3A_1067 : i32 to index
      %get3A_1069 = arith.index_cast %add3A_1066 : i32 to index
      %get3A_1070 = arith.constant 96 : index
      %get3A_1071 = tpu.vector_load %arg6[%get3A_1068, %get3A_1069, %get3A_1070] {strides = array<i32>} : memref<2x64x128xf32, #tpu.memory_space<vmem>>, vector<1x1x16xf32>,
      %get3A_1072 = vector.shape_cast %get3A_1071 : vector<1x1x16xf32> to vector<16xf32>
      %mul3A_1073 = arith.mulf %get3A_1072, %get3A_1072 : vector<16xf32>
      %add3A_1074 = arith.constant 1 : i32
      %add3A_1075 = arith.addi %mul3A_913, %add3A_1074 : i32
      %get3A_1076 = arith.constant 1 : i32
      %get3A_1077 = arith.index_cast %get3A_1076 : i32 to index
      %get3A_1078 = arith.index_cast %add3A_1075 : i32 to index
      %get3A_1079 = arith.constant 112 : index
      %get3A_1080 = tpu.vector_load %arg6[%get3A_1077, %get3A_1078, %get3A_1079] {strides = array<i32>} : memref<2x64x128xf32, #tpu.memory_space<vmem>>, vector<1x1x16xf32>,
      %get3A_1081 = vector.shape_cast %get3A_1080 : vector<1x1x16xf32> to vector<16xf32>
      %mul3A_1082 = arith.mulf %get3A_1081, %get3A_1081 : vector<16xf32>
      %add3A_1083 = arith.addf %mul3A_1019, %mul3A_1028 : vector<16xf32>
      %add3A_1084 = arith.addf %mul3A_1037, %mul3A_1046 : vector<16xf32>
      %add3A_1085 = arith.addf %mul3A_1055, %mul3A_1064 : vector<16xf32>
      %add3A_1086 = arith.addf %mul3A_1073, %mul3A_1082 : vector<16xf32>
      %add3A_1087 = arith.addf %add3A_1083, %add3A_1084 : vector<16xf32>
      %add3A_1088 = arith.addf %add3A_1085, %add3A_1086 : vector<16xf32>
      %add3A_1089 = arith.addf %add3A_1087, %add3A_1088 : vector<16xf32>
      %add3A_1090 = arith.constant 1 : i32
      %add3A_1091 = arith.addi %mul3A_913, %add3A_1090 : i32
      %swap3A_1092 = arith.constant 1 : i32
      %swap3A_1093 = arith.index_cast %swap3A_1092 : i32 to index
      %swap3A_1094 = arith.index_cast %add3A_1091 : i32 to index
      %swap3A_1095 = arith.constant 0 : index
      %swap3A_1096 = tpu.vector_load %arg9[%swap3A_1093, %swap3A_1094, %swap3A_1095] {strides = array<i32>} : memref<2x64x32xf32, #tpu.memory_space<vmem>>, vector<1x1x16xf32>,
      %swap3A_1097 = vector.shape_cast %swap3A_1096 : vector<1x1x16xf32> to vector<16xf32>
      %swap3A_1098 = vector.shape_cast %add3A_1089 : vector<16xf32> to vector<1x1x16xf32>
      tpu.vector_store %arg9[%swap3A_1093, %swap3A_1094, %swap3A_1095], %swap3A_1098 {strides = array<i32>} : memref<2x64x32xf32, #tpu.memory_space<vmem>>, vector<1x1x16xf32>,
      %add3A_1099 = arith.constant 1 : i32
      %add3A_1100 = arith.addi %mul3A_913, %add3A_1099 : i32
      %swap3A_1101 = arith.constant 1 : i32
      %swap3A_1102 = arith.index_cast %swap3A_1101 : i32 to index
      %swap3A_1103 = arith.index_cast %add3A_1100 : i32 to index
      %swap3A_1104 = arith.constant 16 : index
      %swap3A_1105 = tpu.vector_load %arg9[%swap3A_1102, %swap3A_1103, %swap3A_1104] {strides = array<i32>} : memref<2x64x32xf32, #tpu.memory_space<vmem>>, vector<1x1x16xf32>,
      %swap3A_1106 = vector.shape_cast %swap3A_1105 : vector<1x1x16xf32> to vector<16xf32>
      %swap3A_1107 = vector.shape_cast %broadcast_in_dim3A_595 : vector<16xf32> to vector<1x1x16xf32>
      tpu.vector_store %arg9[%swap3A_1102, %swap3A_1103, %swap3A_1104], %swap3A_1107 {strides = array<i32>} : memref<2x64x32xf32, #tpu.memory_space<vmem>>, vector<1x1x16xf32>,
      %add3A_1108 = arith.constant 2 : i32
      %add3A_1109 = arith.addi %mul3A_913, %add3A_1108 : i32
      %get3A_1110 = arith.constant 1 : i32
      %get3A_1111 = arith.index_cast %get3A_1110 : i32 to index
      %get3A_1112 = arith.index_cast %add3A_1109 : i32 to index
      %get3A_1113 = arith.constant 0 : index
      %get3A_1114 = tpu.vector_load %arg6[%get3A_1111, %get3A_1112, %get3A_1113] {strides = array<i32>} : memref<2x64x128xf32, #tpu.memory_space<vmem>>, vector<1x1x16xf32>,
      %get3A_1115 = vector.shape_cast %get3A_1114 : vector<1x1x16xf32> to vector<16xf32>
      %mul3A_1116 = arith.mulf %get3A_1115, %get3A_1115 : vector<16xf32>
      %add3A_1117 = arith.constant 2 : i32
      %add3A_1118 = arith.addi %mul3A_913, %add3A_1117 : i32
      %get3A_1119 = arith.constant 1 : i32
      %get3A_1120 = arith.index_cast %get3A_1119 : i32 to index
      %get3A_1121 = arith.index_cast %add3A_1118 : i32 to index
      %get3A_1122 = arith.constant 16 : index
      %get3A_1123 = tpu.vector_load %arg6[%get3A_1120, %get3A_1121, %get3A_1122] {strides = array<i32>} : memref<2x64x128xf32, #tpu.memory_space<vmem>>, vector<1x1x16xf32>,
      %get3A_1124 = vector.shape_cast %get3A_1123 : vector<1x1x16xf32> to vector<16xf32>
      %mul3A_1125 = arith.mulf %get3A_1124, %get3A_1124 : vector<16xf32>
      %add3A_1126 = arith.constant 2 : i32
      %add3A_1127 = arith.addi %mul3A_913, %add3A_1126 : i32
      %get3A_1128 = arith.constant 1 : i32
      %get3A_1129 = arith.index_cast %get3A_1128 : i32 to index
      %get3A_1130 = arith.index_cast %add3A_1127 : i32 to index
      %get3A_1131 = arith.constant 32 : index
      %get3A_1132 = tpu.vector_load %arg6[%get3A_1129, %get3A_1130, %get3A_1131] {strides = array<i32>} : memref<2x64x128xf32, #tpu.memory_space<vmem>>, vector<1x1x16xf32>,
      %get3A_1133 = vector.shape_cast %get3A_1132 : vector<1x1x16xf32> to vector<16xf32>
      %mul3A_1134 = arith.mulf %get3A_1133, %get3A_1133 : vector<16xf32>
      %add3A_1135 = arith.constant 2 : i32
      %add3A_1136 = arith.addi %mul3A_913, %add3A_1135 : i32
      %get3A_1137 = arith.constant 1 : i32
      %get3A_1138 = arith.index_cast %get3A_1137 : i32 to index
      %get3A_1139 = arith.index_cast %add3A_1136 : i32 to index
      %get3A_1140 = arith.constant 48 : index
      %get3A_1141 = tpu.vector_load %arg6[%get3A_1138, %get3A_1139, %get3A_1140] {strides = array<i32>} : memref<2x64x128xf32, #tpu.memory_space<vmem>>, vector<1x1x16xf32>,
      %get3A_1142 = vector.shape_cast %get3A_1141 : vector<1x1x16xf32> to vector<16xf32>
      %mul3A_1143 = arith.mulf %get3A_1142, %get3A_1142 : vector<16xf32>
      %add3A_1144 = arith.constant 2 : i32
      %add3A_1145 = arith.addi %mul3A_913, %add3A_1144 : i32
      %get3A_1146 = arith.constant 1 : i32
      %get3A_1147 = arith.index_cast %get3A_1146 : i32 to index
      %get3A_1148 = arith.index_cast %add3A_1145 : i32 to index
      %get3A_1149 = arith.constant 64 : index
      %get3A_1150 = tpu.vector_load %arg6[%get3A_1147, %get3A_1148, %get3A_1149] {strides = array<i32>} : memref<2x64x128xf32, #tpu.memory_space<vmem>>, vector<1x1x16xf32>,
      %get3A_1151 = vector.shape_cast %get3A_1150 : vector<1x1x16xf32> to vector<16xf32>
      %mul3A_1152 = arith.mulf %get3A_1151, %get3A_1151 : vector<16xf32>
      %add3A_1153 = arith.constant 2 : i32
      %add3A_1154 = arith.addi %mul3A_913, %add3A_1153 : i32
      %get3A_1155 = arith.constant 1 : i32
      %get3A_1156 = arith.index_cast %get3A_1155 : i32 to index
      %get3A_1157 = arith.index_cast %add3A_1154 : i32 to index
      %get3A_1158 = arith.constant 80 : index
      %get3A_1159 = tpu.vector_load %arg6[%get3A_1156, %get3A_1157, %get3A_1158] {strides = array<i32>} : memref<2x64x128xf32, #tpu.memory_space<vmem>>, vector<1x1x16xf32>,
      %get3A_1160 = vector.shape_cast %get3A_1159 : vector<1x1x16xf32> to vector<16xf32>
      %mul3A_1161 = arith.mulf %get3A_1160, %get3A_1160 : vector<16xf32>
      %add3A_1162 = arith.constant 2 : i32
      %add3A_1163 = arith.addi %mul3A_913, %add3A_1162 : i32
      %get3A_1164 = arith.constant 1 : i32
      %get3A_1165 = arith.index_cast %get3A_1164 : i32 to index
      %get3A_1166 = arith.index_cast %add3A_1163 : i32 to index
      %get3A_1167 = arith.constant 96 : index
      %get3A_1168 = tpu.vector_load %arg6[%get3A_1165, %get3A_1166, %get3A_1167] {strides = array<i32>} : memref<2x64x128xf32, #tpu.memory_space<vmem>>, vector<1x1x16xf32>,
      %get3A_1169 = vector.shape_cast %get3A_1168 : vector<1x1x16xf32> to vector<16xf32>
      %mul3A_1170 = arith.mulf %get3A_1169, %get3A_1169 : vector<16xf32>
      %add3A_1171 = arith.constant 2 : i32
      %add3A_1172 = arith.addi %mul3A_913, %add3A_1171 : i32
      %get3A_1173 = arith.constant 1 : i32
      %get3A_1174 = arith.index_cast %get3A_1173 : i32 to index
      %get3A_1175 = arith.index_cast %add3A_1172 : i32 to index
      %get3A_1176 = arith.constant 112 : index
      %get3A_1177 = tpu.vector_load %arg6[%get3A_1174, %get3A_1175, %get3A_1176] {strides = array<i32>} : memref<2x64x128xf32, #tpu.memory_space<vmem>>, vector<1x1x16xf32>,
      %get3A_1178 = vector.shape_cast %get3A_1177 : vector<1x1x16xf32> to vector<16xf32>
      %mul3A_1179 = arith.mulf %get3A_1178, %get3A_1178 : vector<16xf32>
      %add3A_1180 = arith.addf %mul3A_1116, %mul3A_1125 : vector<16xf32>
      %add3A_1181 = arith.addf %mul3A_1134, %mul3A_1143 : vector<16xf32>
      %add3A_1182 = arith.addf %mul3A_1152, %mul3A_1161 : vector<16xf32>
      %add3A_1183 = arith.addf %mul3A_1170, %mul3A_1179 : vector<16xf32>
      %add3A_1184 = arith.addf %add3A_1180, %add3A_1181 : vector<16xf32>
      %add3A_1185 = arith.addf %add3A_1182, %add3A_1183 : vector<16xf32>
      %add3A_1186 = arith.addf %add3A_1184, %add3A_1185 : vector<16xf32>
      %add3A_1187 = arith.constant 2 : i32
      %add3A_1188 = arith.addi %mul3A_913, %add3A_1187 : i32
      %swap3A_1189 = arith.constant 1 : i32
      %swap3A_1190 = arith.index_cast %swap3A_1189 : i32 to index
      %swap3A_1191 = arith.index_cast %add3A_1188 : i32 to index
      %swap3A_1192 = arith.constant 0 : index
      %swap3A_1193 = tpu.vector_load %arg9[%swap3A_1190, %swap3A_1191, %swap3A_1192] {strides = array<i32>} : memref<2x64x32xf32, #tpu.memory_space<vmem>>, vector<1x1x16xf32>,
      %swap3A_1194 = vector.shape_cast %swap3A_1193 : vector<1x1x16xf32> to vector<16xf32>
      %swap3A_1195 = vector.shape_cast %add3A_1186 : vector<16xf32> to vector<1x1x16xf32>
      tpu.vector_store %arg9[%swap3A_1190, %swap3A_1191, %swap3A_1192], %swap3A_1195 {strides = array<i32>} : memref<2x64x32xf32, #tpu.memory_space<vmem>>, vector<1x1x16xf32>,
      %add3A_1196 = arith.constant 2 : i32
      %add3A_1197 = arith.addi %mul3A_913, %add3A_1196 : i32
      %swap3A_1198 = arith.constant 1 : i32
      %swap3A_1199 = arith.index_cast %swap3A_1198 : i32 to index
      %swap3A_1200 = arith.index_cast %add3A_1197 : i32 to index
      %swap3A_1201 = arith.constant 16 : index
      %swap3A_1202 = tpu.vector_load %arg9[%swap3A_1199, %swap3A_1200, %swap3A_1201] {strides = array<i32>} : memref<2x64x32xf32, #tpu.memory_space<vmem>>, vector<1x1x16xf32>,
      %swap3A_1203 = vector.shape_cast %swap3A_1202 : vector<1x1x16xf32> to vector<16xf32>
      %swap3A_1204 = vector.shape_cast %broadcast_in_dim3A_595 : vector<16xf32> to vector<1x1x16xf32>
      tpu.vector_store %arg9[%swap3A_1199, %swap3A_1200, %swap3A_1201], %swap3A_1204 {strides = array<i32>} : memref<2x64x32xf32, #tpu.memory_space<vmem>>, vector<1x1x16xf32>,
      %add3A_1205 = arith.constant 3 : i32
      %add3A_1206 = arith.addi %mul3A_913, %add3A_1205 : i32
      %get3A_1207 = arith.constant 1 : i32
      %get3A_1208 = arith.index_cast %get3A_1207 : i32 to index
      %get3A_1209 = arith.index_cast %add3A_1206 : i32 to index
      %get3A_1210 = arith.constant 0 : index
      %get3A_1211 = tpu.vector_load %arg6[%get3A_1208, %get3A_1209, %get3A_1210] {strides = array<i32>} : memref<2x64x128xf32, #tpu.memory_space<vmem>>, vector<1x1x16xf32>,
      %get3A_1212 = vector.shape_cast %get3A_1211 : vector<1x1x16xf32> to vector<16xf32>
      %mul3A_1213 = arith.mulf %get3A_1212, %get3A_1212 : vector<16xf32>
      %add3A_1214 = arith.constant 3 : i32
      %add3A_1215 = arith.addi %mul3A_913, %add3A_1214 : i32
      %get3A_1216 = arith.constant 1 : i32
      %get3A_1217 = arith.index_cast %get3A_1216 : i32 to index
      %get3A_1218 = arith.index_cast %add3A_1215 : i32 to index
      %get3A_1219 = arith.constant 16 : index
      %get3A_1220 = tpu.vector_load %arg6[%get3A_1217, %get3A_1218, %get3A_1219] {strides = array<i32>} : memref<2x64x128xf32, #tpu.memory_space<vmem>>, vector<1x1x16xf32>,
      %get3A_1221 = vector.shape_cast %get3A_1220 : vector<1x1x16xf32> to vector<16xf32>
      %mul3A_1222 = arith.mulf %get3A_1221, %get3A_1221 : vector<16xf32>
      %add3A_1223 = arith.constant 3 : i32
      %add3A_1224 = arith.addi %mul3A_913, %add3A_1223 : i32
      %get3A_1225 = arith.constant 1 : i32
      %get3A_1226 = arith.index_cast %get3A_1225 : i32 to index
      %get3A_1227 = arith.index_cast %add3A_1224 : i32 to index
      %get3A_1228 = arith.constant 32 : index
      %get3A_1229 = tpu.vector_load %arg6[%get3A_1226, %get3A_1227, %get3A_1228] {strides = array<i32>} : memref<2x64x128xf32, #tpu.memory_space<vmem>>, vector<1x1x16xf32>,
      %get3A_1230 = vector.shape_cast %get3A_1229 : vector<1x1x16xf32> to vector<16xf32>
      %mul3A_1231 = arith.mulf %get3A_1230, %get3A_1230 : vector<16xf32>
      %add3A_1232 = arith.constant 3 : i32
      %add3A_1233 = arith.addi %mul3A_913, %add3A_1232 : i32
      %get3A_1234 = arith.constant 1 : i32
      %get3A_1235 = arith.index_cast %get3A_1234 : i32 to index
      %get3A_1236 = arith.index_cast %add3A_1233 : i32 to index
      %get3A_1237 = arith.constant 48 : index
      %get3A_1238 = tpu.vector_load %arg6[%get3A_1235, %get3A_1236, %get3A_1237] {strides = array<i32>} : memref<2x64x128xf32, #tpu.memory_space<vmem>>, vector<1x1x16xf32>,
      %get3A_1239 = vector.shape_cast %get3A_1238 : vector<1x1x16xf32> to vector<16xf32>
      %mul3A_1240 = arith.mulf %get3A_1239, %get3A_1239 : vector<16xf32>
      %add3A_1241 = arith.constant 3 : i32
      %add3A_1242 = arith.addi %mul3A_913, %add3A_1241 : i32
      %get3A_1243 = arith.constant 1 : i32
      %get3A_1244 = arith.index_cast %get3A_1243 : i32 to index
      %get3A_1245 = arith.index_cast %add3A_1242 : i32 to index
      %get3A_1246 = arith.constant 64 : index
      %get3A_1247 = tpu.vector_load %arg6[%get3A_1244, %get3A_1245, %get3A_1246] {strides = array<i32>} : memref<2x64x128xf32, #tpu.memory_space<vmem>>, vector<1x1x16xf32>,
      %get3A_1248 = vector.shape_cast %get3A_1247 : vector<1x1x16xf32> to vector<16xf32>
      %mul3A_1249 = arith.mulf %get3A_1248, %get3A_1248 : vector<16xf32>
      %add3A_1250 = arith.constant 3 : i32
      %add3A_1251 = arith.addi %mul3A_913, %add3A_1250 : i32
      %get3A_1252 = arith.constant 1 : i32
      %get3A_1253 = arith.index_cast %get3A_1252 : i32 to index
      %get3A_1254 = arith.index_cast %add3A_1251 : i32 to index
      %get3A_1255 = arith.constant 80 : index
      %get3A_1256 = tpu.vector_load %arg6[%get3A_1253, %get3A_1254, %get3A_1255] {strides = array<i32>} : memref<2x64x128xf32, #tpu.memory_space<vmem>>, vector<1x1x16xf32>,
      %get3A_1257 = vector.shape_cast %get3A_1256 : vector<1x1x16xf32> to vector<16xf32>
      %mul3A_1258 = arith.mulf %get3A_1257, %get3A_1257 : vector<16xf32>
      %add3A_1259 = arith.constant 3 : i32
      %add3A_1260 = arith.addi %mul3A_913, %add3A_1259 : i32
      %get3A_1261 = arith.constant 1 : i32
      %get3A_1262 = arith.index_cast %get3A_1261 : i32 to index
      %get3A_1263 = arith.index_cast %add3A_1260 : i32 to index
      %get3A_1264 = arith.constant 96 : index
      %get3A_1265 = tpu.vector_load %arg6[%get3A_1262, %get3A_1263, %get3A_1264] {strides = array<i32>} : memref<2x64x128xf32, #tpu.memory_space<vmem>>, vector<1x1x16xf32>,
      %get3A_1266 = vector.shape_cast %get3A_1265 : vector<1x1x16xf32> to vector<16xf32>
      %mul3A_1267 = arith.mulf %get3A_1266, %get3A_1266 : vector<16xf32>
      %add3A_1268 = arith.constant 3 : i32
      %add3A_1269 = arith.addi %mul3A_913, %add3A_1268 : i32
      %get3A_1270 = arith.constant 1 : i32
      %get3A_1271 = arith.index_cast %get3A_1270 : i32 to index
      %get3A_1272 = arith.index_cast %add3A_1269 : i32 to index
      %get3A_1273 = arith.constant 112 : index
      %get3A_1274 = tpu.vector_load %arg6[%get3A_1271, %get3A_1272, %get3A_1273] {strides = array<i32>} : memref<2x64x128xf32, #tpu.memory_space<vmem>>, vector<1x1x16xf32>,
      %get3A_1275 = vector.shape_cast %get3A_1274 : vector<1x1x16xf32> to vector<16xf32>
      %mul3A_1276 = arith.mulf %get3A_1275, %get3A_1275 : vector<16xf32>
      %add3A_1277 = arith.addf %mul3A_1213, %mul3A_1222 : vector<16xf32>
      %add3A_1278 = arith.addf %mul3A_1231, %mul3A_1240 : vector<16xf32>
      %add3A_1279 = arith.addf %mul3A_1249, %mul3A_1258 : vector<16xf32>
      %add3A_1280 = arith.addf %mul3A_1267, %mul3A_1276 : vector<16xf32>
      %add3A_1281 = arith.addf %add3A_1277, %add3A_1278 : vector<16xf32>
      %add3A_1282 = arith.addf %add3A_1279, %add3A_1280 : vector<16xf32>
      %add3A_1283 = arith.addf %add3A_1281, %add3A_1282 : vector<16xf32>
      %add3A_1284 = arith.constant 3 : i32
      %add3A_1285 = arith.addi %mul3A_913, %add3A_1284 : i32
      %swap3A_1286 = arith.constant 1 : i32
      %swap3A_1287 = arith.index_cast %swap3A_1286 : i32 to index
      %swap3A_1288 = arith.index_cast %add3A_1285 : i32 to index
      %swap3A_1289 = arith.constant 0 : index
      %swap3A_1290 = tpu.vector_load %arg9[%swap3A_1287, %swap3A_1288, %swap3A_1289] {strides = array<i32>} : memref<2x64x32xf32, #tpu.memory_space<vmem>>, vector<1x1x16xf32>,
      %swap3A_1291 = vector.shape_cast %swap3A_1290 : vector<1x1x16xf32> to vector<16xf32>
      %swap3A_1292 = vector.shape_cast %add3A_1283 : vector<16xf32> to vector<1x1x16xf32>
      tpu.vector_store %arg9[%swap3A_1287, %swap3A_1288, %swap3A_1289], %swap3A_1292 {strides = array<i32>} : memref<2x64x32xf32, #tpu.memory_space<vmem>>, vector<1x1x16xf32>,
      %add3A_1293 = arith.constant 3 : i32
      %add3A_1294 = arith.addi %mul3A_913, %add3A_1293 : i32
      %swap3A_1295 = arith.constant 1 : i32
      %swap3A_1296 = arith.index_cast %swap3A_1295 : i32 to index
      %swap3A_1297 = arith.index_cast %add3A_1294 : i32 to index
      %swap3A_1298 = arith.constant 16 : index
      %swap3A_1299 = tpu.vector_load %arg9[%swap3A_1296, %swap3A_1297, %swap3A_1298] {strides = array<i32>} : memref<2x64x32xf32, #tpu.memory_space<vmem>>, vector<1x1x16xf32>,
      %swap3A_1300 = vector.shape_cast %swap3A_1299 : vector<1x1x16xf32> to vector<16xf32>
      %swap3A_1301 = vector.shape_cast %broadcast_in_dim3A_595 : vector<16xf32> to vector<1x1x16xf32>
      tpu.vector_store %arg9[%swap3A_1296, %swap3A_1297, %swap3A_1298], %swap3A_1301 {strides = array<i32>} : memref<2x64x32xf32, #tpu.memory_space<vmem>>, vector<1x1x16xf32>,
      %add3A_1302 = arith.constant 4 : i32
      %add3A_1303 = arith.addi %mul3A_913, %add3A_1302 : i32
      %get3A_1304 = arith.constant 1 : i32
      %get3A_1305 = arith.index_cast %get3A_1304 : i32 to index
      %get3A_1306 = arith.index_cast %add3A_1303 : i32 to index
      %get3A_1307 = arith.constant 0 : index
      %get3A_1308 = tpu.vector_load %arg6[%get3A_1305, %get3A_1306, %get3A_1307] {strides = array<i32>} : memref<2x64x128xf32, #tpu.memory_space<vmem>>, vector<1x1x16xf32>,
      %get3A_1309 = vector.shape_cast %get3A_1308 : vector<1x1x16xf32> to vector<16xf32>
      %mul3A_1310 = arith.mulf %get3A_1309, %get3A_1309 : vector<16xf32>
      %add3A_1311 = arith.constant 4 : i32
      %add3A_1312 = arith.addi %mul3A_913, %add3A_1311 : i32
      %get3A_1313 = arith.constant 1 : i32
      %get3A_1314 = arith.index_cast %get3A_1313 : i32 to index
      %get3A_1315 = arith.index_cast %add3A_1312 : i32 to index
      %get3A_1316 = arith.constant 16 : index
      %get3A_1317 = tpu.vector_load %arg6[%get3A_1314, %get3A_1315, %get3A_1316] {strides = array<i32>} : memref<2x64x128xf32, #tpu.memory_space<vmem>>, vector<1x1x16xf32>,
      %get3A_1318 = vector.shape_cast %get3A_1317 : vector<1x1x16xf32> to vector<16xf32>
      %mul3A_1319 = arith.mulf %get3A_1318, %get3A_1318 : vector<16xf32>
      %add3A_1320 = arith.constant 4 : i32
      %add3A_1321 = arith.addi %mul3A_913, %add3A_1320 : i32
      %get3A_1322 = arith.constant 1 : i32
      %get3A_1323 = arith.index_cast %get3A_1322 : i32 to index
      %get3A_1324 = arith.index_cast %add3A_1321 : i32 to index
      %get3A_1325 = arith.constant 32 : index
      %get3A_1326 = tpu.vector_load %arg6[%get3A_1323, %get3A_1324, %get3A_1325] {strides = array<i32>} : memref<2x64x128xf32, #tpu.memory_space<vmem>>, vector<1x1x16xf32>,
      %get3A_1327 = vector.shape_cast %get3A_1326 : vector<1x1x16xf32> to vector<16xf32>
      %mul3A_1328 = arith.mulf %get3A_1327, %get3A_1327 : vector<16xf32>
      %add3A_1329 = arith.constant 4 : i32
      %add3A_1330 = arith.addi %mul3A_913, %add3A_1329 : i32
      %get3A_1331 = arith.constant 1 : i32
      %get3A_1332 = arith.index_cast %get3A_1331 : i32 to index
      %get3A_1333 = arith.index_cast %add3A_1330 : i32 to index
      %get3A_1334 = arith.constant 48 : index
      %get3A_1335 = tpu.vector_load %arg6[%get3A_1332, %get3A_1333, %get3A_1334] {strides = array<i32>} : memref<2x64x128xf32, #tpu.memory_space<vmem>>, vector<1x1x16xf32>,
      %get3A_1336 = vector.shape_cast %get3A_1335 : vector<1x1x16xf32> to vector<16xf32>
      %mul3A_1337 = arith.mulf %get3A_1336, %get3A_1336 : vector<16xf32>
      %add3A_1338 = arith.constant 4 : i32
      %add3A_1339 = arith.addi %mul3A_913, %add3A_1338 : i32
      %get3A_1340 = arith.constant 1 : i32
      %get3A_1341 = arith.index_cast %get3A_1340 : i32 to index
      %get3A_1342 = arith.index_cast %add3A_1339 : i32 to index
      %get3A_1343 = arith.constant 64 : index
      %get3A_1344 = tpu.vector_load %arg6[%get3A_1341, %get3A_1342, %get3A_1343] {strides = array<i32>} : memref<2x64x128xf32, #tpu.memory_space<vmem>>, vector<1x1x16xf32>,
      %get3A_1345 = vector.shape_cast %get3A_1344 : vector<1x1x16xf32> to vector<16xf32>
      %mul3A_1346 = arith.mulf %get3A_1345, %get3A_1345 : vector<16xf32>
      %add3A_1347 = arith.constant 4 : i32
      %add3A_1348 = arith.addi %mul3A_913, %add3A_1347 : i32
      %get3A_1349 = arith.constant 1 : i32
      %get3A_1350 = arith.index_cast %get3A_1349 : i32 to index
      %get3A_1351 = arith.index_cast %add3A_1348 : i32 to index
      %get3A_1352 = arith.constant 80 : index
      %get3A_1353 = tpu.vector_load %arg6[%get3A_1350, %get3A_1351, %get3A_1352] {strides = array<i32>} : memref<2x64x128xf32, #tpu.memory_space<vmem>>, vector<1x1x16xf32>,
      %get3A_1354 = vector.shape_cast %get3A_1353 : vector<1x1x16xf32> to vector<16xf32>
      %mul3A_1355 = arith.mulf %get3A_1354, %get3A_1354 : vector<16xf32>
      %add3A_1356 = arith.constant 4 : i32
      %add3A_1357 = arith.addi %mul3A_913, %add3A_1356 : i32
      %get3A_1358 = arith.constant 1 : i32
      %get3A_1359 = arith.index_cast %get3A_1358 : i32 to index
      %get3A_1360 = arith.index_cast %add3A_1357 : i32 to index
      %get3A_1361 = arith.constant 96 : index
      %get3A_1362 = tpu.vector_load %arg6[%get3A_1359, %get3A_1360, %get3A_1361] {strides = array<i32>} : memref<2x64x128xf32, #tpu.memory_space<vmem>>, vector<1x1x16xf32>,
      %get3A_1363 = vector.shape_cast %get3A_1362 : vector<1x1x16xf32> to vector<16xf32>
      %mul3A_1364 = arith.mulf %get3A_1363, %get3A_1363 : vector<16xf32>
      %add3A_1365 = arith.constant 4 : i32
      %add3A_1366 = arith.addi %mul3A_913, %add3A_1365 : i32
      %get3A_1367 = arith.constant 1 : i32
      %get3A_1368 = arith.index_cast %get3A_1367 : i32 to index
      %get3A_1369 = arith.index_cast %add3A_1366 : i32 to index
      %get3A_1370 = arith.constant 112 : index
      %get3A_1371 = tpu.vector_load %arg6[%get3A_1368, %get3A_1369, %get3A_1370] {strides = array<i32>} : memref<2x64x128xf32, #tpu.memory_space<vmem>>, vector<1x1x16xf32>,
      %get3A_1372 = vector.shape_cast %get3A_1371 : vector<1x1x16xf32> to vector<16xf32>
      %mul3A_1373 = arith.mulf %get3A_1372, %get3A_1372 : vector<16xf32>
      %add3A_1374 = arith.addf %mul3A_1310, %mul3A_1319 : vector<16xf32>
      %add3A_1375 = arith.addf %mul3A_1328, %mul3A_1337 : vector<16xf32>
      %add3A_1376 = arith.addf %mul3A_1346, %mul3A_1355 : vector<16xf32>
      %add3A_1377 = arith.addf %mul3A_1364, %mul3A_1373 : vector<16xf32>
      %add3A_1378 = arith.addf %add3A_1374, %add3A_1375 : vector<16xf32>
      %add3A_1379 = arith.addf %add3A_1376, %add3A_1377 : vector<16xf32>
      %add3A_1380 = arith.addf %add3A_1378, %add3A_1379 : vector<16xf32>
      %add3A_1381 = arith.constant 4 : i32
      %add3A_1382 = arith.addi %mul3A_913, %add3A_1381 : i32
      %swap3A_1383 = arith.constant 1 : i32
      %swap3A_1384 = arith.index_cast %swap3A_1383 : i32 to index
      %swap3A_1385 = arith.index_cast %add3A_1382 : i32 to index
      %swap3A_1386 = arith.constant 0 : index
      %swap3A_1387 = tpu.vector_load %arg9[%swap3A_1384, %swap3A_1385, %swap3A_1386] {strides = array<i32>} : memref<2x64x32xf32, #tpu.memory_space<vmem>>, vector<1x1x16xf32>,
      %swap3A_1388 = vector.shape_cast %swap3A_1387 : vector<1x1x16xf32> to vector<16xf32>
      %swap3A_1389 = vector.shape_cast %add3A_1380 : vector<16xf32> to vector<1x1x16xf32>
      tpu.vector_store %arg9[%swap3A_1384, %swap3A_1385, %swap3A_1386], %swap3A_1389 {strides = array<i32>} : memref<2x64x32xf32, #tpu.memory_space<vmem>>, vector<1x1x16xf32>,
      %add3A_1390 = arith.constant 4 : i32
      %add3A_1391 = arith.addi %mul3A_913, %add3A_1390 : i32
      %swap3A_1392 = arith.constant 1 : i32
      %swap3A_1393 = arith.index_cast %swap3A_1392 : i32 to index
      %swap3A_1394 = arith.index_cast %add3A_1391 : i32 to index
      %swap3A_1395 = arith.constant 16 : index
      %swap3A_1396 = tpu.vector_load %arg9[%swap3A_1393, %swap3A_1394, %swap3A_1395] {strides = array<i32>} : memref<2x64x32xf32, #tpu.memory_space<vmem>>, vector<1x1x16xf32>,
      %swap3A_1397 = vector.shape_cast %swap3A_1396 : vector<1x1x16xf32> to vector<16xf32>
      %swap3A_1398 = vector.shape_cast %broadcast_in_dim3A_595 : vector<16xf32> to vector<1x1x16xf32>
      tpu.vector_store %arg9[%swap3A_1393, %swap3A_1394, %swap3A_1395], %swap3A_1398 {strides = array<i32>} : memref<2x64x32xf32, #tpu.memory_space<vmem>>, vector<1x1x16xf32>,
      %add3A_1399 = arith.constant 5 : i32
      %add3A_1400 = arith.addi %mul3A_913, %add3A_1399 : i32
      %get3A_1401 = arith.constant 1 : i32
      %get3A_1402 = arith.index_cast %get3A_1401 : i32 to index
      %get3A_1403 = arith.index_cast %add3A_1400 : i32 to index
      %get3A_1404 = arith.constant 0 : index
      %get3A_1405 = tpu.vector_load %arg6[%get3A_1402, %get3A_1403, %get3A_1404] {strides = array<i32>} : memref<2x64x128xf32, #tpu.memory_space<vmem>>, vector<1x1x16xf32>,
      %get3A_1406 = vector.shape_cast %get3A_1405 : vector<1x1x16xf32> to vector<16xf32>
      %mul3A_1407 = arith.mulf %get3A_1406, %get3A_1406 : vector<16xf32>
      %add3A_1408 = arith.constant 5 : i32
      %add3A_1409 = arith.addi %mul3A_913, %add3A_1408 : i32
      %get3A_1410 = arith.constant 1 : i32
      %get3A_1411 = arith.index_cast %get3A_1410 : i32 to index
      %get3A_1412 = arith.index_cast %add3A_1409 : i32 to index
      %get3A_1413 = arith.constant 16 : index
      %get3A_1414 = tpu.vector_load %arg6[%get3A_1411, %get3A_1412, %get3A_1413] {strides = array<i32>} : memref<2x64x128xf32, #tpu.memory_space<vmem>>, vector<1x1x16xf32>,
      %get3A_1415 = vector.shape_cast %get3A_1414 : vector<1x1x16xf32> to vector<16xf32>
      %mul3A_1416 = arith.mulf %get3A_1415, %get3A_1415 : vector<16xf32>
      %add3A_1417 = arith.constant 5 : i32
      %add3A_1418 = arith.addi %mul3A_913, %add3A_1417 : i32
      %get3A_1419 = arith.constant 1 : i32
      %get3A_1420 = arith.index_cast %get3A_1419 : i32 to index
      %get3A_1421 = arith.index_cast %add3A_1418 : i32 to index
      %get3A_1422 = arith.constant 32 : index
      %get3A_1423 = tpu.vector_load %arg6[%get3A_1420, %get3A_1421, %get3A_1422] {strides = array<i32>} : memref<2x64x128xf32, #tpu.memory_space<vmem>>, vector<1x1x16xf32>,
      %get3A_1424 = vector.shape_cast %get3A_1423 : vector<1x1x16xf32> to vector<16xf32>
      %mul3A_1425 = arith.mulf %get3A_1424, %get3A_1424 : vector<16xf32>
      %add3A_1426 = arith.constant 5 : i32
      %add3A_1427 = arith.addi %mul3A_913, %add3A_1426 : i32
      %get3A_1428 = arith.constant 1 : i32
      %get3A_1429 = arith.index_cast %get3A_1428 : i32 to index
      %get3A_1430 = arith.index_cast %add3A_1427 : i32 to index
      %get3A_1431 = arith.constant 48 : index
      %get3A_1432 = tpu.vector_load %arg6[%get3A_1429, %get3A_1430, %get3A_1431] {strides = array<i32>} : memref<2x64x128xf32, #tpu.memory_space<vmem>>, vector<1x1x16xf32>,
      %get3A_1433 = vector.shape_cast %get3A_1432 : vector<1x1x16xf32> to vector<16xf32>
      %mul3A_1434 = arith.mulf %get3A_1433, %get3A_1433 : vector<16xf32>
      %add3A_1435 = arith.constant 5 : i32
      %add3A_1436 = arith.addi %mul3A_913, %add3A_1435 : i32
      %get3A_1437 = arith.constant 1 : i32
      %get3A_1438 = arith.index_cast %get3A_1437 : i32 to index
      %get3A_1439 = arith.index_cast %add3A_1436 : i32 to index
      %get3A_1440 = arith.constant 64 : index
      %get3A_1441 = tpu.vector_load %arg6[%get3A_1438, %get3A_1439, %get3A_1440] {strides = array<i32>} : memref<2x64x128xf32, #tpu.memory_space<vmem>>, vector<1x1x16xf32>,
      %get3A_1442 = vector.shape_cast %get3A_1441 : vector<1x1x16xf32> to vector<16xf32>
      %mul3A_1443 = arith.mulf %get3A_1442, %get3A_1442 : vector<16xf32>
      %add3A_1444 = arith.constant 5 : i32
      %add3A_1445 = arith.addi %mul3A_913, %add3A_1444 : i32
      %get3A_1446 = arith.constant 1 : i32
      %get3A_1447 = arith.index_cast %get3A_1446 : i32 to index
      %get3A_1448 = arith.index_cast %add3A_1445 : i32 to index
      %get3A_1449 = arith.constant 80 : index
      %get3A_1450 = tpu.vector_load %arg6[%get3A_1447, %get3A_1448, %get3A_1449] {strides = array<i32>} : memref<2x64x128xf32, #tpu.memory_space<vmem>>, vector<1x1x16xf32>,
      %get3A_1451 = vector.shape_cast %get3A_1450 : vector<1x1x16xf32> to vector<16xf32>
      %mul3A_1452 = arith.mulf %get3A_1451, %get3A_1451 : vector<16xf32>
      %add3A_1453 = arith.constant 5 : i32
      %add3A_1454 = arith.addi %mul3A_913, %add3A_1453 : i32
      %get3A_1455 = arith.constant 1 : i32
      %get3A_1456 = arith.index_cast %get3A_1455 : i32 to index
      %get3A_1457 = arith.index_cast %add3A_1454 : i32 to index
      %get3A_1458 = arith.constant 96 : index
      %get3A_1459 = tpu.vector_load %arg6[%get3A_1456, %get3A_1457, %get3A_1458] {strides = array<i32>} : memref<2x64x128xf32, #tpu.memory_space<vmem>>, vector<1x1x16xf32>,
      %get3A_1460 = vector.shape_cast %get3A_1459 : vector<1x1x16xf32> to vector<16xf32>
      %mul3A_1461 = arith.mulf %get3A_1460, %get3A_1460 : vector<16xf32>
      %add3A_1462 = arith.constant 5 : i32
      %add3A_1463 = arith.addi %mul3A_913, %add3A_1462 : i32
      %get3A_1464 = arith.constant 1 : i32
      %get3A_1465 = arith.index_cast %get3A_1464 : i32 to index
      %get3A_1466 = arith.index_cast %add3A_1463 : i32 to index
      %get3A_1467 = arith.constant 112 : index
      %get3A_1468 = tpu.vector_load %arg6[%get3A_1465, %get3A_1466, %get3A_1467] {strides = array<i32>} : memref<2x64x128xf32, #tpu.memory_space<vmem>>, vector<1x1x16xf32>,
      %get3A_1469 = vector.shape_cast %get3A_1468 : vector<1x1x16xf32> to vector<16xf32>
      %mul3A_1470 = arith.mulf %get3A_1469, %get3A_1469 : vector<16xf32>
      %add3A_1471 = arith.addf %mul3A_1407, %mul3A_1416 : vector<16xf32>
      %add3A_1472 = arith.addf %mul3A_1425, %mul3A_1434 : vector<16xf32>
      %add3A_1473 = arith.addf %mul3A_1443, %mul3A_1452 : vector<16xf32>
      %add3A_1474 = arith.addf %mul3A_1461, %mul3A_1470 : vector<16xf32>
      %add3A_1475 = arith.addf %add3A_1471, %add3A_1472 : vector<16xf32>
      %add3A_1476 = arith.addf %add3A_1473, %add3A_1474 : vector<16xf32>
      %add3A_1477 = arith.addf %add3A_1475, %add3A_1476 : vector<16xf32>
      %add3A_1478 = arith.constant 5 : i32
      %add3A_1479 = arith.addi %mul3A_913, %add3A_1478 : i32
      %swap3A_1480 = arith.constant 1 : i32
      %swap3A_1481 = arith.index_cast %swap3A_1480 : i32 to index
      %swap3A_1482 = arith.index_cast %add3A_1479 : i32 to index
      %swap3A_1483 = arith.constant 0 : index
      %swap3A_1484 = tpu.vector_load %arg9[%swap3A_1481, %swap3A_1482, %swap3A_1483] {strides = array<i32>} : memref<2x64x32xf32, #tpu.memory_space<vmem>>, vector<1x1x16xf32>,
      %swap3A_1485 = vector.shape_cast %swap3A_1484 : vector<1x1x16xf32> to vector<16xf32>
      %swap3A_1486 = vector.shape_cast %add3A_1477 : vector<16xf32> to vector<1x1x16xf32>
      tpu.vector_store %arg9[%swap3A_1481, %swap3A_1482, %swap3A_1483], %swap3A_1486 {strides = array<i32>} : memref<2x64x32xf32, #tpu.memory_space<vmem>>, vector<1x1x16xf32>,
      %add3A_1487 = arith.constant 5 : i32
      %add3A_1488 = arith.addi %mul3A_913, %add3A_1487 : i32
      %swap3A_1489 = arith.constant 1 : i32
      %swap3A_1490 = arith.index_cast %swap3A_1489 : i32 to index
      %swap3A_1491 = arith.index_cast %add3A_1488 : i32 to index
      %swap3A_1492 = arith.constant 16 : index
      %swap3A_1493 = tpu.vector_load %arg9[%swap3A_1490, %swap3A_1491, %swap3A_1492] {strides = array<i32>} : memref<2x64x32xf32, #tpu.memory_space<vmem>>, vector<1x1x16xf32>,
      %swap3A_1494 = vector.shape_cast %swap3A_1493 : vector<1x1x16xf32> to vector<16xf32>
      %swap3A_1495 = vector.shape_cast %broadcast_in_dim3A_595 : vector<16xf32> to vector<1x1x16xf32>
      tpu.vector_store %arg9[%swap3A_1490, %swap3A_1491, %swap3A_1492], %swap3A_1495 {strides = array<i32>} : memref<2x64x32xf32, #tpu.memory_space<vmem>>, vector<1x1x16xf32>,
      %add3A_1496 = arith.constant 6 : i32
      %add3A_1497 = arith.addi %mul3A_913, %add3A_1496 : i32
      %get3A_1498 = arith.constant 1 : i32
      %get3A_1499 = arith.index_cast %get3A_1498 : i32 to index
      %get3A_1500 = arith.index_cast %add3A_1497 : i32 to index
      %get3A_1501 = arith.constant 0 : index
      %get3A_1502 = tpu.vector_load %arg6[%get3A_1499, %get3A_1500, %get3A_1501] {strides = array<i32>} : memref<2x64x128xf32, #tpu.memory_space<vmem>>, vector<1x1x16xf32>,
      %get3A_1503 = vector.shape_cast %get3A_1502 : vector<1x1x16xf32> to vector<16xf32>
      %mul3A_1504 = arith.mulf %get3A_1503, %get3A_1503 : vector<16xf32>
      %add3A_1505 = arith.constant 6 : i32
      %add3A_1506 = arith.addi %mul3A_913, %add3A_1505 : i32
      %get3A_1507 = arith.constant 1 : i32
      %get3A_1508 = arith.index_cast %get3A_1507 : i32 to index
      %get3A_1509 = arith.index_cast %add3A_1506 : i32 to index
      %get3A_1510 = arith.constant 16 : index
      %get3A_1511 = tpu.vector_load %arg6[%get3A_1508, %get3A_1509, %get3A_1510] {strides = array<i32>} : memref<2x64x128xf32, #tpu.memory_space<vmem>>, vector<1x1x16xf32>,
      %get3A_1512 = vector.shape_cast %get3A_1511 : vector<1x1x16xf32> to vector<16xf32>
      %mul3A_1513 = arith.mulf %get3A_1512, %get3A_1512 : vector<16xf32>
      %add3A_1514 = arith.constant 6 : i32
      %add3A_1515 = arith.addi %mul3A_913, %add3A_1514 : i32
      %get3A_1516 = arith.constant 1 : i32
      %get3A_1517 = arith.index_cast %get3A_1516 : i32 to index
      %get3A_1518 = arith.index_cast %add3A_1515 : i32 to index
      %get3A_1519 = arith.constant 32 : index
      %get3A_1520 = tpu.vector_load %arg6[%get3A_1517, %get3A_1518, %get3A_1519] {strides = array<i32>} : memref<2x64x128xf32, #tpu.memory_space<vmem>>, vector<1x1x16xf32>,
      %get3A_1521 = vector.shape_cast %get3A_1520 : vector<1x1x16xf32> to vector<16xf32>
      %mul3A_1522 = arith.mulf %get3A_1521, %get3A_1521 : vector<16xf32>
      %add3A_1523 = arith.constant 6 : i32
      %add3A_1524 = arith.addi %mul3A_913, %add3A_1523 : i32
      %get3A_1525 = arith.constant 1 : i32
      %get3A_1526 = arith.index_cast %get3A_1525 : i32 to index
      %get3A_1527 = arith.index_cast %add3A_1524 : i32 to index
      %get3A_1528 = arith.constant 48 : index
      %get3A_1529 = tpu.vector_load %arg6[%get3A_1526, %get3A_1527, %get3A_1528] {strides = array<i32>} : memref<2x64x128xf32, #tpu.memory_space<vmem>>, vector<1x1x16xf32>,
      %get3A_1530 = vector.shape_cast %get3A_1529 : vector<1x1x16xf32> to vector<16xf32>
      %mul3A_1531 = arith.mulf %get3A_1530, %get3A_1530 : vector<16xf32>
      %add3A_1532 = arith.constant 6 : i32
      %add3A_1533 = arith.addi %mul3A_913, %add3A_1532 : i32
      %get3A_1534 = arith.constant 1 : i32
      %get3A_1535 = arith.index_cast %get3A_1534 : i32 to index
      %get3A_1536 = arith.index_cast %add3A_1533 : i32 to index
      %get3A_1537 = arith.constant 64 : index
      %get3A_1538 = tpu.vector_load %arg6[%get3A_1535, %get3A_1536, %get3A_1537] {strides = array<i32>} : memref<2x64x128xf32, #tpu.memory_space<vmem>>, vector<1x1x16xf32>,
      %get3A_1539 = vector.shape_cast %get3A_1538 : vector<1x1x16xf32> to vector<16xf32>
      %mul3A_1540 = arith.mulf %get3A_1539, %get3A_1539 : vector<16xf32>
      %add3A_1541 = arith.constant 6 : i32
      %add3A_1542 = arith.addi %mul3A_913, %add3A_1541 : i32
      %get3A_1543 = arith.constant 1 : i32
      %get3A_1544 = arith.index_cast %get3A_1543 : i32 to index
      %get3A_1545 = arith.index_cast %add3A_1542 : i32 to index
      %get3A_1546 = arith.constant 80 : index
      %get3A_1547 = tpu.vector_load %arg6[%get3A_1544, %get3A_1545, %get3A_1546] {strides = array<i32>} : memref<2x64x128xf32, #tpu.memory_space<vmem>>, vector<1x1x16xf32>,
      %get3A_1548 = vector.shape_cast %get3A_1547 : vector<1x1x16xf32> to vector<16xf32>
      %mul3A_1549 = arith.mulf %get3A_1548, %get3A_1548 : vector<16xf32>
      %add3A_1550 = arith.constant 6 : i32
      %add3A_1551 = arith.addi %mul3A_913, %add3A_1550 : i32
      %get3A_1552 = arith.constant 1 : i32
      %get3A_1553 = arith.index_cast %get3A_1552 : i32 to index
      %get3A_1554 = arith.index_cast %add3A_1551 : i32 to index
      %get3A_1555 = arith.constant 96 : index
      %get3A_1556 = tpu.vector_load %arg6[%get3A_1553, %get3A_1554, %get3A_1555] {strides = array<i32>} : memref<2x64x128xf32, #tpu.memory_space<vmem>>, vector<1x1x16xf32>,
      %get3A_1557 = vector.shape_cast %get3A_1556 : vector<1x1x16xf32> to vector<16xf32>
      %mul3A_1558 = arith.mulf %get3A_1557, %get3A_1557 : vector<16xf32>
      %add3A_1559 = arith.constant 6 : i32
      %add3A_1560 = arith.addi %mul3A_913, %add3A_1559 : i32
      %get3A_1561 = arith.constant 1 : i32
      %get3A_1562 = arith.index_cast %get3A_1561 : i32 to index
      %get3A_1563 = arith.index_cast %add3A_1560 : i32 to index
      %get3A_1564 = arith.constant 112 : index
      %get3A_1565 = tpu.vector_load %arg6[%get3A_1562, %get3A_1563, %get3A_1564] {strides = array<i32>} : memref<2x64x128xf32, #tpu.memory_space<vmem>>, vector<1x1x16xf32>,
      %get3A_1566 = vector.shape_cast %get3A_1565 : vector<1x1x16xf32> to vector<16xf32>
      %mul3A_1567 = arith.mulf %get3A_1566, %get3A_1566 : vector<16xf32>
      %add3A_1568 = arith.addf %mul3A_1504, %mul3A_1513 : vector<16xf32>
      %add3A_1569 = arith.addf %mul3A_1522, %mul3A_1531 : vector<16xf32>
      %add3A_1570 = arith.addf %mul3A_1540, %mul3A_1549 : vector<16xf32>
      %add3A_1571 = arith.addf %mul3A_1558, %mul3A_1567 : vector<16xf32>
      %add3A_1572 = arith.addf %add3A_1568, %add3A_1569 : vector<16xf32>
      %add3A_1573 = arith.addf %add3A_1570, %add3A_1571 : vector<16xf32>
      %add3A_1574 = arith.addf %add3A_1572, %add3A_1573 : vector<16xf32>
      %add3A_1575 = arith.constant 6 : i32
      %add3A_1576 = arith.addi %mul3A_913, %add3A_1575 : i32
      %swap3A_1577 = arith.constant 1 : i32
      %swap3A_1578 = arith.index_cast %swap3A_1577 : i32 to index
      %swap3A_1579 = arith.index_cast %add3A_1576 : i32 to index
      %swap3A_1580 = arith.constant 0 : index
      %swap3A_1581 = tpu.vector_load %arg9[%swap3A_1578, %swap3A_1579, %swap3A_1580] {strides = array<i32>} : memref<2x64x32xf32, #tpu.memory_space<vmem>>, vector<1x1x16xf32>,
      %swap3A_1582 = vector.shape_cast %swap3A_1581 : vector<1x1x16xf32> to vector<16xf32>
      %swap3A_1583 = vector.shape_cast %add3A_1574 : vector<16xf32> to vector<1x1x16xf32>
      tpu.vector_store %arg9[%swap3A_1578, %swap3A_1579, %swap3A_1580], %swap3A_1583 {strides = array<i32>} : memref<2x64x32xf32, #tpu.memory_space<vmem>>, vector<1x1x16xf32>,
      %add3A_1584 = arith.constant 6 : i32
      %add3A_1585 = arith.addi %mul3A_913, %add3A_1584 : i32
      %swap3A_1586 = arith.constant 1 : i32
      %swap3A_1587 = arith.index_cast %swap3A_1586 : i32 to index
      %swap3A_1588 = arith.index_cast %add3A_1585 : i32 to index
      %swap3A_1589 = arith.constant 16 : index
      %swap3A_1590 = tpu.vector_load %arg9[%swap3A_1587, %swap3A_1588, %swap3A_1589] {strides = array<i32>} : memref<2x64x32xf32, #tpu.memory_space<vmem>>, vector<1x1x16xf32>,
      %swap3A_1591 = vector.shape_cast %swap3A_1590 : vector<1x1x16xf32> to vector<16xf32>
      %swap3A_1592 = vector.shape_cast %broadcast_in_dim3A_595 : vector<16xf32> to vector<1x1x16xf32>
      tpu.vector_store %arg9[%swap3A_1587, %swap3A_1588, %swap3A_1589], %swap3A_1592 {strides = array<i32>} : memref<2x64x32xf32, #tpu.memory_space<vmem>>, vector<1x1x16xf32>,
      %add3A_1593 = arith.constant 7 : i32
      %add3A_1594 = arith.addi %mul3A_913, %add3A_1593 : i32
      %get3A_1595 = arith.constant 1 : i32
      %get3A_1596 = arith.index_cast %get3A_1595 : i32 to index
      %get3A_1597 = arith.index_cast %add3A_1594 : i32 to index
      %get3A_1598 = arith.constant 0 : index
      %get3A_1599 = tpu.vector_load %arg6[%get3A_1596, %get3A_1597, %get3A_1598] {strides = array<i32>} : memref<2x64x128xf32, #tpu.memory_space<vmem>>, vector<1x1x16xf32>,
      %get3A_1600 = vector.shape_cast %get3A_1599 : vector<1x1x16xf32> to vector<16xf32>
      %mul3A_1601 = arith.mulf %get3A_1600, %get3A_1600 : vector<16xf32>
      %add3A_1602 = arith.constant 7 : i32
      %add3A_1603 = arith.addi %mul3A_913, %add3A_1602 : i32
      %get3A_1604 = arith.constant 1 : i32
      %get3A_1605 = arith.index_cast %get3A_1604 : i32 to index
      %get3A_1606 = arith.index_cast %add3A_1603 : i32 to index
      %get3A_1607 = arith.constant 16 : index
      %get3A_1608 = tpu.vector_load %arg6[%get3A_1605, %get3A_1606, %get3A_1607] {strides = array<i32>} : memref<2x64x128xf32, #tpu.memory_space<vmem>>, vector<1x1x16xf32>,
      %get3A_1609 = vector.shape_cast %get3A_1608 : vector<1x1x16xf32> to vector<16xf32>
      %mul3A_1610 = arith.mulf %get3A_1609, %get3A_1609 : vector<16xf32>
      %add3A_1611 = arith.constant 7 : i32
      %add3A_1612 = arith.addi %mul3A_913, %add3A_1611 : i32
      %get3A_1613 = arith.constant 1 : i32
      %get3A_1614 = arith.index_cast %get3A_1613 : i32 to index
      %get3A_1615 = arith.index_cast %add3A_1612 : i32 to index
      %get3A_1616 = arith.constant 32 : index
      %get3A_1617 = tpu.vector_load %arg6[%get3A_1614, %get3A_1615, %get3A_1616] {strides = array<i32>} : memref<2x64x128xf32, #tpu.memory_space<vmem>>, vector<1x1x16xf32>,
      %get3A_1618 = vector.shape_cast %get3A_1617 : vector<1x1x16xf32> to vector<16xf32>
      %mul3A_1619 = arith.mulf %get3A_1618, %get3A_1618 : vector<16xf32>
      %add3A_1620 = arith.constant 7 : i32
      %add3A_1621 = arith.addi %mul3A_913, %add3A_1620 : i32
      %get3A_1622 = arith.constant 1 : i32
      %get3A_1623 = arith.index_cast %get3A_1622 : i32 to index
      %get3A_1624 = arith.index_cast %add3A_1621 : i32 to index
      %get3A_1625 = arith.constant 48 : index
      %get3A_1626 = tpu.vector_load %arg6[%get3A_1623, %get3A_1624, %get3A_1625] {strides = array<i32>} : memref<2x64x128xf32, #tpu.memory_space<vmem>>, vector<1x1x16xf32>,
      %get3A_1627 = vector.shape_cast %get3A_1626 : vector<1x1x16xf32> to vector<16xf32>
      %mul3A_1628 = arith.mulf %get3A_1627, %get3A_1627 : vector<16xf32>
      %add3A_1629 = arith.constant 7 : i32
      %add3A_1630 = arith.addi %mul3A_913, %add3A_1629 : i32
      %get3A_1631 = arith.constant 1 : i32
      %get3A_1632 = arith.index_cast %get3A_1631 : i32 to index
      %get3A_1633 = arith.index_cast %add3A_1630 : i32 to index
      %get3A_1634 = arith.constant 64 : index
      %get3A_1635 = tpu.vector_load %arg6[%get3A_1632, %get3A_1633, %get3A_1634] {strides = array<i32>} : memref<2x64x128xf32, #tpu.memory_space<vmem>>, vector<1x1x16xf32>,
      %get3A_1636 = vector.shape_cast %get3A_1635 : vector<1x1x16xf32> to vector<16xf32>
      %mul3A_1637 = arith.mulf %get3A_1636, %get3A_1636 : vector<16xf32>
      %add3A_1638 = arith.constant 7 : i32
      %add3A_1639 = arith.addi %mul3A_913, %add3A_1638 : i32
      %get3A_1640 = arith.constant 1 : i32
      %get3A_1641 = arith.index_cast %get3A_1640 : i32 to index
      %get3A_1642 = arith.index_cast %add3A_1639 : i32 to index
      %get3A_1643 = arith.constant 80 : index
      %get3A_1644 = tpu.vector_load %arg6[%get3A_1641, %get3A_1642, %get3A_1643] {strides = array<i32>} : memref<2x64x128xf32, #tpu.memory_space<vmem>>, vector<1x1x16xf32>,
      %get3A_1645 = vector.shape_cast %get3A_1644 : vector<1x1x16xf32> to vector<16xf32>
      %mul3A_1646 = arith.mulf %get3A_1645, %get3A_1645 : vector<16xf32>
      %add3A_1647 = arith.constant 7 : i32
      %add3A_1648 = arith.addi %mul3A_913, %add3A_1647 : i32
      %get3A_1649 = arith.constant 1 : i32
      %get3A_1650 = arith.index_cast %get3A_1649 : i32 to index
      %get3A_1651 = arith.index_cast %add3A_1648 : i32 to index
      %get3A_1652 = arith.constant 96 : index
      %get3A_1653 = tpu.vector_load %arg6[%get3A_1650, %get3A_1651, %get3A_1652] {strides = array<i32>} : memref<2x64x128xf32, #tpu.memory_space<vmem>>, vector<1x1x16xf32>,
      %get3A_1654 = vector.shape_cast %get3A_1653 : vector<1x1x16xf32> to vector<16xf32>
      %mul3A_1655 = arith.mulf %get3A_1654, %get3A_1654 : vector<16xf32>
      %add3A_1656 = arith.constant 7 : i32
      %add3A_1657 = arith.addi %mul3A_913, %add3A_1656 : i32
      %get3A_1658 = arith.constant 1 : i32
      %get3A_1659 = arith.index_cast %get3A_1658 : i32 to index
      %get3A_1660 = arith.index_cast %add3A_1657 : i32 to index
      %get3A_1661 = arith.constant 112 : index
      %get3A_1662 = tpu.vector_load %arg6[%get3A_1659, %get3A_1660, %get3A_1661] {strides = array<i32>} : memref<2x64x128xf32, #tpu.memory_space<vmem>>, vector<1x1x16xf32>,
      %get3A_1663 = vector.shape_cast %get3A_1662 : vector<1x1x16xf32> to vector<16xf32>
      %mul3A_1664 = arith.mulf %get3A_1663, %get3A_1663 : vector<16xf32>
      %add3A_1665 = arith.addf %mul3A_1601, %mul3A_1610 : vector<16xf32>
      %add3A_1666 = arith.addf %mul3A_1619, %mul3A_1628 : vector<16xf32>
      %add3A_1667 = arith.addf %mul3A_1637, %mul3A_1646 : vector<16xf32>
      %add3A_1668 = arith.addf %mul3A_1655, %mul3A_1664 : vector<16xf32>
      %add3A_1669 = arith.addf %add3A_1665, %add3A_1666 : vector<16xf32>
      %add3A_1670 = arith.addf %add3A_1667, %add3A_1668 : vector<16xf32>
      %add3A_1671 = arith.addf %add3A_1669, %add3A_1670 : vector<16xf32>
      %add3A_1672 = arith.constant 7 : i32
      %add3A_1673 = arith.addi %mul3A_913, %add3A_1672 : i32
      %swap3A_1674 = arith.constant 1 : i32
      %swap3A_1675 = arith.index_cast %swap3A_1674 : i32 to index
      %swap3A_1676 = arith.index_cast %add3A_1673 : i32 to index
      %swap3A_1677 = arith.constant 0 : index
      %swap3A_1678 = tpu.vector_load %arg9[%swap3A_1675, %swap3A_1676, %swap3A_1677] {strides = array<i32>} : memref<2x64x32xf32, #tpu.memory_space<vmem>>, vector<1x1x16xf32>,
      %swap3A_1679 = vector.shape_cast %swap3A_1678 : vector<1x1x16xf32> to vector<16xf32>
      %swap3A_1680 = vector.shape_cast %add3A_1671 : vector<16xf32> to vector<1x1x16xf32>
      tpu.vector_store %arg9[%swap3A_1675, %swap3A_1676, %swap3A_1677], %swap3A_1680 {strides = array<i32>} : memref<2x64x32xf32, #tpu.memory_space<vmem>>, vector<1x1x16xf32>,
      %add3A_1681 = arith.constant 7 : i32
      %add3A_1682 = arith.addi %mul3A_913, %add3A_1681 : i32
      %swap3A_1683 = arith.constant 1 : i32
      %swap3A_1684 = arith.index_cast %swap3A_1683 : i32 to index
      %swap3A_1685 = arith.index_cast %add3A_1682 : i32 to index
      %swap3A_1686 = arith.constant 16 : index
      %swap3A_1687 = tpu.vector_load %arg9[%swap3A_1684, %swap3A_1685, %swap3A_1686] {strides = array<i32>} : memref<2x64x32xf32, #tpu.memory_space<vmem>>, vector<1x1x16xf32>,
      %swap3A_1688 = vector.shape_cast %swap3A_1687 : vector<1x1x16xf32> to vector<16xf32>
      %swap3A_1689 = vector.shape_cast %broadcast_in_dim3A_595 : vector<16xf32> to vector<1x1x16xf32>
      tpu.vector_store %arg9[%swap3A_1684, %swap3A_1685, %swap3A_1686], %swap3A_1689 {strides = array<i32>} : memref<2x64x32xf32, #tpu.memory_space<vmem>>, vector<1x1x16xf32>,
    }
    %scan3A_653 = arith.constant 8 : i32
    %dma_start3A_654 = arith.constant 1 : i32
    %dma_start3A_655 = arith.constant 1 : i32
    %dma_start3A_656 = arith.constant 0 : i32
    %dma_start3A_657 = arith.constant 0 : i32
    %dma_start3A_658 = tpu.memref_slice %arg6[%dma_start3A_654, %dma_start3A_656, %dma_start3A_657] : memref<2x64x128xf32, #tpu.memory_space<vmem>> -> memref<1x64x128xf32, #tpu.memory_space<vmem>>
    %dma_start3A_659 = tpu.memref_squeeze %dma_start3A_658 : memref<1x64x128xf32, #tpu.memory_space<vmem>> -> memref<64x128xf32, #tpu.memory_space<vmem>>
    %dma_start3A_660 = arith.constant 0 : i32
    %dma_start3A_661 = tpu.memref_slice %arg8[%dma_start3A_655, %dma_start3A_660] : memref<2x64xi32, #tpu.memory_space<vmem>> -> memref<1x64xi32, #tpu.memory_space<vmem>>
    %dma_start3A_662 = tpu.memref_squeeze %dma_start3A_661 : memref<1x64xi32, #tpu.memory_space<vmem>> -> memref<64xi32, #tpu.memory_space<vmem>>
    %dma_start3A_663 = arith.constant 0 : i32
    %dma_start3A_664 = arith.constant 0 : i32
    %dma_start3A_665 = tpu.memref_slice %arg12[%dma_start3A_663, %dma_start3A_664] : memref<128x128xf32, #tpu.memory_space<vmem_shared>> -> memref<128x128xf32, #tpu.memory_space<vmem_shared>>
    tpu.enqueue_indirect_dma source(%dma_start3A_659 : memref<64x128xf32, #tpu.memory_space<vmem>>) target(%dma_start3A_665 : memref<128x128xf32, #tpu.memory_space<vmem_shared>>) offsets(%dma_start3A_662 : memref<64xi32, #tpu.memory_space<vmem>>) semaphore(%arg15 : memref<!tpu.dma_semaphore, #tpu.memory_space<semaphore_mem>>) {add = true}
    %dma_start3A_666 = arith.constant 1 : i32
    %dma_start3A_667 = arith.constant 1 : i32
    %dma_start3A_668 = arith.constant 0 : i32
    %dma_start3A_669 = arith.constant 0 : i32
    %dma_start3A_670 = tpu.memref_slice %arg9[%dma_start3A_666, %dma_start3A_668, %dma_start3A_669] : memref<2x64x32xf32, #tpu.memory_space<vmem>> -> memref<1x64x32xf32, #tpu.memory_space<vmem>>
    %dma_start3A_671 = tpu.memref_squeeze %dma_start3A_670 : memref<1x64x32xf32, #tpu.memory_space<vmem>> -> memref<64x32xf32, #tpu.memory_space<vmem>>
    %dma_start3A_672 = arith.constant 0 : i32
    %dma_start3A_673 = tpu.memref_slice %arg8[%dma_start3A_667, %dma_start3A_672] : memref<2x64xi32, #tpu.memory_space<vmem>> -> memref<1x64xi32, #tpu.memory_space<vmem>>
    %dma_start3A_674 = tpu.memref_squeeze %dma_start3A_673 : memref<1x64xi32, #tpu.memory_space<vmem>> -> memref<64xi32, #tpu.memory_space<vmem>>
    %dma_start3A_675 = arith.constant 0 : i32
    %dma_start3A_676 = arith.constant 0 : i32
    %dma_start3A_677 = tpu.memref_slice %arg13[%dma_start3A_675, %dma_start3A_676] : memref<128x32xf32, #tpu.memory_space<vmem_shared>> -> memref<128x32xf32, #tpu.memory_space<vmem_shared>>
    tpu.enqueue_indirect_dma source(%dma_start3A_671 : memref<64x32xf32, #tpu.memory_space<vmem>>) target(%dma_start3A_677 : memref<128x32xf32, #tpu.memory_space<vmem_shared>>) offsets(%dma_start3A_674 : memref<64xi32, #tpu.memory_space<vmem>>) semaphore(%arg15 : memref<!tpu.dma_semaphore, #tpu.memory_space<semaphore_mem>>) {add = true}
    %dma_wait3A_678 = arith.constant 0 : i32
    %dma_wait3A_679 = arith.constant 0 : i32
    %dma_wait3A_680 = arith.constant 0 : i32
    %dma_wait3A_681 = arith.constant 0 : i32
    %dma_wait3A_682 = tpu.memref_slice %arg6[%dma_wait3A_678, %dma_wait3A_680, %dma_wait3A_681] : memref<2x64x128xf32, #tpu.memory_space<vmem>> -> memref<1x64x128xf32, #tpu.memory_space<vmem>>
    %dma_wait3A_683 = tpu.memref_squeeze %dma_wait3A_682 : memref<1x64x128xf32, #tpu.memory_space<vmem>> -> memref<64x128xf32, #tpu.memory_space<vmem>>
    %dma_wait3A_684 = arith.constant 0 : i32
    %dma_wait3A_685 = tpu.memref_slice %arg8[%dma_wait3A_679, %dma_wait3A_684] : memref<2x64xi32, #tpu.memory_space<vmem>> -> memref<1x64xi32, #tpu.memory_space<vmem>>
    %dma_wait3A_686 = tpu.memref_squeeze %dma_wait3A_685 : memref<1x64xi32, #tpu.memory_space<vmem>> -> memref<64xi32, #tpu.memory_space<vmem>>
    %dma_wait3A_687 = arith.constant 0 : i32
    %dma_wait3A_688 = arith.constant 0 : i32
    %dma_wait3A_689 = tpu.memref_slice %arg12[%dma_wait3A_687, %dma_wait3A_688] : memref<128x128xf32, #tpu.memory_space<vmem_shared>> -> memref<128x128xf32, #tpu.memory_space<vmem_shared>>
    tpu.wait_indirect_dma semaphore(%arg15 : memref<!tpu.dma_semaphore, #tpu.memory_space<semaphore_mem>>) src(%dma_wait3A_683 : memref<64x128xf32, #tpu.memory_space<vmem>>) dst(%dma_wait3A_689 : memref<128x128xf32, #tpu.memory_space<vmem_shared>>)
    %dma_wait3A_690 = arith.constant 0 : i32
    %dma_wait3A_691 = arith.constant 0 : i32
    %dma_wait3A_692 = arith.constant 0 : i32
    %dma_wait3A_693 = arith.constant 0 : i32
    %dma_wait3A_694 = tpu.memref_slice %arg9[%dma_wait3A_690, %dma_wait3A_692, %dma_wait3A_693] : memref<2x64x32xf32, #tpu.memory_space<vmem>> -> memref<1x64x32xf32, #tpu.memory_space<vmem>>
    %dma_wait3A_695 = tpu.memref_squeeze %dma_wait3A_694 : memref<1x64x32xf32, #tpu.memory_space<vmem>> -> memref<64x32xf32, #tpu.memory_space<vmem>>
    %dma_wait3A_696 = arith.constant 0 : i32
    %dma_wait3A_697 = tpu.memref_slice %arg8[%dma_wait3A_691, %dma_wait3A_696] : memref<2x64xi32, #tpu.memory_space<vmem>> -> memref<1x64xi32, #tpu.memory_space<vmem>>
    %dma_wait3A_698 = tpu.memref_squeeze %dma_wait3A_697 : memref<1x64xi32, #tpu.memory_space<vmem>> -> memref<64xi32, #tpu.memory_space<vmem>>
    %dma_wait3A_699 = arith.constant 0 : i32
    %dma_wait3A_700 = arith.constant 0 : i32
    %dma_wait3A_701 = tpu.memref_slice %arg13[%dma_wait3A_699, %dma_wait3A_700] : memref<128x32xf32, #tpu.memory_space<vmem_shared>> -> memref<128x32xf32, #tpu.memory_space<vmem_shared>>
    tpu.wait_indirect_dma semaphore(%arg15 : memref<!tpu.dma_semaphore, #tpu.memory_space<semaphore_mem>>) src(%dma_wait3A_695 : memref<64x32xf32, #tpu.memory_space<vmem>>) dst(%dma_wait3A_701 : memref<128x32xf32, #tpu.memory_space<vmem_shared>>)
    %dma_wait3A_702 = arith.constant 1 : i32
    %dma_wait3A_703 = arith.constant 1 : i32
    %dma_wait3A_704 = arith.constant 0 : i32
    %dma_wait3A_705 = arith.constant 0 : i32
    %dma_wait3A_706 = tpu.memref_slice %arg6[%dma_wait3A_702, %dma_wait3A_704, %dma_wait3A_705] : memref<2x64x128xf32, #tpu.memory_space<vmem>> -> memref<1x64x128xf32, #tpu.memory_space<vmem>>
    %dma_wait3A_707 = tpu.memref_squeeze %dma_wait3A_706 : memref<1x64x128xf32, #tpu.memory_space<vmem>> -> memref<64x128xf32, #tpu.memory_space<vmem>>
    %dma_wait3A_708 = arith.constant 0 : i32
    %dma_wait3A_709 = tpu.memref_slice %arg8[%dma_wait3A_703, %dma_wait3A_708] : memref<2x64xi32, #tpu.memory_space<vmem>> -> memref<1x64xi32, #tpu.memory_space<vmem>>
    %dma_wait3A_710 = tpu.memref_squeeze %dma_wait3A_709 : memref<1x64xi32, #tpu.memory_space<vmem>> -> memref<64xi32, #tpu.memory_space<vmem>>
    %dma_wait3A_711 = arith.constant 0 : i32
    %dma_wait3A_712 = arith.constant 0 : i32
    %dma_wait3A_713 = tpu.memref_slice %arg12[%dma_wait3A_711, %dma_wait3A_712] : memref<128x128xf32, #tpu.memory_space<vmem_shared>> -> memref<128x128xf32, #tpu.memory_space<vmem_shared>>
    tpu.wait_indirect_dma semaphore(%arg15 : memref<!tpu.dma_semaphore, #tpu.memory_space<semaphore_mem>>) src(%dma_wait3A_707 : memref<64x128xf32, #tpu.memory_space<vmem>>) dst(%dma_wait3A_713 : memref<128x128xf32, #tpu.memory_space<vmem_shared>>)
    %dma_wait3A_714 = arith.constant 1 : i32
    %dma_wait3A_715 = arith.constant 1 : i32
    %dma_wait3A_716 = arith.constant 0 : i32
    %dma_wait3A_717 = arith.constant 0 : i32
    %dma_wait3A_718 = tpu.memref_slice %arg9[%dma_wait3A_714, %dma_wait3A_716, %dma_wait3A_717] : memref<2x64x32xf32, #tpu.memory_space<vmem>> -> memref<1x64x32xf32, #tpu.memory_space<vmem>>
    %dma_wait3A_719 = tpu.memref_squeeze %dma_wait3A_718 : memref<1x64x32xf32, #tpu.memory_space<vmem>> -> memref<64x32xf32, #tpu.memory_space<vmem>>
    %dma_wait3A_720 = arith.constant 0 : i32
    %dma_wait3A_721 = tpu.memref_slice %arg8[%dma_wait3A_715, %dma_wait3A_720] : memref<2x64xi32, #tpu.memory_space<vmem>> -> memref<1x64xi32, #tpu.memory_space<vmem>>
    %dma_wait3A_722 = tpu.memref_squeeze %dma_wait3A_721 : memref<1x64xi32, #tpu.memory_space<vmem>> -> memref<64xi32, #tpu.memory_space<vmem>>
    %dma_wait3A_723 = arith.constant 0 : i32
    %dma_wait3A_724 = arith.constant 0 : i32
    %dma_wait3A_725 = tpu.memref_slice %arg13[%dma_wait3A_723, %dma_wait3A_724] : memref<128x32xf32, #tpu.memory_space<vmem_shared>> -> memref<128x32xf32, #tpu.memory_space<vmem_shared>>
    tpu.wait_indirect_dma semaphore(%arg15 : memref<!tpu.dma_semaphore, #tpu.memory_space<semaphore_mem>>) src(%dma_wait3A_719 : memref<64x32xf32, #tpu.memory_space<vmem>>) dst(%dma_wait3A_725 : memref<128x32xf32, #tpu.memory_space<vmem_shared>>)
    %barrier3A_726 = arith.constant 0 : index
    tpu.barrier barrier_id(%barrier3A_726)
    %mul3A_727 = arith.constant 8 : i32
    %mul3A_728 = arith.muli %arg1, %mul3A_727 : i32
    "tpu.region"() ({
      %run_scoped3A = tpu.sem_alloc : memref<!tpu.dma_semaphore, #tpu.memory_space<semaphore_mem>>
      %dma_start3A_911 = arith.constant 0 : i32
      %dma_start3A_912 = tpu.memref_slice %arg13[%mul3A_728, %dma_start3A_911] : memref<128x32xf32, #tpu.memory_space<vmem_shared>> -> memref<8x32xf32, #tpu.memory_space<vmem_shared>>
      %dma_start3A_913 = arith.constant 0 : i32
      %dma_start3A_914 = tpu.memref_slice %arg13[%mul3A_728, %dma_start3A_913] : memref<128x32xf32, #tpu.memory_space<vmem_shared>> -> memref<8x32xf32, #tpu.memory_space<vmem_shared>>
      tpu.enqueue_dma source(%dma_start3A_914 : memref<8x32xf32, #tpu.memory_space<vmem_shared>>) target(%arg11 : memref<8x32xf32, #tpu.memory_space<vmem>>) target_semaphore(%run_scoped3A : memref<!tpu.dma_semaphore, #tpu.memory_space<semaphore_mem>>)
      %dma_wait3A_915 = arith.constant 0 : i32
      %dma_wait3A_916 = tpu.memref_slice %arg13[%mul3A_728, %dma_wait3A_915] : memref<128x32xf32, #tpu.memory_space<vmem_shared>> -> memref<8x32xf32, #tpu.memory_space<vmem_shared>>
      %dma_wait3A_917 = arith.constant 0 : i32
      %dma_wait3A_918 = tpu.memref_slice %arg13[%mul3A_728, %dma_wait3A_917] : memref<128x32xf32, #tpu.memory_space<vmem_shared>> -> memref<8x32xf32, #tpu.memory_space<vmem_shared>>
      tpu.wait_dma2 semaphore(%run_scoped3A : memref<!tpu.dma_semaphore, #tpu.memory_space<semaphore_mem>>) src(%dma_wait3A_918 : memref<8x32xf32, #tpu.memory_space<vmem_shared>>) dst(%arg11 : memref<8x32xf32, #tpu.memory_space<vmem>>)
      tpu.yield
    }) : () -> ()
    %get3A_729 = arith.constant 0 : i32
    %get3A_730 = arith.index_cast %get3A_729 : i32 to index
    %get3A_731 = arith.constant 0 : index
    %get3A_732 = tpu.vector_load %arg11[%get3A_730, %get3A_731] {strides = array<i32>} : memref<8x32xf32, #tpu.memory_space<vmem>>, vector<1x16xf32>,
    %get3A_733 = vector.shape_cast %get3A_732 : vector<1x16xf32> to vector<16xf32>
    %swap3A_734 = arith.constant 0 : i32
    %swap3A_735 = arith.index_cast %swap3A_734 : i32 to index
    %swap3A_736 = arith.constant 0 : index
    %swap3A_737 = tpu.vector_load %arg10[%swap3A_735, %swap3A_736] {strides = array<i32>} : memref<8x128xf32, #tpu.memory_space<vmem>>, vector<1x16xf32>,
    %swap3A_738 = vector.shape_cast %swap3A_737 : vector<1x16xf32> to vector<16xf32>
    %swap3A_739 = vector.shape_cast %get3A_733 : vector<16xf32> to vector<1x16xf32>
    tpu.vector_store %arg10[%swap3A_735, %swap3A_736], %swap3A_739 {strides = array<i32>} : memref<8x128xf32, #tpu.memory_space<vmem>>, vector<1x16xf32>,
    %get3A_740 = arith.constant 0 : i32
    %get3A_741 = arith.index_cast %get3A_740 : i32 to index
    %get3A_742 = arith.constant 16 : index
    %get3A_743 = tpu.vector_load %arg11[%get3A_741, %get3A_742] {strides = array<i32>} : memref<8x32xf32, #tpu.memory_space<vmem>>, vector<1x16xf32>,
    %get3A_744 = vector.shape_cast %get3A_743 : vector<1x16xf32> to vector<16xf32>
    %swap3A_745 = arith.constant 0 : i32
    %swap3A_746 = arith.index_cast %swap3A_745 : i32 to index
    %swap3A_747 = arith.constant 16 : index
    %swap3A_748 = tpu.vector_load %arg10[%swap3A_746, %swap3A_747] {strides = array<i32>} : memref<8x128xf32, #tpu.memory_space<vmem>>, vector<1x16xf32>,
    %swap3A_749 = vector.shape_cast %swap3A_748 : vector<1x16xf32> to vector<16xf32>
    %swap3A_750 = vector.shape_cast %get3A_744 : vector<16xf32> to vector<1x16xf32>
    tpu.vector_store %arg10[%swap3A_746, %swap3A_747], %swap3A_750 {strides = array<i32>} : memref<8x128xf32, #tpu.memory_space<vmem>>, vector<1x16xf32>,
    %get3A_751 = arith.constant 1 : i32
    %get3A_752 = arith.index_cast %get3A_751 : i32 to index
    %get3A_753 = arith.constant 0 : index
    %get3A_754 = tpu.vector_load %arg11[%get3A_752, %get3A_753] {strides = array<i32>} : memref<8x32xf32, #tpu.memory_space<vmem>>, vector<1x16xf32>,
    %get3A_755 = vector.shape_cast %get3A_754 : vector<1x16xf32> to vector<16xf32>
    %swap3A_756 = arith.constant 1 : i32
    %swap3A_757 = arith.index_cast %swap3A_756 : i32 to index
    %swap3A_758 = arith.constant 0 : index
    %swap3A_759 = tpu.vector_load %arg10[%swap3A_757, %swap3A_758] {strides = array<i32>} : memref<8x128xf32, #tpu.memory_space<vmem>>, vector<1x16xf32>,
    %swap3A_760 = vector.shape_cast %swap3A_759 : vector<1x16xf32> to vector<16xf32>
    %swap3A_761 = vector.shape_cast %get3A_755 : vector<16xf32> to vector<1x16xf32>
    tpu.vector_store %arg10[%swap3A_757, %swap3A_758], %swap3A_761 {strides = array<i32>} : memref<8x128xf32, #tpu.memory_space<vmem>>, vector<1x16xf32>,
    %get3A_762 = arith.constant 1 : i32
    %get3A_763 = arith.index_cast %get3A_762 : i32 to index
    %get3A_764 = arith.constant 16 : index
    %get3A_765 = tpu.vector_load %arg11[%get3A_763, %get3A_764] {strides = array<i32>} : memref<8x32xf32, #tpu.memory_space<vmem>>, vector<1x16xf32>,
    %get3A_766 = vector.shape_cast %get3A_765 : vector<1x16xf32> to vector<16xf32>
    %swap3A_767 = arith.constant 1 : i32
    %swap3A_768 = arith.index_cast %swap3A_767 : i32 to index
    %swap3A_769 = arith.constant 16 : index
    %swap3A_770 = tpu.vector_load %arg10[%swap3A_768, %swap3A_769] {strides = array<i32>} : memref<8x128xf32, #tpu.memory_space<vmem>>, vector<1x16xf32>,
    %swap3A_771 = vector.shape_cast %swap3A_770 : vector<1x16xf32> to vector<16xf32>
    %swap3A_772 = vector.shape_cast %get3A_766 : vector<16xf32> to vector<1x16xf32>
    tpu.vector_store %arg10[%swap3A_768, %swap3A_769], %swap3A_772 {strides = array<i32>} : memref<8x128xf32, #tpu.memory_space<vmem>>, vector<1x16xf32>,
    %get3A_773 = arith.constant 2 : i32
    %get3A_774 = arith.index_cast %get3A_773 : i32 to index
    %get3A_775 = arith.constant 0 : index
    %get3A_776 = tpu.vector_load %arg11[%get3A_774, %get3A_775] {strides = array<i32>} : memref<8x32xf32, #tpu.memory_space<vmem>>, vector<1x16xf32>,
    %get3A_777 = vector.shape_cast %get3A_776 : vector<1x16xf32> to vector<16xf32>
    %swap3A_778 = arith.constant 2 : i32
    %swap3A_779 = arith.index_cast %swap3A_778 : i32 to index
    %swap3A_780 = arith.constant 0 : index
    %swap3A_781 = tpu.vector_load %arg10[%swap3A_779, %swap3A_780] {strides = array<i32>} : memref<8x128xf32, #tpu.memory_space<vmem>>, vector<1x16xf32>,
    %swap3A_782 = vector.shape_cast %swap3A_781 : vector<1x16xf32> to vector<16xf32>
    %swap3A_783 = vector.shape_cast %get3A_777 : vector<16xf32> to vector<1x16xf32>
    tpu.vector_store %arg10[%swap3A_779, %swap3A_780], %swap3A_783 {strides = array<i32>} : memref<8x128xf32, #tpu.memory_space<vmem>>, vector<1x16xf32>,
    %get3A_784 = arith.constant 2 : i32
    %get3A_785 = arith.index_cast %get3A_784 : i32 to index
    %get3A_786 = arith.constant 16 : index
    %get3A_787 = tpu.vector_load %arg11[%get3A_785, %get3A_786] {strides = array<i32>} : memref<8x32xf32, #tpu.memory_space<vmem>>, vector<1x16xf32>,
    %get3A_788 = vector.shape_cast %get3A_787 : vector<1x16xf32> to vector<16xf32>
    %swap3A_789 = arith.constant 2 : i32
    %swap3A_790 = arith.index_cast %swap3A_789 : i32 to index
    %swap3A_791 = arith.constant 16 : index
    %swap3A_792 = tpu.vector_load %arg10[%swap3A_790, %swap3A_791] {strides = array<i32>} : memref<8x128xf32, #tpu.memory_space<vmem>>, vector<1x16xf32>,
    %swap3A_793 = vector.shape_cast %swap3A_792 : vector<1x16xf32> to vector<16xf32>
    %swap3A_794 = vector.shape_cast %get3A_788 : vector<16xf32> to vector<1x16xf32>
    tpu.vector_store %arg10[%swap3A_790, %swap3A_791], %swap3A_794 {strides = array<i32>} : memref<8x128xf32, #tpu.memory_space<vmem>>, vector<1x16xf32>,
    %get3A_795 = arith.constant 3 : i32
    %get3A_796 = arith.index_cast %get3A_795 : i32 to index
    %get3A_797 = arith.constant 0 : index
    %get3A_798 = tpu.vector_load %arg11[%get3A_796, %get3A_797] {strides = array<i32>} : memref<8x32xf32, #tpu.memory_space<vmem>>, vector<1x16xf32>,
    %get3A_799 = vector.shape_cast %get3A_798 : vector<1x16xf32> to vector<16xf32>
    %swap3A_800 = arith.constant 3 : i32
    %swap3A_801 = arith.index_cast %swap3A_800 : i32 to index
    %swap3A_802 = arith.constant 0 : index
    %swap3A_803 = tpu.vector_load %arg10[%swap3A_801, %swap3A_802] {strides = array<i32>} : memref<8x128xf32, #tpu.memory_space<vmem>>, vector<1x16xf32>,
    %swap3A_804 = vector.shape_cast %swap3A_803 : vector<1x16xf32> to vector<16xf32>
    %swap3A_805 = vector.shape_cast %get3A_799 : vector<16xf32> to vector<1x16xf32>
    tpu.vector_store %arg10[%swap3A_801, %swap3A_802], %swap3A_805 {strides = array<i32>} : memref<8x128xf32, #tpu.memory_space<vmem>>, vector<1x16xf32>,
    %get3A_806 = arith.constant 3 : i32
    %get3A_807 = arith.index_cast %get3A_806 : i32 to index
    %get3A_808 = arith.constant 16 : index
    %get3A_809 = tpu.vector_load %arg11[%get3A_807, %get3A_808] {strides = array<i32>} : memref<8x32xf32, #tpu.memory_space<vmem>>, vector<1x16xf32>,
    %get3A_810 = vector.shape_cast %get3A_809 : vector<1x16xf32> to vector<16xf32>
    %swap3A_811 = arith.constant 3 : i32
    %swap3A_812 = arith.index_cast %swap3A_811 : i32 to index
    %swap3A_813 = arith.constant 16 : index
    %swap3A_814 = tpu.vector_load %arg10[%swap3A_812, %swap3A_813] {strides = array<i32>} : memref<8x128xf32, #tpu.memory_space<vmem>>, vector<1x16xf32>,
    %swap3A_815 = vector.shape_cast %swap3A_814 : vector<1x16xf32> to vector<16xf32>
    %swap3A_816 = vector.shape_cast %get3A_810 : vector<16xf32> to vector<1x16xf32>
    tpu.vector_store %arg10[%swap3A_812, %swap3A_813], %swap3A_816 {strides = array<i32>} : memref<8x128xf32, #tpu.memory_space<vmem>>, vector<1x16xf32>,
    %get3A_817 = arith.constant 4 : i32
    %get3A_818 = arith.index_cast %get3A_817 : i32 to index
    %get3A_819 = arith.constant 0 : index
    %get3A_820 = tpu.vector_load %arg11[%get3A_818, %get3A_819] {strides = array<i32>} : memref<8x32xf32, #tpu.memory_space<vmem>>, vector<1x16xf32>,
    %get3A_821 = vector.shape_cast %get3A_820 : vector<1x16xf32> to vector<16xf32>
    %swap3A_822 = arith.constant 4 : i32
    %swap3A_823 = arith.index_cast %swap3A_822 : i32 to index
    %swap3A_824 = arith.constant 0 : index
    %swap3A_825 = tpu.vector_load %arg10[%swap3A_823, %swap3A_824] {strides = array<i32>} : memref<8x128xf32, #tpu.memory_space<vmem>>, vector<1x16xf32>,
    %swap3A_826 = vector.shape_cast %swap3A_825 : vector<1x16xf32> to vector<16xf32>
    %swap3A_827 = vector.shape_cast %get3A_821 : vector<16xf32> to vector<1x16xf32>
    tpu.vector_store %arg10[%swap3A_823, %swap3A_824], %swap3A_827 {strides = array<i32>} : memref<8x128xf32, #tpu.memory_space<vmem>>, vector<1x16xf32>,
    %get3A_828 = arith.constant 4 : i32
    %get3A_829 = arith.index_cast %get3A_828 : i32 to index
    %get3A_830 = arith.constant 16 : index
    %get3A_831 = tpu.vector_load %arg11[%get3A_829, %get3A_830] {strides = array<i32>} : memref<8x32xf32, #tpu.memory_space<vmem>>, vector<1x16xf32>,
    %get3A_832 = vector.shape_cast %get3A_831 : vector<1x16xf32> to vector<16xf32>
    %swap3A_833 = arith.constant 4 : i32
    %swap3A_834 = arith.index_cast %swap3A_833 : i32 to index
    %swap3A_835 = arith.constant 16 : index
    %swap3A_836 = tpu.vector_load %arg10[%swap3A_834, %swap3A_835] {strides = array<i32>} : memref<8x128xf32, #tpu.memory_space<vmem>>, vector<1x16xf32>,
    %swap3A_837 = vector.shape_cast %swap3A_836 : vector<1x16xf32> to vector<16xf32>
    %swap3A_838 = vector.shape_cast %get3A_832 : vector<16xf32> to vector<1x16xf32>
    tpu.vector_store %arg10[%swap3A_834, %swap3A_835], %swap3A_838 {strides = array<i32>} : memref<8x128xf32, #tpu.memory_space<vmem>>, vector<1x16xf32>,
    %get3A_839 = arith.constant 5 : i32
    %get3A_840 = arith.index_cast %get3A_839 : i32 to index
    %get3A_841 = arith.constant 0 : index
    %get3A_842 = tpu.vector_load %arg11[%get3A_840, %get3A_841] {strides = array<i32>} : memref<8x32xf32, #tpu.memory_space<vmem>>, vector<1x16xf32>,
    %get3A_843 = vector.shape_cast %get3A_842 : vector<1x16xf32> to vector<16xf32>
    %swap3A_844 = arith.constant 5 : i32
    %swap3A_845 = arith.index_cast %swap3A_844 : i32 to index
    %swap3A_846 = arith.constant 0 : index
    %swap3A_847 = tpu.vector_load %arg10[%swap3A_845, %swap3A_846] {strides = array<i32>} : memref<8x128xf32, #tpu.memory_space<vmem>>, vector<1x16xf32>,
    %swap3A_848 = vector.shape_cast %swap3A_847 : vector<1x16xf32> to vector<16xf32>
    %swap3A_849 = vector.shape_cast %get3A_843 : vector<16xf32> to vector<1x16xf32>
    tpu.vector_store %arg10[%swap3A_845, %swap3A_846], %swap3A_849 {strides = array<i32>} : memref<8x128xf32, #tpu.memory_space<vmem>>, vector<1x16xf32>,
    %get3A_850 = arith.constant 5 : i32
    %get3A_851 = arith.index_cast %get3A_850 : i32 to index
    %get3A_852 = arith.constant 16 : index
    %get3A_853 = tpu.vector_load %arg11[%get3A_851, %get3A_852] {strides = array<i32>} : memref<8x32xf32, #tpu.memory_space<vmem>>, vector<1x16xf32>,
    %get3A_854 = vector.shape_cast %get3A_853 : vector<1x16xf32> to vector<16xf32>
    %swap3A_855 = arith.constant 5 : i32
    %swap3A_856 = arith.index_cast %swap3A_855 : i32 to index
    %swap3A_857 = arith.constant 16 : index
    %swap3A_858 = tpu.vector_load %arg10[%swap3A_856, %swap3A_857] {strides = array<i32>} : memref<8x128xf32, #tpu.memory_space<vmem>>, vector<1x16xf32>,
    %swap3A_859 = vector.shape_cast %swap3A_858 : vector<1x16xf32> to vector<16xf32>
    %swap3A_860 = vector.shape_cast %get3A_854 : vector<16xf32> to vector<1x16xf32>
    tpu.vector_store %arg10[%swap3A_856, %swap3A_857], %swap3A_860 {strides = array<i32>} : memref<8x128xf32, #tpu.memory_space<vmem>>, vector<1x16xf32>,
    %get3A_861 = arith.constant 6 : i32
    %get3A_862 = arith.index_cast %get3A_861 : i32 to index
    %get3A_863 = arith.constant 0 : index
    %get3A_864 = tpu.vector_load %arg11[%get3A_862, %get3A_863] {strides = array<i32>} : memref<8x32xf32, #tpu.memory_space<vmem>>, vector<1x16xf32>,
    %get3A_865 = vector.shape_cast %get3A_864 : vector<1x16xf32> to vector<16xf32>
    %swap3A_866 = arith.constant 6 : i32
    %swap3A_867 = arith.index_cast %swap3A_866 : i32 to index
    %swap3A_868 = arith.constant 0 : index
    %swap3A_869 = tpu.vector_load %arg10[%swap3A_867, %swap3A_868] {strides = array<i32>} : memref<8x128xf32, #tpu.memory_space<vmem>>, vector<1x16xf32>,
    %swap3A_870 = vector.shape_cast %swap3A_869 : vector<1x16xf32> to vector<16xf32>
    %swap3A_871 = vector.shape_cast %get3A_865 : vector<16xf32> to vector<1x16xf32>
    tpu.vector_store %arg10[%swap3A_867, %swap3A_868], %swap3A_871 {strides = array<i32>} : memref<8x128xf32, #tpu.memory_space<vmem>>, vector<1x16xf32>,
    %get3A_872 = arith.constant 6 : i32
    %get3A_873 = arith.index_cast %get3A_872 : i32 to index
    %get3A_874 = arith.constant 16 : index
    %get3A_875 = tpu.vector_load %arg11[%get3A_873, %get3A_874] {strides = array<i32>} : memref<8x32xf32, #tpu.memory_space<vmem>>, vector<1x16xf32>,
    %get3A_876 = vector.shape_cast %get3A_875 : vector<1x16xf32> to vector<16xf32>
    %swap3A_877 = arith.constant 6 : i32
    %swap3A_878 = arith.index_cast %swap3A_877 : i32 to index
    %swap3A_879 = arith.constant 16 : index
    %swap3A_880 = tpu.vector_load %arg10[%swap3A_878, %swap3A_879] {strides = array<i32>} : memref<8x128xf32, #tpu.memory_space<vmem>>, vector<1x16xf32>,
    %swap3A_881 = vector.shape_cast %swap3A_880 : vector<1x16xf32> to vector<16xf32>
    %swap3A_882 = vector.shape_cast %get3A_876 : vector<16xf32> to vector<1x16xf32>
    tpu.vector_store %arg10[%swap3A_878, %swap3A_879], %swap3A_882 {strides = array<i32>} : memref<8x128xf32, #tpu.memory_space<vmem>>, vector<1x16xf32>,
    %get3A_883 = arith.constant 7 : i32
    %get3A_884 = arith.index_cast %get3A_883 : i32 to index
    %get3A_885 = arith.constant 0 : index
    %get3A_886 = tpu.vector_load %arg11[%get3A_884, %get3A_885] {strides = array<i32>} : memref<8x32xf32, #tpu.memory_space<vmem>>, vector<1x16xf32>,
    %get3A_887 = vector.shape_cast %get3A_886 : vector<1x16xf32> to vector<16xf32>
    %swap3A_888 = arith.constant 7 : i32
    %swap3A_889 = arith.index_cast %swap3A_888 : i32 to index
    %swap3A_890 = arith.constant 0 : index
    %swap3A_891 = tpu.vector_load %arg10[%swap3A_889, %swap3A_890] {strides = array<i32>} : memref<8x128xf32, #tpu.memory_space<vmem>>, vector<1x16xf32>,
    %swap3A_892 = vector.shape_cast %swap3A_891 : vector<1x16xf32> to vector<16xf32>
    %swap3A_893 = vector.shape_cast %get3A_887 : vector<16xf32> to vector<1x16xf32>
    tpu.vector_store %arg10[%swap3A_889, %swap3A_890], %swap3A_893 {strides = array<i32>} : memref<8x128xf32, #tpu.memory_space<vmem>>, vector<1x16xf32>,
    %get3A_894 = arith.constant 7 : i32
    %get3A_895 = arith.index_cast %get3A_894 : i32 to index
    %get3A_896 = arith.constant 16 : index
    %get3A_897 = tpu.vector_load %arg11[%get3A_895, %get3A_896] {strides = array<i32>} : memref<8x32xf32, #tpu.memory_space<vmem>>, vector<1x16xf32>,
    %get3A_898 = vector.shape_cast %get3A_897 : vector<1x16xf32> to vector<16xf32>
    %swap3A_899 = arith.constant 7 : i32
    %swap3A_900 = arith.index_cast %swap3A_899 : i32 to index
    %swap3A_901 = arith.constant 16 : index
    %swap3A_902 = tpu.vector_load %arg10[%swap3A_900, %swap3A_901] {strides = array<i32>} : memref<8x128xf32, #tpu.memory_space<vmem>>, vector<1x16xf32>,
    %swap3A_903 = vector.shape_cast %swap3A_902 : vector<1x16xf32> to vector<16xf32>
    %swap3A_904 = vector.shape_cast %get3A_898 : vector<16xf32> to vector<1x16xf32>
    tpu.vector_store %arg10[%swap3A_900, %swap3A_901], %swap3A_904 {strides = array<i32>} : memref<8x128xf32, #tpu.memory_space<vmem>>, vector<1x16xf32>,
    %mul3A_905 = arith.constant 8 : i32
    %mul3A_906 = arith.muli %arg1, %mul3A_905 : i32
    "tpu.region"() ({
      %run_scoped3A = tpu.sem_alloc : memref<!tpu.dma_semaphore, #tpu.memory_space<semaphore_mem>>
      %dma_start3A_911 = arith.constant 0 : i32
      %dma_start3A_912 = tpu.memref_slice %arg5[%arg0, %mul3A_906, %dma_start3A_911] : memref<2x128x128xf32, #tpu.memory_space<hbm>> -> memref<1x8x128xf32, #tpu.memory_space<hbm>>
      %dma_start3A_913 = tpu.memref_squeeze %dma_start3A_912 : memref<1x8x128xf32, #tpu.memory_space<hbm>> -> memref<8x128xf32, #tpu.memory_space<hbm>>
      %dma_start3A_914 = arith.constant 0 : i32
      %dma_start3A_915 = tpu.memref_slice %arg5[%arg0, %mul3A_906, %dma_start3A_914] : memref<2x128x128xf32, #tpu.memory_space<hbm>> -> memref<1x8x128xf32, #tpu.memory_space<hbm>>
      %dma_start3A_916 = tpu.memref_squeeze %dma_start3A_915 : memref<1x8x128xf32, #tpu.memory_space<hbm>> -> memref<8x128xf32, #tpu.memory_space<hbm>>
      tpu.enqueue_dma source(%arg10 : memref<8x128xf32, #tpu.memory_space<vmem>>) target(%dma_start3A_916 : memref<8x128xf32, #tpu.memory_space<hbm>>) target_semaphore(%run_scoped3A : memref<!tpu.dma_semaphore, #tpu.memory_space<semaphore_mem>>)
      %dma_wait3A_917 = arith.constant 0 : i32
      %dma_wait3A_918 = tpu.memref_slice %arg5[%arg0, %mul3A_906, %dma_wait3A_917] : memref<2x128x128xf32, #tpu.memory_space<hbm>> -> memref<1x8x128xf32, #tpu.memory_space<hbm>>
      %dma_wait3A_919 = tpu.memref_squeeze %dma_wait3A_918 : memref<1x8x128xf32, #tpu.memory_space<hbm>> -> memref<8x128xf32, #tpu.memory_space<hbm>>
      %dma_wait3A_920 = arith.constant 0 : i32
      %dma_wait3A_921 = tpu.memref_slice %arg5[%arg0, %mul3A_906, %dma_wait3A_920] : memref<2x128x128xf32, #tpu.memory_space<hbm>> -> memref<1x8x128xf32, #tpu.memory_space<hbm>>
      %dma_wait3A_922 = tpu.memref_squeeze %dma_wait3A_921 : memref<1x8x128xf32, #tpu.memory_space<hbm>> -> memref<8x128xf32, #tpu.memory_space<hbm>>
      tpu.wait_dma2 semaphore(%run_scoped3A : memref<!tpu.dma_semaphore, #tpu.memory_space<semaphore_mem>>) src(%arg10 : memref<8x128xf32, #tpu.memory_space<vmem>>) dst(%dma_wait3A_922 : memref<8x128xf32, #tpu.memory_space<hbm>>)
      tpu.yield
    }) : () -> ()
    %mul3A_907 = arith.constant 8 : i32
    %mul3A_908 = arith.muli %arg1, %mul3A_907 : i32
    "tpu.region"() ({
      %run_scoped3A = tpu.sem_alloc : memref<!tpu.dma_semaphore, #tpu.memory_space<semaphore_mem>>
      %dma_start3A_911 = arith.constant 0 : i32
      %dma_start3A_912 = tpu.memref_slice %arg12[%mul3A_908, %dma_start3A_911] : memref<128x128xf32, #tpu.memory_space<vmem_shared>> -> memref<8x128xf32, #tpu.memory_space<vmem_shared>>
      %dma_start3A_913 = arith.constant 0 : i32
      %dma_start3A_914 = tpu.memref_slice %arg12[%mul3A_908, %dma_start3A_913] : memref<128x128xf32, #tpu.memory_space<vmem_shared>> -> memref<8x128xf32, #tpu.memory_space<vmem_shared>>
      tpu.enqueue_dma source(%dma_start3A_914 : memref<8x128xf32, #tpu.memory_space<vmem_shared>>) target(%arg10 : memref<8x128xf32, #tpu.memory_space<vmem>>) target_semaphore(%run_scoped3A : memref<!tpu.dma_semaphore, #tpu.memory_space<semaphore_mem>>)
      %dma_wait3A_915 = arith.constant 0 : i32
      %dma_wait3A_916 = tpu.memref_slice %arg12[%mul3A_908, %dma_wait3A_915] : memref<128x128xf32, #tpu.memory_space<vmem_shared>> -> memref<8x128xf32, #tpu.memory_space<vmem_shared>>
      %dma_wait3A_917 = arith.constant 0 : i32
      %dma_wait3A_918 = tpu.memref_slice %arg12[%mul3A_908, %dma_wait3A_917] : memref<128x128xf32, #tpu.memory_space<vmem_shared>> -> memref<8x128xf32, #tpu.memory_space<vmem_shared>>
      tpu.wait_dma2 semaphore(%run_scoped3A : memref<!tpu.dma_semaphore, #tpu.memory_space<semaphore_mem>>) src(%dma_wait3A_918 : memref<8x128xf32, #tpu.memory_space<vmem_shared>>) dst(%arg10 : memref<8x128xf32, #tpu.memory_space<vmem>>)
      tpu.yield
    }) : () -> ()
    %mul3A_909 = arith.constant 8 : i32
    %mul3A_910 = arith.muli %arg1, %mul3A_909 : i32
    "tpu.region"() ({
      %run_scoped3A = tpu.sem_alloc : memref<!tpu.dma_semaphore, #tpu.memory_space<semaphore_mem>>
      %dma_start3A_911 = arith.constant 0 : i32
      %dma_start3A_912 = tpu.memref_slice %arg4[%arg0, %mul3A_910, %dma_start3A_911] : memref<2x128x128xf32, #tpu.memory_space<hbm>> -> memref<1x8x128xf32, #tpu.memory_space<hbm>>
      %dma_start3A_913 = tpu.memref_squeeze %dma_start3A_912 : memref<1x8x128xf32, #tpu.memory_space<hbm>> -> memref<8x128xf32, #tpu.memory_space<hbm>>
      %dma_start3A_914 = arith.constant 0 : i32
      %dma_start3A_915 = tpu.memref_slice %arg4[%arg0, %mul3A_910, %dma_start3A_914] : memref<2x128x128xf32, #tpu.memory_space<hbm>> -> memref<1x8x128xf32, #tpu.memory_space<hbm>>
      %dma_start3A_916 = tpu.memref_squeeze %dma_start3A_915 : memref<1x8x128xf32, #tpu.memory_space<hbm>> -> memref<8x128xf32, #tpu.memory_space<hbm>>
      tpu.enqueue_dma source(%arg10 : memref<8x128xf32, #tpu.memory_space<vmem>>) target(%dma_start3A_916 : memref<8x128xf32, #tpu.memory_space<hbm>>) target_semaphore(%run_scoped3A : memref<!tpu.dma_semaphore, #tpu.memory_space<semaphore_mem>>)
      %dma_wait3A_917 = arith.constant 0 : i32
      %dma_wait3A_918 = tpu.memref_slice %arg4[%arg0, %mul3A_910, %dma_wait3A_917] : memref<2x128x128xf32, #tpu.memory_space<hbm>> -> memref<1x8x128xf32, #tpu.memory_space<hbm>>
      %dma_wait3A_919 = tpu.memref_squeeze %dma_wait3A_918 : memref<1x8x128xf32, #tpu.memory_space<hbm>> -> memref<8x128xf32, #tpu.memory_space<hbm>>
      %dma_wait3A_920 = arith.constant 0 : i32
      %dma_wait3A_921 = tpu.memref_slice %arg4[%arg0, %mul3A_910, %dma_wait3A_920] : memref<2x128x128xf32, #tpu.memory_space<hbm>> -> memref<1x8x128xf32, #tpu.memory_space<hbm>>
      %dma_wait3A_922 = tpu.memref_squeeze %dma_wait3A_921 : memref<1x8x128xf32, #tpu.memory_space<hbm>> -> memref<8x128xf32, #tpu.memory_space<hbm>>
      tpu.wait_dma2 semaphore(%run_scoped3A : memref<!tpu.dma_semaphore, #tpu.memory_space<semaphore_mem>>) src(%arg10 : memref<8x128xf32, #tpu.memory_space<vmem>>) dst(%dma_wait3A_922 : memref<8x128xf32, #tpu.memory_space<hbm>>)
      tpu.yield
    }) : () -> ()
    return
  }
}

module attributes {stable_mosaic.version = 14 : i64} {
  func.func @_combine_body(%arg0: memref<2x128x128xf32, #tpu.memory_space<vmem>>, %arg1: memref<2x128x128xf32, #tpu.memory_space<vmem>>, %arg2: memref<128x128xf32, #tpu.memory_space<vmem>>, %arg3: memref<8x128xf32, #tpu.memory_space<vmem>>, %arg4: memref<100x128xf32, #tpu.memory_space<vmem>>, %arg5: memref<1x1xf32, #tpu.memory_space<vmem>>) attributes {dimension_semantics = [], scalar_prefetch = 0 : i64, scratch_operands = 0 : i64, tpu.core_type = #tpu.core_type<tc>} {
    %get3A = arith.constant 0 : index
    %get3A_0 = arith.constant 0 : index
    %get3A_1 = arith.constant 0 : index
    %get3A_2 = vector.load %arg0[%get3A, %get3A_0, %get3A_1] : memref<2x128x128xf32, #tpu.memory_space<vmem>>, vector<1x100x128xf32>
    %get3A_3 = vector.shape_cast %get3A_2 : vector<1x100x128xf32> to vector<100x128xf32>
    %get3A_4 = arith.constant 1 : index
    %get3A_5 = arith.constant 0 : index
    %get3A_6 = arith.constant 0 : index
    %get3A_7 = vector.load %arg0[%get3A_4, %get3A_5, %get3A_6] : memref<2x128x128xf32, #tpu.memory_space<vmem>>, vector<1x100x128xf32>
    %get3A_8 = vector.shape_cast %get3A_7 : vector<1x100x128xf32> to vector<100x128xf32>
    %add3A = arith.addf %get3A_3, %get3A_8 : vector<100x128xf32>
    %get3A_9 = arith.constant 0 : index
    %get3A_10 = arith.constant 0 : index
    %get3A_11 = vector.load %arg2[%get3A_9, %get3A_10] : memref<128x128xf32, #tpu.memory_space<vmem>>, vector<100x128xf32>
    %add3A_12 = arith.addf %add3A, %get3A_11 : vector<100x128xf32>
    %get3A_13 = arith.constant 0 : index
    %get3A_14 = arith.constant 0 : index
    %get3A_15 = arith.constant 0 : index
    %get3A_16 = vector.load %arg1[%get3A_13, %get3A_14, %get3A_15] : memref<2x128x128xf32, #tpu.memory_space<vmem>>, vector<1x100x128xf32>
    %get3A_17 = vector.shape_cast %get3A_16 : vector<1x100x128xf32> to vector<100x128xf32>
    %get3A_18 = arith.constant 1 : index
    %get3A_19 = arith.constant 0 : index
    %get3A_20 = arith.constant 0 : index
    %get3A_21 = vector.load %arg1[%get3A_18, %get3A_19, %get3A_20] : memref<2x128x128xf32, #tpu.memory_space<vmem>>, vector<1x100x128xf32>
    %get3A_22 = vector.shape_cast %get3A_21 : vector<1x100x128xf32> to vector<100x128xf32>
    %add3A_23 = arith.addf %get3A_17, %get3A_22 : vector<100x128xf32>
    %slice3A = vector.extract_strided_slice %add3A_23 {offsets = [0, 0], sizes = [100, 16], strides = [1, 1]} : vector<100x128xf32> to vector<100x16xf32>
    %reduce_sum3A = arith.constant dense<0.000000e+00> : vector<100xf32>
    %reduce_sum3A_24 = vector.multi_reduction <add>, %slice3A, %reduce_sum3A [1] : vector<100x16xf32> to vector<100xf32>
    %get3A_25 = arith.constant 0 : index
    %get3A_26 = arith.constant 0 : index
    %get3A_27 = vector.load %arg3[%get3A_25, %get3A_26] : memref<8x128xf32, #tpu.memory_space<vmem>>, vector<1x100xf32>
    %get3A_28 = vector.shape_cast %get3A_27 : vector<1x100xf32> to vector<100xf32>
    %add3A_29 = arith.addf %reduce_sum3A_24, %get3A_28 : vector<100xf32>
    %slice3A_30 = vector.extract_strided_slice %add3A_23 {offsets = [0, 16], sizes = [100, 16], strides = [1, 1]} : vector<100x128xf32> to vector<100x16xf32>
    %reduce_sum3A_31 = arith.constant dense<0.000000e+00> : vector<100xf32>
    %reduce_sum3A_32 = vector.multi_reduction <add>, %slice3A_30, %reduce_sum3A_31 [1] : vector<100x16xf32> to vector<100xf32>
    %mul3A = arith.constant 6.250000e-02 : f32
    %mul3A_33 = vector.broadcast %mul3A : f32 to vector<100xf32>
    %mul3A_34 = arith.mulf %reduce_sum3A_32, %mul3A_33 : vector<100xf32>
    %get3A_35 = arith.constant 1 : index
    %get3A_36 = arith.constant 0 : index
    %get3A_37 = vector.load %arg3[%get3A_35, %get3A_36] : memref<8x128xf32, #tpu.memory_space<vmem>>, vector<1x100xf32>
    %get3A_38 = vector.shape_cast %get3A_37 : vector<1x100xf32> to vector<100xf32>
    %add3A_39 = arith.addf %mul3A_34, %get3A_38 : vector<100xf32>
    %get3A_40 = arith.constant 0 : index
    %get3A_41 = arith.constant 0 : index
    %get3A_42 = vector.load %arg4[%get3A_40, %get3A_41] : memref<100x128xf32, #tpu.memory_space<vmem>>, vector<100x128xf32>
    %mul3A_43 = arith.mulf %get3A_42, %add3A_12 : vector<100x128xf32>
    %reduce_sum3A_44 = arith.constant dense<0.000000e+00> : vector<100xf32>
    %reduce_sum3A_45 = vector.multi_reduction <add>, %mul3A_43, %reduce_sum3A_44 [1] : vector<100x128xf32> to vector<100xf32>
    %mul3A_46 = arith.mulf %get3A_42, %get3A_42 : vector<100x128xf32>
    %reduce_sum3A_47 = arith.constant dense<0.000000e+00> : vector<100xf32>
    %reduce_sum3A_48 = vector.multi_reduction <add>, %mul3A_46, %reduce_sum3A_47 [1] : vector<100x128xf32> to vector<100xf32>
    %gt3A = arith.constant 0.000000e+00 : f32
    %gt3A_49 = vector.broadcast %gt3A : f32 to vector<100xf32>
    %gt3A_50 = arith.cmpf ogt, %add3A_39, %gt3A_49 : vector<100xf32>
    %mul3A_51 = arith.constant 2.000000e+00 : f32
    %mul3A_52 = vector.broadcast %mul3A_51 : f32 to vector<100xf32>
    %mul3A_53 = arith.mulf %mul3A_52, %reduce_sum3A_45 : vector<100xf32>
    %sub3A = arith.subf %add3A_29, %mul3A_53 : vector<100xf32>
    %jit3A = arith.constant 1.000000e+00 : f32
    %broadcast_in_dim3A = vector.broadcast %jit3A : f32 to vector<100xf32>
    %select_n3A = arith.select %gt3A_50, %add3A_39, %broadcast_in_dim3A : vector<100xi1>, vector<100xf32>
    %div3A = arith.divf %sub3A, %select_n3A : vector<100xf32>
    %add3A_54 = arith.addf %div3A, %reduce_sum3A_48 : vector<100xf32>
    %jit3A_55 = arith.constant 0.000000e+00 : f32
    %broadcast_in_dim3A_56 = vector.broadcast %jit3A_55 : f32 to vector<100xf32>
    %select_n3A_57 = arith.select %gt3A_50, %add3A_54, %broadcast_in_dim3A_56 : vector<100xi1>, vector<100xf32>
    %reduce_sum3A_58 = vector.shape_cast %select_n3A_57 : vector<100xf32> to vector<1x100xf32>
    %reduce_sum3A_59 = arith.constant dense<0.000000e+00> : vector<1xf32>
    %reduce_sum3A_60 = vector.multi_reduction <add>, %reduce_sum3A_58, %reduce_sum3A_59 [1] : vector<1x100xf32> to vector<1xf32>
    %reduce_sum3A_61 = vector.shape_cast %reduce_sum3A_60 : vector<1xf32> to vector<1x1xf32>
    %reduce_sum3A_62 = vector.extract %reduce_sum3A_61[0, 0] : f32 from vector<1x1xf32>
    %mul3A_63 = arith.constant 1.000000e-01 : f32
    %mul3A_64 = arith.mulf %mul3A_63, %reduce_sum3A_62 : f32
    %div3A_65 = arith.constant 1.000000e+02 : f32
    %div3A_66 = arith.divf %mul3A_64, %div3A_65 : f32
    %broadcast_in_dim3A_67 = vector.broadcast %div3A_66 : f32 to vector<1x1xf32>
    %swap3A = arith.constant 0 : index
    %swap3A_68 = arith.constant 0 : index
    %swap3A_69 = vector.load %arg5[%swap3A, %swap3A_68] : memref<1x1xf32, #tpu.memory_space<vmem>>, vector<1x1xf32>
    tpu.vector_store %arg5[%swap3A, %swap3A_68], %broadcast_in_dim3A_67 {strides = array<i32>} : memref<1x1xf32, #tpu.memory_space<vmem>>, vector<1x1xf32>,
    return
  }
}

module attributes {stable_mosaic.version = 14 : i64} {
  func.func @_tc_body(%arg0: i32, %arg1: memref<1x1x4096xf32, #tpu.memory_space<vmem>>, %arg2: memref<4096x128xf32, #tpu.memory_space<vmem>>, %arg3: memref<128x128xf32, #tpu.memory_space<vmem>>, %arg4: memref<8x128xf32, #tpu.memory_space<vmem>>, %arg5: memref<128x128xf32, #tpu.memory_space<vmem>>, %arg6: memref<1x128xf32, #tpu.memory_space<vmem>>, %arg7: memref<1x128xf32, #tpu.memory_space<vmem>>) attributes {dimension_semantics = [#tpu.dimension_semantics<arbitrary>], iteration_bounds = array<i64: 3>, scalar_prefetch = 0 : i64, scratch_operands = 3 : i64, tpu.core_type = #tpu.core_type<tc>, window_params = [{transform_indices = @transform_0, window_bounds = array<i64: 1, 1, 4096>}, {transform_indices = @transform_1, window_bounds = array<i64: 4096, 128>}, {pipeline_mode = #tpu.pipeline_mode<synchronous>, transform_indices = @transform_2, window_bounds = array<i64: 128, 128>}, {pipeline_mode = #tpu.pipeline_mode<synchronous>, transform_indices = @transform_3, window_bounds = array<i64: 8, 128>}]} {
    %eq3A = arith.constant 0 : i32
    %eq3A_0 = arith.cmpi eq, %arg0, %eq3A : i32
    %convert_element_type3A = arith.extui %eq3A_0 : i1 to i32
    %cond3A = arith.constant 0 : i32
    %cond3A_1 = arith.cmpi ne, %convert_element_type3A, %cond3A : i32
    scf.if %cond3A_1 {
      %broadcast_in_dim3A_46 = arith.constant 0.000000e+00 : f32
      %broadcast_in_dim3A_47 = vector.broadcast %broadcast_in_dim3A_46 : f32 to vector<128x128xf32>
      %swap3A_48 = arith.constant 0 : index
      %swap3A_49 = arith.constant 0 : index
      %swap3A_50 = vector.load %arg5[%swap3A_48, %swap3A_49] : memref<128x128xf32, #tpu.memory_space<vmem>>, vector<128x128xf32>
      tpu.vector_store %arg5[%swap3A_48, %swap3A_49], %broadcast_in_dim3A_47 {strides = array<i32>} : memref<128x128xf32, #tpu.memory_space<vmem>>, vector<128x128xf32>,
      %broadcast_in_dim3A_51 = arith.constant 0.000000e+00 : f32
      %broadcast_in_dim3A_52 = vector.broadcast %broadcast_in_dim3A_51 : f32 to vector<1x128xf32>
      %swap3A_53 = arith.constant 0 : index
      %swap3A_54 = arith.constant 0 : index
      %swap3A_55 = vector.load %arg6[%swap3A_53, %swap3A_54] : memref<1x128xf32, #tpu.memory_space<vmem>>, vector<1x128xf32>
      tpu.vector_store %arg6[%swap3A_53, %swap3A_54], %broadcast_in_dim3A_52 {strides = array<i32>} : memref<1x128xf32, #tpu.memory_space<vmem>>, vector<1x128xf32>,
      %broadcast_in_dim3A_56 = arith.constant 0.000000e+00 : f32
      %broadcast_in_dim3A_57 = vector.broadcast %broadcast_in_dim3A_56 : f32 to vector<1x128xf32>
      %swap3A_58 = arith.constant 0 : index
      %swap3A_59 = arith.constant 0 : index
      %swap3A_60 = vector.load %arg7[%swap3A_58, %swap3A_59] : memref<1x128xf32, #tpu.memory_space<vmem>>, vector<1x128xf32>
      tpu.vector_store %arg7[%swap3A_58, %swap3A_59], %broadcast_in_dim3A_57 {strides = array<i32>} : memref<1x128xf32, #tpu.memory_space<vmem>>, vector<1x128xf32>,
    } else {
    }
    %get3A = arith.constant 0 : index
    %get3A_2 = arith.constant 0 : index
    %get3A_3 = vector.load %arg2[%get3A, %get3A_2] : memref<4096x128xf32, #tpu.memory_space<vmem>>, vector<4096x128xf32>
    %get3A_4 = arith.constant 0 : index
    %get3A_5 = arith.constant 0 : index
    %get3A_6 = arith.constant 0 : index
    %get3A_7 = vector.load %arg1[%get3A_4, %get3A_5, %get3A_6] : memref<1x1x4096xf32, #tpu.memory_space<vmem>>, vector<1x1x4096xf32>
    %get3A_8 = vector.shape_cast %get3A_7 : vector<1x1x4096xf32> to vector<4096xf32>
    %convert_element_type3A_9 = arith.fptosi %get3A_8 : vector<4096xf32> to vector<4096xi32>
    %iota3A = tpu.iota {dimensions = array<i32: 1>} : vector<4096x128xi32>
    %broadcast_in_dim3A = vector.shape_cast %convert_element_type3A_9 : vector<4096xi32> to vector<4096x1xi32>
    %eq3A_10 = vector.broadcast %broadcast_in_dim3A : vector<4096x1xi32> to vector<4096x128xi32>
    %eq3A_11 = arith.cmpi eq, %eq3A_10, %iota3A : vector<4096x128xi32>
    %convert_element_type3A_12 = arith.extui %eq3A_11 : vector<4096x128xi1> to vector<4096x128xi32>
    %convert_element_type3A_13 = arith.sitofp %convert_element_type3A_12 : vector<4096x128xi32> to vector<4096x128xf32>
    %get3A_14 = arith.constant 0 : index
    %get3A_15 = arith.constant 0 : index
    %get3A_16 = vector.load %arg5[%get3A_14, %get3A_15] : memref<128x128xf32, #tpu.memory_space<vmem>>, vector<128x128xf32>
    %dot_general3A = arith.constant dense<0.000000e+00> : vector<128x128xf32>
    %dot_general3A_17 = tpu.matmul %convert_element_type3A_13, %get3A_3, %dot_general3A {dimension_numbers = #tpu.dot_dimension_numbers<[0], [0], [1], [1], [0, 1, 1, 1], [], []>, transpose_lhs_hint = false} : vector<4096x128xf32>, vector<4096x128xf32>, vector<128x128xf32> -> vector<128x128xf32>
    %add3A = arith.addf %get3A_16, %dot_general3A_17 : vector<128x128xf32>
    %swap3A = arith.constant 0 : index
    %swap3A_18 = arith.constant 0 : index
    %swap3A_19 = vector.load %arg5[%swap3A, %swap3A_18] : memref<128x128xf32, #tpu.memory_space<vmem>>, vector<128x128xf32>
    tpu.vector_store %arg5[%swap3A, %swap3A_18], %add3A {strides = array<i32>} : memref<128x128xf32, #tpu.memory_space<vmem>>, vector<128x128xf32>,
    %mul3A = arith.mulf %get3A_3, %get3A_3 : vector<4096x128xf32>
    %reduce_sum3A = arith.constant dense<0.000000e+00> : vector<4096xf32>
    %reduce_sum3A_20 = vector.multi_reduction <add>, %mul3A, %reduce_sum3A [1] : vector<4096x128xf32> to vector<4096xf32>
    %broadcast_in_dim3A_21 = vector.shape_cast %reduce_sum3A_20 : vector<4096xf32> to vector<1x4096xf32>
    %get3A_22 = arith.constant 0 : index
    %get3A_23 = arith.constant 0 : index
    %get3A_24 = vector.load %arg6[%get3A_22, %get3A_23] : memref<1x128xf32, #tpu.memory_space<vmem>>, vector<1x128xf32>
    %dot_general3A_25 = arith.constant dense<0.000000e+00> : vector<1x128xf32>
    %dot_general3A_26 = tpu.matmul %broadcast_in_dim3A_21, %convert_element_type3A_13, %dot_general3A_25 {dimension_numbers = #tpu.dot_dimension_numbers<[1], [0], [0], [1], [0, 0, 1, 1], [], []>, transpose_lhs_hint = false} : vector<1x4096xf32>, vector<4096x128xf32>, vector<1x128xf32> -> vector<1x128xf32>
    %add3A_27 = arith.addf %get3A_24, %dot_general3A_26 : vector<1x128xf32>
    %swap3A_28 = arith.constant 0 : index
    %swap3A_29 = arith.constant 0 : index
    %swap3A_30 = vector.load %arg6[%swap3A_28, %swap3A_29] : memref<1x128xf32, #tpu.memory_space<vmem>>, vector<1x128xf32>
    tpu.vector_store %arg6[%swap3A_28, %swap3A_29], %add3A_27 {strides = array<i32>} : memref<1x128xf32, #tpu.memory_space<vmem>>, vector<1x128xf32>,
    %get3A_31 = arith.constant 0 : index
    %get3A_32 = arith.constant 0 : index
    %get3A_33 = vector.load %arg7[%get3A_31, %get3A_32] : memref<1x128xf32, #tpu.memory_space<vmem>>, vector<1x128xf32>
    %reduce_sum3A_34 = arith.constant dense<0.000000e+00> : vector<128xf32>
    %reduce_sum3A_35 = vector.multi_reduction <add>, %convert_element_type3A_13, %reduce_sum3A_34 [0] : vector<4096x128xf32> to vector<128xf32>
    %broadcast_in_dim3A_36 = vector.shape_cast %reduce_sum3A_35 : vector<128xf32> to vector<1x128xf32>
    %add3A_37 = arith.addf %get3A_33, %broadcast_in_dim3A_36 : vector<1x128xf32>
    %swap3A_38 = arith.constant 0 : index
    %swap3A_39 = arith.constant 0 : index
    %swap3A_40 = vector.load %arg7[%swap3A_38, %swap3A_39] : memref<1x128xf32, #tpu.memory_space<vmem>>, vector<1x128xf32>
    tpu.vector_store %arg7[%swap3A_38, %swap3A_39], %add3A_37 {strides = array<i32>} : memref<1x128xf32, #tpu.memory_space<vmem>>, vector<1x128xf32>,
    %eq3A_41 = arith.constant 2 : i32
    %eq3A_42 = arith.cmpi eq, %arg0, %eq3A_41 : i32
    %convert_element_type3A_43 = arith.extui %eq3A_42 : i1 to i32
    %cond3A_44 = arith.constant 0 : i32
    %cond3A_45 = arith.cmpi ne, %convert_element_type3A_43, %cond3A_44 : i32
    scf.if %cond3A_45 {
      %get3A_46 = arith.constant 0 : index
      %get3A_47 = arith.constant 0 : index
      %get3A_48 = vector.load %arg5[%get3A_46, %get3A_47] : memref<128x128xf32, #tpu.memory_space<vmem>>, vector<128x128xf32>
      %swap3A_49 = arith.constant 0 : index
      %swap3A_50 = arith.constant 0 : index
      %swap3A_51 = vector.load %arg3[%swap3A_49, %swap3A_50] : memref<128x128xf32, #tpu.memory_space<vmem>>, vector<128x128xf32>
      tpu.vector_store %arg3[%swap3A_49, %swap3A_50], %get3A_48 {strides = array<i32>} : memref<128x128xf32, #tpu.memory_space<vmem>>, vector<128x128xf32>,
      %get3A_52 = arith.constant 0 : index
      %get3A_53 = arith.constant 0 : index
      %get3A_54 = vector.load %arg6[%get3A_52, %get3A_53] : memref<1x128xf32, #tpu.memory_space<vmem>>, vector<1x128xf32>
      %get3A_55 = arith.constant 0 : index
      %get3A_56 = arith.constant 0 : index
      %get3A_57 = vector.load %arg7[%get3A_55, %get3A_56] : memref<1x128xf32, #tpu.memory_space<vmem>>, vector<1x128xf32>
      %broadcast_in_dim3A_58 = arith.constant 0.000000e+00 : f32
      %broadcast_in_dim3A_59 = vector.broadcast %broadcast_in_dim3A_58 : f32 to vector<6x128xf32>
      %concatenate3A = tpu.concatenate %get3A_54, %get3A_57, %broadcast_in_dim3A_59 in 0 : vector<1x128xf32>, vector<1x128xf32>, vector<6x128xf32> -> vector<8x128xf32>
      %swap3A_60 = arith.constant 0 : index
      %swap3A_61 = arith.constant 0 : index
      %swap3A_62 = vector.load %arg4[%swap3A_60, %swap3A_61] : memref<8x128xf32, #tpu.memory_space<vmem>>, vector<8x128xf32>
      tpu.vector_store %arg4[%swap3A_60, %swap3A_61], %concatenate3A {strides = array<i32>} : memref<8x128xf32, #tpu.memory_space<vmem>>, vector<8x128xf32>,
    } else {
    }
    return
  }
  func.func @transform_0(%arg0: i32) -> (i32, i32, i32) {
    %add3A = arith.constant 1 : i32
    %add3A_0 = arith.addi %add3A, %arg0 : i32
    %c0_i32 = arith.constant 0 : i32
    %c0_i32_1 = arith.constant 0 : i32
    %c0_i32_2 = arith.constant 0 : i32
    return %add3A_0, %c0_i32, %c0_i32_1 : i32, i32, i32
  }
  func.func @transform_1(%arg0: i32) -> (i32, i32) {
    %add3A = arith.constant 1 : i32
    %add3A_0 = arith.addi %add3A, %arg0 : i32
    %c0_i32 = arith.constant 0 : i32
    %c0_i32_1 = arith.constant 0 : i32
    return %add3A_0, %c0_i32 : i32, i32
  }
  func.func @transform_2(%arg0: i32) -> (i32, i32) {
    %c0_i32 = arith.constant 0 : i32
    %c0_i32_0 = arith.constant 0 : i32
    %c0_i32_1 = arith.constant 0 : i32
    return %c0_i32, %c0_i32_0 : i32, i32
  }
  func.func @transform_3(%arg0: i32) -> (i32, i32) {
    %c0_i32 = arith.constant 0 : i32
    %c0_i32_0 = arith.constant 0 : i32
    %c0_i32_1 = arith.constant 0 : i32
    return %c0_i32, %c0_i32_0 : i32, i32
  }
}

</mosaic_0001>

<sc_bundles>
// kernel: kernel.5.cloned.1.call-start
scs
__scs_entry_jumppad:
0x0: {  	(pc) =	sbr.rel $0x88, $3  }
0x1: {  	(tag) =	ssettag $0x0;
	lr =	simm.s32 $0x1  }
0x2: {  	[smem:$0x3F9E] =	sst lr;
	_ =	strace $0xD0000000  }
0x3: {  	_ = 	snop  }
0x4: {  	_ = 	snop  }
0x5: {  	_ = 	snop  }
0x6: {  	_ = 	snop  }
0x7: {  	_ = 	snop  }
__scs_overlays_trampoline_lowered:
0x8: {  	[smem:$0x3FAD] =	sst s0  }
0x9: {  	[smem:$0x3FAE] =	sst s1  }
0xa: {  	[smem:$0x3FAF] =	sst s2  }
0xb: {  	[smem:$0x3FB0] =	sst s3  }
0xc: {  	[smem:$0x3FB1] =	sst s4  }
0xd: {  	[smem:$0x3FB2] =	sst s5  }
0xe: {  	[smem:$0x3FB3] =	sst s6  }
0xf: {  	[smem:$0x3FB4] =	sst s7  }
0x10: {  	[smem:$0x3FB5] =	sst s8  }
0x11: {  	[smem:$0x3FB6] =	sst s9;
	s0 =	simm.s32 @!p0 $0x0  }
0x12: {  	s1 =	sld [smem:$0x3F9C];
	s0 =	simm.s32 @p0 $0x1  }
0x13: {  	[smem:$0x3FB7] =	sst s0;
	s0 =	simm.s32 @!p1 $0x0  }
0x14: {  	s2 =	sld [smem:$0x3F9B];
	s0 =	simm.s32 @p1 $0x1  }
0x15: {  	[smem:$0x3FB8] =	sst s0;
	s0 =	simm.s32 @!p2 $0x0  }
0x16: {  	s3 =	sld [smem:$0x3FDB];
	s0 =	simm.s32 @p2 $0x1  }
0x17: {  	s4 =	simm.s32 $0x1BF5;
	[smem:$0x3FBA] =	sst s0  }
0x18: {  	s0 =	sld [smem:$0x3F9D];
	_ =	swait.ge [sflag:s4], $0x0  }
0x19: {  	s7 =	sld [smem:$0x3F9E]  }
0x1a: {  	s8 =	sadd.s32 $0xFFFFE003, lr  }
0x1b: {  	s9 =	sadd.s32 $0xFFFFFEF7, lr;
	s5 =	simm.s32 $0xFFFFFFFF;
	p2 =	slt.u32 s8, $0xFFFFF086  }
0x1c: {  	p1 =	slt.u32 s9, $0xF7A;
	s5 =	simm.s32 @!p2 $0x0  }
0x1d: {  	s5 =	simm.s32 @p1 $0x1;
	p0 =	seq.s32 s7, s2  }
0x1e: {  	s7 =	smul.u32 @!p0 $0xF7A, s2;
	p2 =	seq.s32 @!p0 s5, $0x0  }
0x1f: {  	s9 =	smul.u32 $0xF7A, s1;
	s8 =	simm.s32 @!p0 $0x1BF5;
	p2 =	por !p2, p0  }
0x20: {  	[sflag:s8] =	ssyncset.s32 @!p0 $0xFFFFF086;
	s6 =	sadd.s32 @!p0 s3, s7;
	s7 =	simm.s32 @!p0 $0x108  }
0x21: {  	s3 =	sadd.s32 s3, s9;
	s6 =	sadd.s32 @!p0 $0x88, s6;
	s7 =	simm.s32 @p2 $0x1082  }
0x22: {  	[simem:s7], [sflag:s8] =	dma.local @!p0 [hbm:s6], $0xF7A  }
0x23: {  	s9 =	sor.u32 $0xD0000000, s2;
	s6 =	simm.s32 $0x108;
	_ =	swait.ge @!p0 [sflag:s8], $0x0  }
0x24: {  	s3 =	sadd.s32 $0x88, s3;
	s6 =	simm.s32 @!p1 $0x1082;
	[sflag:s4] =	ssyncset.s32 $0xFFFFF086  }
0x25: {  	[simem:s6], [sflag:s4] =	dma.local [hbm:s3], $0xF7A  }
0x26: {  	[smem:$0x3F9E] =	sst s1;
	(tag) =	ssettag s2;
	_ =	strace s9  }
0x27: {  	s1 =	sld [smem:$0x3FAE]  }
0x28: {  	s2 =	sld [smem:$0x3FAF]  }
0x29: {  	s4 =	sld [smem:$0x3FB1]  }
0x2a: {  	p0 =	seq.s32 s5, $0x0;
	s5 =	sld [smem:$0x3FB2]  }
0x2b: {  	s6 =	sld [smem:$0x3FB3]  }
0x2c: {  	s7 =	sld [smem:$0x3FB4]  }
0x2d: {  	s3 =	simm.s32 $0x108;
	s8 =	sld [smem:$0x3FB5]  }
0x2e: {  	s3 =	simm.s32 @!p0 $0x1082;
	s9 =	sld [smem:$0x3FB6]  }
0x2f: {  	lr =	sadd.s32 s0, s3;
	s0 =	sld [smem:$0x3FAD]  }
0x30: {  	s3 =	sld [smem:$0x3FB0]  }
0x31: {  	[smem:$0x3FB9] =	sst s10  }
0x32: {  	s10 =	sld [smem:$0x3FB7];
	_ =	sdelay $0x3  }
0x33: {  	p0 =	seq.s32 s10, $0x1;
	s10 =	sld [smem:$0x3FB9];
	_ =	sdelay $0x3  }
0x34: {  	[smem:$0x3FB9] =	sst s10  }
0x35: {  	s10 =	sld [smem:$0x3FB8];
	_ =	sdelay $0x3  }
0x36: {  	p1 =	seq.s32 s10, $0x1;
	s10 =	sld [smem:$0x3FB9];
	_ =	sdelay $0x3  }
0x37: {  	[smem:$0x3FB9] =	sst s10  }
0x38: {  	s10 =	sld [smem:$0x3FBA]  }
0x39: {  	_ = 	snop;
	(pc) =	sbr.ind lr, $3  }
0x3a: {  	_ = 	snop  }
0x3b: {  	_ = 	snop  }
0x3c: {  	p2 =	seq.s32 s10, $0x1;
	s10 =	sld [smem:$0x3FB9]  }
0x3d: {  	_ =	shalt  }
0x3e: {  	_ =	shalt  }
0x3f: {  	_ =	shalt  }
0x40: {  	_ =	shalt  }
0x41: {  	_ =	shalt  }
0x42: {  	_ =	shalt  }
0x43: {  	_ =	shalt  }
0x44: {  	_ =	shalt  }
0x45: {  	_ =	shalt  }
0x46: {  	_ =	shalt  }
0x47: {  	_ =	shalt  }
0x48: {  	_ =	shalt  }
0x49: {  	_ =	shalt  }
0x4a: {  	_ =	shalt  }
0x4b: {  	_ =	shalt  }
0x4c: {  	_ =	shalt  }
0x4d: {  	_ =	shalt  }
0x4e: {  	_ =	shalt  }
0x4f: {  	_ =	shalt  }
0x50: {  	_ =	shalt  }
0x51: {  	_ =	shalt  }
0x52: {  	_ =	shalt  }
0x53: {  	_ =	shalt  }
0x54: {  	_ =	shalt  }
0x55: {  	_ =	shalt  }
0x56: {  	_ =	shalt  }
0x57: {  	_ =	shalt  }
0x58: {  	_ =	shalt  }
0x59: {  	_ =	shalt  }
0x5a: {  	_ =	shalt  }
0x5b: {  	_ =	shalt  }
0x5c: {  	_ =	shalt  }
0x5d: {  	_ =	shalt  }
0x5e: {  	_ =	shalt  }
0x5f: {  	_ =	shalt  }
0x60: {  	_ =	shalt  }
0x61: {  	_ =	shalt  }
0x62: {  	_ =	shalt  }
0x63: {  	_ =	shalt  }
0x64: {  	_ =	shalt  }
0x65: {  	_ =	shalt  }
0x66: {  	_ =	shalt  }
0x67: {  	_ =	shalt  }
0x68: {  	_ =	shalt  }
0x69: {  	_ =	shalt  }
0x6a: {  	_ =	shalt  }
0x6b: {  	_ =	shalt  }
0x6c: {  	_ =	shalt  }
0x6d: {  	_ =	shalt  }
0x6e: {  	_ =	shalt  }
0x6f: {  	_ =	shalt  }
0x70: {  	_ =	shalt  }
0x71: {  	_ =	shalt  }
0x72: {  	_ =	shalt  }
0x73: {  	_ =	shalt  }
0x74: {  	_ =	shalt  }
0x75: {  	_ =	shalt  }
0x76: {  	_ =	shalt  }
0x77: {  	_ =	shalt  }
0x78: {  	_ =	shalt  }
0x79: {  	_ =	shalt  }
0x7a: {  	_ =	shalt  }
0x7b: {  	_ =	shalt  }
0x7c: {  	_ =	shalt  }
0x7d: {  	_ =	shalt  }
0x7e: {  	_ =	shalt  }
0x7f: {  	_ =	shalt  }
0x80: {  	_ =	shalt  }
0x81: {  	_ =	shalt  }
0x82: {  	_ =	shalt  }
0x83: {  	_ =	shalt  }
0x84: {  	_ =	shalt  }
0x85: {  	_ =	shalt  }
0x86: {  	_ =	shalt  }
0x87: {  	_ =	shalt  }
.Lfunc_end0:
.L_simem_size_0:
called_computation_lowered:
.L_overlay_start_0:
0x88: {  	s2 =	sld [smem:$0x3FD9]  }
0x89: {  	s3 =	sld [smem:$0x3FFE];
	_ =	sdelay $0x1  }
0x8a: {  	s1 =	srdreg.scid  }
0x8b: {  	s0 =	sand.u32 $0x1, s1  }
0x8c: {  	s17 =	sshll.u32 s0, $0xA;
	s2 =	sadd.s32 s3, s2  }
0x8d: {  	s2 =	sadd.s32 s2, s17  }
0x8e: {  	[smem:$0x3FC5] =	sst s2  }
0x8f: {  	_ = 	snop  }
0x90: {  	s2 =	sld [smem:$0x3FC9]  }
0x91: {  	s18 =	sld [smem:$0x3FC8];
	(tm) =	ssettm $0x1  }
0x92: {  	s4 =	sld [smem:$0x3FFB];
	_ =	sdelay $0x3  }
0x93: {  	_ =	strace s4  }
0x94: {  	s4 =	sld [smem:$0x3FFC];
	_ =	sdelay $0x3  }
0x95: {  	_ =	strace s4  }
0x96: {  	s4 =	sld [smem:$0x3FFD];
	_ =	sdelay $0x3  }
0x97: {  	_ =	strace s4  }
0x98: {  	_ =	strace $0x8FFFFFFF  }
0x99: {  	s19 =	sld [smem:$0x3FDB];
	_ =	sdelay $0x1  }
0x9a: {  	s5 =	simm.s32 $_scs_section_size  }
0x9b: {  	s6 =	simm.s32 $_size__tile_overlayer_lowered;
	s7 =	simm.s32 $_tile_overlayer_lowered  }
0x9c: {  	s22 =	simm.s32 $0x1BFF;
	s21 =	sshll.u32 s7, $0x1;
	s4 =	sadd.s32 s5, s19  }
0x9d: {  	s8 =	simm.s32 $0x0;
	s20 =	sshll.u32 s6, $0x1;
	s6 =	sadd.s32 s21, s4  }
0x9e: {  	[timem:s8], [sflag:s22] =	dma.local [hbm:s6], s20  }
0x9f: {  	_ =	swait.ge [sflag:s22], s20  }
0xa0: {  	s5 =	ssub.s32 $0x0, s20;
	[sflag:s22] =	ssyncset.done $0x0  }
0xa1: {  	[sflag:s22] =	ssyncadd.s32 s5;
	_ =	sdelay $0x1  }
0xa2: {  	s23 =	simm.s32 $0x1B8B  }
0xa3: {  	_ =	swait.ge [sflag:s23], $0x1  }
0xa4: {  	[sflag:s23] =	ssyncset.done $0x0  }
0xa5: {  	s25 =	simm.s32 $0x1B8E;
	s24 =	sld [smem:$0x3FFE];
	[sflag:s23] =	ssyncadd.s32 $0xFFFFFFFF  }
0xa6: {  	s26 =	simm.s32 $execute0_lowered;
	[smem:$0x3FD2] =	sst s25  }
0xa7: {  	s6 =	sshll.u32 s26, $0x1;
	_ =	strace $0x80000046;
	[dreg:$0x1] =	wrdreg $0xFFFFFFFF  }
0xa8: {  	s28 =	simm.s32 $_size_execute0_lowered;
	s4 =	sadd.s32 s4, s6;
	[dreg:$0x0] =	wrdreg $0x0  }
0xa9: {  	s6 =	sshll.u32 s28, $0x1;
	[dreg:$0x2] =	wrdreg s4  }
0xaa: {  	[dreg:$0x3] =	wrdreg s6  }
0xab: {  	[dreg:$0x4] =	wrdreg $0xC0  }
0xac: {  	_ =	task [dreg:s8], $0x5FFFF  }
0xad: {  	[dreg:$0x1] =	wrdreg $0xFFFFFFFF  }
0xae: {  	[dreg:$0x0] =	wrdreg $0x60  }
0xaf: {  	[dreg:$0x2] =	wrdreg s2  }
0xb0: {  	[dreg:$0x3] =	wrdreg s18  }
0xb1: {  	[dreg:$0x4] =	wrdreg s24  }
0xb2: {  	[dreg:$0x5] =	wrdreg $0x56000  }
0xb3: {  	[dreg:$0x6] =	wrdreg $0x5A000  }
0xb4: {  	[dreg:$0x7] =	wrdreg $0x9  }
0xb5: {  	_ =	task.clear_ibuf [dreg:s8], $0x8FFFF;
	_ =	strace $0x90000046  }
0xb6: {  	s29 =	simm.s32 $0x9;
	_ =	strace $0x80000048  }
0xb7: {  	_ =	swait.ge [sflag:s29], $0x1  }
0xb8: {  	[sflag:s29] =	ssyncadd.s32 $0xFFFFFFFF  }
0xb9: {  	_ =	strace $0x90000048  }
0xba: {  	_ =	sfence  }
0xbb: {  	s30 =	sld [smem:$0x0];
	_ =	sdelay $0x2  }
0xbc: {  	s31 =	sshll.u32 s1, $0xD;
	s1 =	sshrl.u32 s1, $0x2  }
0xbd: {  	s3 =	sand.u32 $0x4000, s31;
	s1 =	sadd.s32 s1, s30  }
0xbe: {  	s0 =	sor.u32 s3, s0;
	s1 =	sshll.u32 s1, $0x11  }
0xbf: {  	s0 =	sor.u32 s1, s0  }
0xc0: {  	s0 =	sadd.s32 $0x8F2B, s0  }
0xc1: {  	[sflag:s0] =	ssyncadd.remote.s32 $0x1  }
0xc2: {  	_ =	sfence.sel $0xFFFF  }
0xc3: {  	[dreg:$0x0] =	wrdreg $0xFFFFFFFF;
	(pc) =	sbr.abs _section_cstart, $3  }
0xc4: {  	[dreg:$0x1] =	wrdreg $0xFFFFFFFF  }
0xc5: {  	_ =	task.clear_ibuf [dreg:s8], $0x2FFFF;
	_ =	strace $0x9FFFFFFF  }
0xc6: {  	(tm) =	ssettm $0x7FFFFFFF  }
0xc7: {  	_ =	shalt  }
tec
execute0_lowered:
.L_overlay_start_1:
0x0: {  	(tag) =	ssettag $0x1  }
0x1: {  	s5 =	rddreg [dreg:$0x0]  }
0x2: {  	s9 =	rddreg [dreg:$0x1]  }
0x3: {  	s6 =	rddreg [dreg:$0x2]  }
0x4: {  	s1 =	rddreg [dreg:$0x3]  }
0x5: {  	s2 =	rddreg [dreg:$0x4]  }
0x6: {  	s0 =	rddreg [dreg:$0x5];
	s4 =	simm.s32 $0x0;
	s7 =	srdreg.scid  }
0x7: {  	s3 =	stileid.u32;
	s14 =	simm.s32 $0x5100;
	s15 =	simm.s32 $0x3  }
0x8: {  	s16 =	simm.s32 $0x5500;
	s17 =	simm.s32 $0x4000;
	s18 =	simm.s32 $0x1  }
0x9: {  	s19 =	simm.s32 $0x40;
	s20 =	simm.s32 $0x4080;
	s21 =	simm.s32 $0x4100  }
0xa: {  	s22 =	simm.s32 $0x40C0;
	s23 =	simm.s32 $0x4900;
	s24 =	simm.s32 $0x2  }
0xb: {  	s25 =	simm.s32 $0x0;
	[smem:$0x7FF] =	sst s4;
	s7 =	sand.u32 $0x1, s7  }
0xc: {  	s10 =	sshll.u32 s3, $0x7;
	s11 =	sshll.u32 s3, $0xA;
	_ =	strace $0x80000047  }
0xd: {  	s8 =	sshll.u32 s7, $0xB;
	s12 =	sshll.u32 s7, $0xE;
	s7 =	ssub.s32 $0x2, s7  }
0xe: {  	s30 =	sshrl.u32 s11, $0x2;
	s8 =	sor.u32 s10, s8;
	s26 =	sor.u32 s11, s12  }
0xf: {  	s13 =	sshrl.u32 s7, $0x1;
	s28 =	sshll.u32 s8, $0x4;
	s10 =	sshrl.u32 s26, $0x3  }
0x10: {  	s13 =	ssub.s32 s7, s13;
	s7 =	sadd.s32 s11, s1;
	s31 =	sshrl.u32 s8, $0x3  }
0x11: {  	s8 =	sadd.s32 s30, s2;
	s5 =	sadd.s32 s5, s28;
	s29 =	sadd.s32 s10, s6  }
0x12: {  	s9 =	sadd.s32 s9, s31;
	s12 =	smax.u32 s13, $0x1;
	s13 =	simm.s32 $0x2000  }
0x13: {  	v0 =	vimm.f32 $0.0e+00;
	v1 =	vimm.f32 $1.000000000e+00;
	s6 =	sadd.s32 $0x400, s5;
	s10 =	sadd.s32 $0x2400, s29;
	s11 =	sadd.s32 $0x1400, s29  }
.LBB2_1:
0x14: {  	[tilespmem:s4], [sflag:$0x1] =	stream.linear.gather [hbm4b:s5+s4], $0x2000, $0x38;
	[tilespmem:$0x5B00] =	vst v63  }
0x15: {  	_ = 	snop  }
0x16: {  	[tilespmem:s13], [sflag:$0x1] =	stream.linear.gather [hbm4b:s6+s4], $0x2000, $0x38;
	[tilespmem:$0x5B00] =	vst v63  }
0x17: {  	[tilespmem:$0x5100] =	vst v0  }
0x18: {  	[tilespmem:$0x5110] =	vst v0  }
0x19: {  	[tilespmem:$0x5120] =	vst v0  }
0x1a: {  	[tilespmem:$0x5130] =	vst v0  }
0x1b: {  	[tilespmem:$0x5140] =	vst v0  }
0x1c: {  	[tilespmem:$0x5150] =	vst v0  }
0x1d: {  	[tilespmem:$0x5160] =	vst v0  }
0x1e: {  	[tilespmem:$0x5170] =	vst v0  }
0x1f: {  	[tilespmem:$0x5500] =	vst v0  }
0x20: {  	[tilespmem:$0x5510] =	vst v0  }
0x21: {  	[tilespmem:$0x5180] =	vst v0  }
0x22: {  	[tilespmem:$0x5190] =	vst v0  }
0x23: {  	[tilespmem:$0x51A0] =	vst v0  }
0x24: {  	[tilespmem:$0x51B0] =	vst v0  }
0x25: {  	[tilespmem:$0x51C0] =	vst v0  }
0x26: {  	[tilespmem:$0x51D0] =	vst v0  }
0x27: {  	[tilespmem:$0x51E0] =	vst v0  }
0x28: {  	[tilespmem:$0x51F0] =	vst v0  }
0x29: {  	[tilespmem:$0x5520] =	vst v0  }
0x2a: {  	[tilespmem:$0x5530] =	vst v0  }
0x2b: {  	[tilespmem:$0x5200] =	vst v0  }
0x2c: {  	[tilespmem:$0x5210] =	vst v0  }
0x2d: {  	[tilespmem:$0x5220] =	vst v0  }
0x2e: {  	[tilespmem:$0x5230] =	vst v0  }
0x2f: {  	[tilespmem:$0x5240] =	vst v0  }
0x30: {  	[tilespmem:$0x5250] =	vst v0  }
0x31: {  	[tilespmem:$0x5260] =	vst v0  }
0x32: {  	[tilespmem:$0x5270] =	vst v0  }
0x33: {  	[tilespmem:$0x5540] =	vst v0  }
0x34: {  	[tilespmem:$0x5550] =	vst v0  }
0x35: {  	[tilespmem:$0x5280] =	vst v0  }
0x36: {  	[tilespmem:$0x5290] =	vst v0  }
0x37: {  	[tilespmem:$0x52A0] =	vst v0  }
0x38: {  	[tilespmem:$0x52B0] =	vst v0  }
0x39: {  	[tilespmem:$0x52C0] =	vst v0  }
0x3a: {  	[tilespmem:$0x52D0] =	vst v0  }
0x3b: {  	[tilespmem:$0x52E0] =	vst v0  }
0x3c: {  	[tilespmem:$0x52F0] =	vst v0  }
0x3d: {  	[tilespmem:$0x5560] =	vst v0  }
0x3e: {  	[tilespmem:$0x5570] =	vst v0  }
0x3f: {  	[tilespmem:$0x5300] =	vst v0  }
0x40: {  	[tilespmem:$0x5310] =	vst v0  }
0x41: {  	[tilespmem:$0x5320] =	vst v0  }
0x42: {  	[tilespmem:$0x5330] =	vst v0  }
0x43: {  	[tilespmem:$0x5340] =	vst v0  }
0x44: {  	[tilespmem:$0x5350] =	vst v0  }
0x45: {  	[tilespmem:$0x5360] =	vst v0  }
0x46: {  	[tilespmem:$0x5370] =	vst v0  }
0x47: {  	[tilespmem:$0x5580] =	vst v0  }
0x48: {  	[tilespmem:$0x5590] =	vst v0  }
0x49: {  	[tilespmem:$0x5380] =	vst v0  }
0x4a: {  	[tilespmem:$0x5390] =	vst v0  }
0x4b: {  	[tilespmem:$0x53A0] =	vst v0  }
0x4c: {  	[tilespmem:$0x53B0] =	vst v0  }
0x4d: {  	[tilespmem:$0x53C0] =	vst v0  }
0x4e: {  	[tilespmem:$0x53D0] =	vst v0  }
0x4f: {  	[tilespmem:$0x53E0] =	vst v0  }
0x50: {  	[tilespmem:$0x53F0] =	vst v0  }
0x51: {  	[tilespmem:$0x55A0] =	vst v0  }
0x52: {  	[tilespmem:$0x55B0] =	vst v0  }
0x53: {  	[tilespmem:$0x5400] =	vst v0  }
0x54: {  	[tilespmem:$0x5410] =	vst v0  }
0x55: {  	[tilespmem:$0x5420] =	vst v0  }
0x56: {  	[tilespmem:$0x5430] =	vst v0  }
0x57: {  	[tilespmem:$0x5440] =	vst v0  }
0x58: {  	[tilespmem:$0x5450] =	vst v0  }
0x59: {  	[tilespmem:$0x5460] =	vst v0  }
0x5a: {  	[tilespmem:$0x5470] =	vst v0  }
0x5b: {  	[tilespmem:$0x55C0] =	vst v0  }
0x5c: {  	[tilespmem:$0x55D0] =	vst v0  }
0x5d: {  	[tilespmem:$0x5480] =	vst v0  }
0x5e: {  	[tilespmem:$0x5490] =	vst v0  }
0x5f: {  	[tilespmem:$0x54A0] =	vst v0  }
0x60: {  	[tilespmem:$0x54B0] =	vst v0  }
0x61: {  	[tilespmem:$0x54C0] =	vst v0  }
0x62: {  	[tilespmem:$0x54D0] =	vst v0  }
0x63: {  	[tilespmem:$0x54E0] =	vst v0  }
0x64: {  	[tilespmem:$0x54F0] =	vst v0  }
0x65: {  	[tilespmem:$0x55E0] =	vst v0  }
0x66: {  	[tilespmem:$0x55F0] =	vst v0  }
0x67: {  	[spmem:s7] =	stream.linear.scatter [tilespmem:s14], [sflag:$0x3], $0x400, $0x38;
	[tilespmem:$0x5B00] =	vst v63  }
0x68: {  	_ =	swait.ge [sflag:s15], $0x400  }
0x69: {  	[sflag:s15] =	ssyncset.done $0x0  }
0x6a: {  	[sflag:s15] =	ssyncadd.s32 $0xFFFFFC00  }
0x6b: {  	[spmem:s8] =	stream.linear.scatter [tilespmem:s16], [sflag:$0x3], $0x100, $0x38;
	[tilespmem:$0x5B00] =	vst v63  }
0x6c: {  	_ =	swait.ge [sflag:s15], $0x100  }
0x6d: {  	[sflag:s15] =	ssyncset.done $0x0  }
0x6e: {  	[sflag:s15] =	ssyncadd.s32 $0xFFFFFF00  }
0x6f: {  	[tilespmem:s17], [sflag:$0x3] =	stream.linear.gather [hbm4b:s9+s4], $0x80, $0x38;
	[tilespmem:$0x5B00] =	vst v63  }
0x70: {  	_ =	swait.ge [sflag:s15], $0x80  }
0x71: {  	[sflag:s15] =	ssyncset.done $0x0  }
0x72: {  	[sflag:s15] =	ssyncadd.s32 $0xFFFFFF80  }
0x73: {  	v2 =	vld [tilespmem:$0x4000]  }
0x74: {  	v3 =	vld [tilespmem:$0x4010]  }
0x75: {  	v4 =	vld [tilespmem:$0x4020]  }
0x76: {  	v5 =	vld [tilespmem:$0x4030]  }
0x77: {  	v6 =	vld [tilespmem:$0x4040]  }
0x78: {  	v7 =	vld [tilespmem:$0x4050];
	v2 =	vtrunc.f32 v2  }
0x79: {  	v8 =	vld [tilespmem:$0x4060];
	v3 =	vtrunc.f32 v3;
	v2 =	vcvt.f32.s32 v2  }
0x7a: {  	v9 =	vld [tilespmem:$0x4070];
	v4 =	vtrunc.f32 v4;
	v3 =	vcvt.f32.s32 v3  }
0x7b: {  	v59 =	vtrunc.f32 v5;
	[tilespmem:$0x4080] =	vst v2;
	v2 =	vcvt.f32.s32 v4  }
0x7c: {  	v60 =	vtrunc.f32 v6;
	[tilespmem:$0x4090] =	vst v3;
	v3 =	vcvt.f32.s32 v59  }
0x7d: {  	v61 =	vtrunc.f32 v7;
	[tilespmem:$0x40A0] =	vst v2;
	v2 =	vcvt.f32.s32 v60  }
0x7e: {  	v62 =	vtrunc.f32 v8;
	[tilespmem:$0x40B0] =	vst v3;
	v3 =	vcvt.f32.s32 v61  }
0x7f: {  	v63 =	vtrunc.f32 v9;
	[tilespmem:$0x40C0] =	vst v2;
	v2 =	vcvt.f32.s32 v62  }
0x80: {  	[tilespmem:$0x40D0] =	vst v3;
	v3 =	vcvt.f32.s32 v63  }
0x81: {  	[tilespmem:$0x40E0] =	vst v2  }
0x82: {  	[tilespmem:$0x40F0] =	vst v3  }
0x83: {  	[bflag:$0x0] =	sbarrier.arrive $0xFFFF  }
0x84: {  	_ =	swait.ge [sflag:s18], $0x2000  }
0x85: {  	[sflag:s18] =	ssyncset.done $0x0  }
0x86: {  	s26 =	simm.s32 $0x200;
	s28 =	simm.s32 $0x0;
	[sflag:s18] =	ssyncadd.s32 $0xFFFFE000  }
.LBB2_2:
0x87: {  	v2 =	vld [tilespmem:s26+$0xFFFFFE00]  }
0x88: {  	v3 =	vld [tilespmem:s26+$0xFFFFFE10]  }
0x89: {  	v4 =	vld [tilespmem:s26+$0xFFFFFE20]  }
0x8a: {  	v5 =	vld [tilespmem:s26+$0xFFFFFE30]  }
0x8b: {  	v6 =	vld [tilespmem:s26+$0xFFFFFE40]  }
0x8c: {  	v7 =	vld [tilespmem:s26+$0xFFFFFE50]  }
0x8d: {  	v8 =	vld [tilespmem:s26+$0xFFFFFE60]  }
0x8e: {  	v9 =	vld [tilespmem:s26+$0xFFFFFE70];
	_ =	sdelay $0x1  }
0x8f: {  	v2 =	vmul.f32 v2, v2;
	v3 =	vmul.f32 v3, v3  }
0x90: {  	v4 =	vmul.f32 v4, v4;
	v5 =	vmul.f32 v5, v5  }
0x91: {  	v6 =	vmul.f32 v6, v6;
	v7 =	vmul.f32 v7, v7  }
0x92: {  	v8 =	vmul.f32 v8, v8;
	v9 =	vmul.f32 v9, v9  }
0x93: {  	v2 =	vadd.f32 v3, v2;
	v3 =	vadd.f32 v5, v4  }
0x94: {  	v58 =	vadd.f32 v7, v6;
	v59 =	vadd.f32 v9, v8;
	_ =	sdelay $0x1  }
0x95: {  	v2 =	vadd.f32 v3, v2;
	v3 =	vadd.f32 v59, v58;
	_ =	sdelay $0x1  }
0x96: {  	s29 =	sshra.s32 s28, $0x2;
	v2 =	vadd.f32 v3, v2  }
0x97: {  	[tilespmem:s29+$0x4110] =	vst v1  }
0x98: {  	[tilespmem:s29+$0x4100] =	vst v2  }
0x99: {  	v2 =	vld [tilespmem:s26+$0xFFFFFE80]  }
0x9a: {  	v3 =	vld [tilespmem:s26+$0xFFFFFE90]  }
0x9b: {  	v60 =	vld [tilespmem:s26+$0xFFFFFEA0]  }
0x9c: {  	v61 =	vld [tilespmem:s26+$0xFFFFFEB0]  }
0x9d: {  	v62 =	vld [tilespmem:s26+$0xFFFFFEC0]  }
0x9e: {  	v63 =	vld [tilespmem:s26+$0xFFFFFED0]  }
0x9f: {  	v12 =	vld [tilespmem:s26+$0xFFFFFEE0]  }
0xa0: {  	v13 =	vld [tilespmem:s26+$0xFFFFFEF0];
	_ =	sdelay $0x1  }
0xa1: {  	v2 =	vmul.f32 v2, v2;
	v3 =	vmul.f32 v3, v3  }
0xa2: {  	v4 =	vmul.f32 v60, v60;
	v5 =	vmul.f32 v61, v61  }
0xa3: {  	v6 =	vmul.f32 v62, v62;
	v7 =	vmul.f32 v63, v63  }
0xa4: {  	v8 =	vmul.f32 v12, v12;
	v9 =	vmul.f32 v13, v13  }
0xa5: {  	v2 =	vadd.f32 v3, v2;
	v3 =	vadd.f32 v5, v4  }
0xa6: {  	v14 =	vadd.f32 v7, v6;
	v15 =	vadd.f32 v9, v8;
	_ =	sdelay $0x1  }
0xa7: {  	v2 =	vadd.f32 v3, v2;
	v3 =	vadd.f32 v15, v14;
	_ =	sdelay $0x1  }
0xa8: {  	v2 =	vadd.f32 v3, v2  }
0xa9: {  	[tilespmem:s29+$0x4130] =	vst v1  }
0xaa: {  	[tilespmem:s29+$0x4120] =	vst v2  }
0xab: {  	v2 =	vld [tilespmem:s26+$0xFFFFFF00]  }
0xac: {  	v3 =	vld [tilespmem:s26+$0xFFFFFF10]  }
0xad: {  	v16 =	vld [tilespmem:s26+$0xFFFFFF20]  }
0xae: {  	v17 =	vld [tilespmem:s26+$0xFFFFFF30]  }
0xaf: {  	v18 =	vld [tilespmem:s26+$0xFFFFFF40]  }
0xb0: {  	v19 =	vld [tilespmem:s26+$0xFFFFFF50]  }
0xb1: {  	v20 =	vld [tilespmem:s26+$0xFFFFFF60]  }
0xb2: {  	v21 =	vld [tilespmem:s26+$0xFFFFFF70];
	_ =	sdelay $0x1  }
0xb3: {  	v2 =	vmul.f32 v2, v2;
	v3 =	vmul.f32 v3, v3  }
0xb4: {  	v4 =	vmul.f32 v16, v16;
	v5 =	vmul.f32 v17, v17  }
0xb5: {  	v6 =	vmul.f32 v18, v18;
	v7 =	vmul.f32 v19, v19  }
0xb6: {  	v8 =	vmul.f32 v20, v20;
	v9 =	vmul.f32 v21, v21  }
0xb7: {  	v2 =	vadd.f32 v3, v2;
	v3 =	vadd.f32 v5, v4  }
0xb8: {  	v22 =	vadd.f32 v7, v6;
	v23 =	vadd.f32 v9, v8;
	_ =	sdelay $0x1  }
0xb9: {  	v2 =	vadd.f32 v3, v2;
	v3 =	vadd.f32 v23, v22;
	_ =	sdelay $0x1  }
0xba: {  	v2 =	vadd.f32 v3, v2  }
0xbb: {  	[tilespmem:s29+$0x4150] =	vst v1  }
0xbc: {  	[tilespmem:s29+$0x4140] =	vst v2  }
0xbd: {  	v2 =	vld [tilespmem:s26+$0xFFFFFF80]  }
0xbe: {  	v3 =	vld [tilespmem:s26+$0xFFFFFF90]  }
0xbf: {  	v24 =	vld [tilespmem:s26+$0xFFFFFFA0]  }
0xc0: {  	v25 =	vld [tilespmem:s26+$0xFFFFFFB0]  }
0xc1: {  	v26 =	vld [tilespmem:s26+$0xFFFFFFC0]  }
0xc2: {  	v27 =	vld [tilespmem:s26+$0xFFFFFFD0]  }
0xc3: {  	v28 =	vld [tilespmem:s26+$0xFFFFFFE0]  }
0xc4: {  	v29 =	vld [tilespmem:s26+$0xFFFFFFF0];
	_ =	sdelay $0x1  }
0xc5: {  	v2 =	vmul.f32 v2, v2;
	v3 =	vmul.f32 v3, v3  }
0xc6: {  	v4 =	vmul.f32 v24, v24;
	v5 =	vmul.f32 v25, v25  }
0xc7: {  	v6 =	vmul.f32 v26, v26;
	v7 =	vmul.f32 v27, v27  }
0xc8: {  	v8 =	vmul.f32 v28, v28;
	v9 =	vmul.f32 v29, v29  }
0xc9: {  	v2 =	vadd.f32 v3, v2;
	v3 =	vadd.f32 v5, v4  }
0xca: {  	v30 =	vadd.f32 v7, v6;
	v31 =	vadd.f32 v9, v8;
	_ =	sdelay $0x1  }
0xcb: {  	v2 =	vadd.f32 v3, v2;
	v3 =	vadd.f32 v31, v30;
	_ =	sdelay $0x1  }
0xcc: {  	v2 =	vadd.f32 v3, v2  }
0xcd: {  	[tilespmem:s29+$0x4170] =	vst v1  }
0xce: {  	[tilespmem:s29+$0x4160] =	vst v2  }
0xcf: {  	v2 =	vld [tilespmem:s26+$0x0]  }
0xd0: {  	v3 =	vld [tilespmem:s26+$0x10]  }
0xd1: {  	v32 =	vld [tilespmem:s26+$0x20]  }
0xd2: {  	v33 =	vld [tilespmem:s26+$0x30]  }
0xd3: {  	v34 =	vld [tilespmem:s26+$0x40]  }
0xd4: {  	v35 =	vld [tilespmem:s26+$0x50]  }
0xd5: {  	v36 =	vld [tilespmem:s26+$0x60]  }
0xd6: {  	v37 =	vld [tilespmem:s26+$0x70];
	_ =	sdelay $0x1  }
0xd7: {  	v2 =	vmul.f32 v2, v2;
	v3 =	vmul.f32 v3, v3  }
0xd8: {  	v4 =	vmul.f32 v32, v32;
	v5 =	vmul.f32 v33, v33  }
0xd9: {  	v6 =	vmul.f32 v34, v34;
	v7 =	vmul.f32 v35, v35  }
0xda: {  	v8 =	vmul.f32 v36, v36;
	v9 =	vmul.f32 v37, v37  }
0xdb: {  	v2 =	vadd.f32 v3, v2;
	v3 =	vadd.f32 v5, v4  }
0xdc: {  	v38 =	vadd.f32 v7, v6;
	v39 =	vadd.f32 v9, v8;
	_ =	sdelay $0x1  }
0xdd: {  	v2 =	vadd.f32 v3, v2;
	v3 =	vadd.f32 v39, v38;
	_ =	sdelay $0x1  }
0xde: {  	v2 =	vadd.f32 v3, v2  }
0xdf: {  	[tilespmem:s29+$0x4190] =	vst v1  }
0xe0: {  	[tilespmem:s29+$0x4180] =	vst v2  }
0xe1: {  	v2 =	vld [tilespmem:s26+$0x80]  }
0xe2: {  	v3 =	vld [tilespmem:s26+$0x90]  }
0xe3: {  	v40 =	vld [tilespmem:s26+$0xA0]  }
0xe4: {  	v41 =	vld [tilespmem:s26+$0xB0]  }
0xe5: {  	v42 =	vld [tilespmem:s26+$0xC0]  }
0xe6: {  	v43 =	vld [tilespmem:s26+$0xD0]  }
0xe7: {  	v44 =	vld [tilespmem:s26+$0xE0]  }
0xe8: {  	v45 =	vld [tilespmem:s26+$0xF0];
	_ =	sdelay $0x1  }
0xe9: {  	v2 =	vmul.f32 v2, v2;
	v3 =	vmul.f32 v3, v3  }
0xea: {  	v4 =	vmul.f32 v40, v40;
	v5 =	vmul.f32 v41, v41  }
0xeb: {  	v6 =	vmul.f32 v42, v42;
	v7 =	vmul.f32 v43, v43  }
0xec: {  	v8 =	vmul.f32 v44, v44;
	v9 =	vmul.f32 v45, v45  }
0xed: {  	v2 =	vadd.f32 v3, v2;
	v3 =	vadd.f32 v5, v4  }
0xee: {  	v46 =	vadd.f32 v7, v6;
	v47 =	vadd.f32 v9, v8;
	_ =	sdelay $0x1  }
0xef: {  	v2 =	vadd.f32 v3, v2;
	v3 =	vadd.f32 v47, v46;
	_ =	sdelay $0x1  }
0xf0: {  	v2 =	vadd.f32 v3, v2  }
0xf1: {  	[tilespmem:s29+$0x41B0] =	vst v1  }
0xf2: {  	[tilespmem:s29+$0x41A0] =	vst v2  }
0xf3: {  	v2 =	vld [tilespmem:s26+$0x100]  }
0xf4: {  	v3 =	vld [tilespmem:s26+$0x110]  }
0xf5: {  	v48 =	vld [tilespmem:s26+$0x120]  }
0xf6: {  	v49 =	vld [tilespmem:s26+$0x130]  }
0xf7: {  	v50 =	vld [tilespmem:s26+$0x140]  }
0xf8: {  	v51 =	vld [tilespmem:s26+$0x150]  }
0xf9: {  	v52 =	vld [tilespmem:s26+$0x160]  }
0xfa: {  	v53 =	vld [tilespmem:s26+$0x170];
	_ =	sdelay $0x1  }
0xfb: {  	v2 =	vmul.f32 v2, v2;
	v3 =	vmul.f32 v3, v3  }
0xfc: {  	v4 =	vmul.f32 v48, v48;
	v5 =	vmul.f32 v49, v49  }
0xfd: {  	v6 =	vmul.f32 v50, v50;
	v7 =	vmul.f32 v51, v51  }
0xfe: {  	v8 =	vmul.f32 v52, v52;
	v9 =	vmul.f32 v53, v53  }
0xff: {  	v2 =	vadd.f32 v3, v2;
	v3 =	vadd.f32 v5, v4  }
0x100: {  	v54 =	vadd.f32 v7, v6;
	v55 =	vadd.f32 v9, v8;
	_ =	sdelay $0x1  }
0x101: {  	v2 =	vadd.f32 v3, v2;
	v3 =	vadd.f32 v55, v54;
	_ =	sdelay $0x1  }
0x102: {  	v2 =	vadd.f32 v3, v2  }
0x103: {  	[tilespmem:s29+$0x41D0] =	vst v1  }
0x104: {  	[tilespmem:s29+$0x41C0] =	vst v2  }
0x105: {  	v2 =	vld [tilespmem:s26+$0x180]  }
0x106: {  	v3 =	vld [tilespmem:s26+$0x190]  }
0x107: {  	v56 =	vld [tilespmem:s26+$0x1A0]  }
0x108: {  	v57 =	vld [tilespmem:s26+$0x1B0]  }
0x109: {  	v58 =	vld [tilespmem:s26+$0x1C0]  }
0x10a: {  	v59 =	vld [tilespmem:s26+$0x1D0]  }
0x10b: {  	v60 =	vld [tilespmem:s26+$0x1E0]  }
0x10c: {  	v61 =	vld [tilespmem:s26+$0x1F0];
	_ =	sdelay $0x1  }
0x10d: {  	v2 =	vmul.f32 v2, v2;
	v3 =	vmul.f32 v3, v3  }
0x10e: {  	v4 =	vmul.f32 v56, v56;
	v5 =	vmul.f32 v57, v57  }
0x10f: {  	v6 =	vmul.f32 v58, v58;
	v7 =	vmul.f32 v59, v59  }
0x110: {  	v8 =	vmul.f32 v60, v60;
	v9 =	vmul.f32 v61, v61  }
0x111: {  	v2 =	vadd.f32 v3, v2;
	v3 =	vadd.f32 v5, v4  }
0x112: {  	v62 =	vadd.f32 v7, v6;
	v63 =	vadd.f32 v9, v8  }
0x113: {  	p0 =	sne.s32 s28, $0x1C00  }
.Ltmp0:
0x114: {  	v2 =	vadd.f32 v3, v2;
	v3 =	vadd.f32 v63, v62;
	(pc) =	sbr.rel @p0 .LBB2_2-.Ltmp0, $4  }
0x115: {  	_ = 	snop  }
0x116: {  	v2 =	vadd.f32 v3, v2  }
0x117: {  	[tilespmem:s29+$0x41F0] =	vst v1  }
0x118: {  	s28 =	sadd.s32 $0x400, s28;
	s26 =	sadd.s32 $0x400, s26;
	[tilespmem:s29+$0x41E0] =	vst v2  }
0x119: {  	s26 =	simm.s32 $0x0  }
0x11a: {  	[spmem:s1] =	stream.indirect.scatter.add.f32 [tilespmem:s26], [sflag:$0x2], $0x80, s20, s19, $0xb8;
	[tilespmem:$0x5B00] =	vst v63  }
0x11b: {  	_ = 	snop  }
0x11c: {  	[spmem:s2] =	stream.indirect.scatter.add.f32 [tilespmem:s21], [sflag:$0x2], $0x20, s20, s19, $0xb8;
	[tilespmem:$0x5B00] =	vst v63  }
0x11d: {  	_ =	swait.ge [sflag:s18], $0x2000  }
0x11e: {  	[sflag:s18] =	ssyncset.done $0x0  }
0x11f: {  	s28 =	simm.s32 $0x23F0;
	[sflag:s18] =	ssyncadd.s32 $0xFFFFE000  }
.LBB2_4:
0x120: {  	v2 =	vld [tilespmem:s28+$0xFFFFFC10]  }
0x121: {  	v3 =	vld [tilespmem:s28+$0xFFFFFC20]  }
0x122: {  	v4 =	vld [tilespmem:s28+$0xFFFFFC30]  }
0x123: {  	v5 =	vld [tilespmem:s28+$0xFFFFFC40]  }
0x124: {  	v6 =	vld [tilespmem:s28+$0xFFFFFC50]  }
0x125: {  	v7 =	vld [tilespmem:s28+$0xFFFFFC60]  }
0x126: {  	v8 =	vld [tilespmem:s28+$0xFFFFFC70]  }
0x127: {  	v9 =	vld [tilespmem:s28+$0xFFFFFC80];
	_ =	sdelay $0x1  }
0x128: {  	v2 =	vmul.f32 v2, v2;
	v3 =	vmul.f32 v3, v3  }
0x129: {  	v4 =	vmul.f32 v4, v4;
	v5 =	vmul.f32 v5, v5  }
0x12a: {  	v6 =	vmul.f32 v6, v6;
	v7 =	vmul.f32 v7, v7  }
0x12b: {  	v8 =	vmul.f32 v8, v8;
	v9 =	vmul.f32 v9, v9  }
0x12c: {  	v2 =	vadd.f32 v3, v2;
	v3 =	vadd.f32 v5, v4  }
0x12d: {  	v58 =	vadd.f32 v7, v6;
	v59 =	vadd.f32 v9, v8;
	_ =	sdelay $0x1  }
0x12e: {  	v2 =	vadd.f32 v3, v2;
	v3 =	vadd.f32 v59, v58;
	_ =	sdelay $0x1  }
0x12f: {  	s29 =	sshra.s32 s26, $0x2;
	v2 =	vadd.f32 v3, v2  }
0x130: {  	[tilespmem:s29+$0x4910] =	vst v1  }
0x131: {  	[tilespmem:s29+$0x4900] =	vst v2  }
0x132: {  	v2 =	vld [tilespmem:s28+$0xFFFFFC90]  }
0x133: {  	v3 =	vld [tilespmem:s28+$0xFFFFFCA0]  }
0x134: {  	v60 =	vld [tilespmem:s28+$0xFFFFFCB0]  }
0x135: {  	v61 =	vld [tilespmem:s28+$0xFFFFFCC0]  }
0x136: {  	v62 =	vld [tilespmem:s28+$0xFFFFFCD0]  }
0x137: {  	v63 =	vld [tilespmem:s28+$0xFFFFFCE0]  }
0x138: {  	v12 =	vld [tilespmem:s28+$0xFFFFFCF0]  }
0x139: {  	v13 =	vld [tilespmem:s28+$0xFFFFFD00];
	_ =	sdelay $0x1  }
0x13a: {  	v2 =	vmul.f32 v2, v2;
	v3 =	vmul.f32 v3, v3  }
0x13b: {  	v4 =	vmul.f32 v60, v60;
	v5 =	vmul.f32 v61, v61  }
0x13c: {  	v6 =	vmul.f32 v62, v62;
	v7 =	vmul.f32 v63, v63  }
0x13d: {  	v8 =	vmul.f32 v12, v12;
	v9 =	vmul.f32 v13, v13  }
0x13e: {  	v2 =	vadd.f32 v3, v2;
	v3 =	vadd.f32 v5, v4  }
0x13f: {  	v14 =	vadd.f32 v7, v6;
	v15 =	vadd.f32 v9, v8;
	_ =	sdelay $0x1  }
0x140: {  	v2 =	vadd.f32 v3, v2;
	v3 =	vadd.f32 v15, v14;
	_ =	sdelay $0x1  }
0x141: {  	v2 =	vadd.f32 v3, v2  }
0x142: {  	[tilespmem:s29+$0x4930] =	vst v1  }
0x143: {  	[tilespmem:s29+$0x4920] =	vst v2  }
0x144: {  	v2 =	vld [tilespmem:s28+$0xFFFFFD10]  }
0x145: {  	v3 =	vld [tilespmem:s28+$0xFFFFFD20]  }
0x146: {  	v16 =	vld [tilespmem:s28+$0xFFFFFD30]  }
0x147: {  	v17 =	vld [tilespmem:s28+$0xFFFFFD40]  }
0x148: {  	v18 =	vld [tilespmem:s28+$0xFFFFFD50]  }
0x149: {  	v19 =	vld [tilespmem:s28+$0xFFFFFD60]  }
0x14a: {  	v20 =	vld [tilespmem:s28+$0xFFFFFD70]  }
0x14b: {  	v21 =	vld [tilespmem:s28+$0xFFFFFD80];
	_ =	sdelay $0x1  }
0x14c: {  	v2 =	vmul.f32 v2, v2;
	v3 =	vmul.f32 v3, v3  }
0x14d: {  	v4 =	vmul.f32 v16, v16;
	v5 =	vmul.f32 v17, v17  }
0x14e: {  	v6 =	vmul.f32 v18, v18;
	v7 =	vmul.f32 v19, v19  }
0x14f: {  	v8 =	vmul.f32 v20, v20;
	v9 =	vmul.f32 v21, v21  }
0x150: {  	v2 =	vadd.f32 v3, v2;
	v3 =	vadd.f32 v5, v4  }
0x151: {  	v22 =	vadd.f32 v7, v6;
	v23 =	vadd.f32 v9, v8;
	_ =	sdelay $0x1  }
0x152: {  	v2 =	vadd.f32 v3, v2;
	v3 =	vadd.f32 v23, v22;
	_ =	sdelay $0x1  }
0x153: {  	v2 =	vadd.f32 v3, v2  }
0x154: {  	[tilespmem:s29+$0x4950] =	vst v1  }
0x155: {  	[tilespmem:s29+$0x4940] =	vst v2  }
0x156: {  	v2 =	vld [tilespmem:s28+$0xFFFFFD90]  }
0x157: {  	v3 =	vld [tilespmem:s28+$0xFFFFFDA0]  }
0x158: {  	v24 =	vld [tilespmem:s28+$0xFFFFFDB0]  }
0x159: {  	v25 =	vld [tilespmem:s28+$0xFFFFFDC0]  }
0x15a: {  	v26 =	vld [tilespmem:s28+$0xFFFFFDD0]  }
0x15b: {  	v27 =	vld [tilespmem:s28+$0xFFFFFDE0]  }
0x15c: {  	v28 =	vld [tilespmem:s28+$0xFFFFFDF0]  }
0x15d: {  	v29 =	vld [tilespmem:s28+$0xFFFFFE00];
	_ =	sdelay $0x1  }
0x15e: {  	v2 =	vmul.f32 v2, v2;
	v3 =	vmul.f32 v3, v3  }
0x15f: {  	v4 =	vmul.f32 v24, v24;
	v5 =	vmul.f32 v25, v25  }
0x160: {  	v6 =	vmul.f32 v26, v26;
	v7 =	vmul.f32 v27, v27  }
0x161: {  	v8 =	vmul.f32 v28, v28;
	v9 =	vmul.f32 v29, v29  }
0x162: {  	v2 =	vadd.f32 v3, v2;
	v3 =	vadd.f32 v5, v4  }
0x163: {  	v30 =	vadd.f32 v7, v6;
	v31 =	vadd.f32 v9, v8;
	_ =	sdelay $0x1  }
0x164: {  	v2 =	vadd.f32 v3, v2;
	v3 =	vadd.f32 v31, v30;
	_ =	sdelay $0x1  }
0x165: {  	v2 =	vadd.f32 v3, v2  }
0x166: {  	[tilespmem:s29+$0x4970] =	vst v1  }
0x167: {  	[tilespmem:s29+$0x4960] =	vst v2  }
0x168: {  	v2 =	vld [tilespmem:s28+$0xFFFFFE10]  }
0x169: {  	v3 =	vld [tilespmem:s28+$0xFFFFFE20]  }
0x16a: {  	v32 =	vld [tilespmem:s28+$0xFFFFFE30]  }
0x16b: {  	v33 =	vld [tilespmem:s28+$0xFFFFFE40]  }
0x16c: {  	v34 =	vld [tilespmem:s28+$0xFFFFFE50]  }
0x16d: {  	v35 =	vld [tilespmem:s28+$0xFFFFFE60]  }
0x16e: {  	v36 =	vld [tilespmem:s28+$0xFFFFFE70]  }
0x16f: {  	v37 =	vld [tilespmem:s28+$0xFFFFFE80];
	_ =	sdelay $0x1  }
0x170: {  	v2 =	vmul.f32 v2, v2;
	v3 =	vmul.f32 v3, v3  }
0x171: {  	v4 =	vmul.f32 v32, v32;
	v5 =	vmul.f32 v33, v33  }
0x172: {  	v6 =	vmul.f32 v34, v34;
	v7 =	vmul.f32 v35, v35  }
0x173: {  	v8 =	vmul.f32 v36, v36;
	v9 =	vmul.f32 v37, v37  }
0x174: {  	v2 =	vadd.f32 v3, v2;
	v3 =	vadd.f32 v5, v4  }
0x175: {  	v38 =	vadd.f32 v7, v6;
	v39 =	vadd.f32 v9, v8;
	_ =	sdelay $0x1  }
0x176: {  	v2 =	vadd.f32 v3, v2;
	v3 =	vadd.f32 v39, v38;
	_ =	sdelay $0x1  }
0x177: {  	v2 =	vadd.f32 v3, v2  }
0x178: {  	[tilespmem:s29+$0x4990] =	vst v1  }
0x179: {  	[tilespmem:s29+$0x4980] =	vst v2  }
0x17a: {  	v2 =	vld [tilespmem:s28+$0xFFFFFE90]  }
0x17b: {  	v3 =	vld [tilespmem:s28+$0xFFFFFEA0]  }
0x17c: {  	v40 =	vld [tilespmem:s28+$0xFFFFFEB0]  }
0x17d: {  	v41 =	vld [tilespmem:s28+$0xFFFFFEC0]  }
0x17e: {  	v42 =	vld [tilespmem:s28+$0xFFFFFED0]  }
0x17f: {  	v43 =	vld [tilespmem:s28+$0xFFFFFEE0]  }
0x180: {  	v44 =	vld [tilespmem:s28+$0xFFFFFEF0]  }
0x181: {  	v45 =	vld [tilespmem:s28+$0xFFFFFF00];
	_ =	sdelay $0x1  }
0x182: {  	v2 =	vmul.f32 v2, v2;
	v3 =	vmul.f32 v3, v3  }
0x183: {  	v4 =	vmul.f32 v40, v40;
	v5 =	vmul.f32 v41, v41  }
0x184: {  	v6 =	vmul.f32 v42, v42;
	v7 =	vmul.f32 v43, v43  }
0x185: {  	v8 =	vmul.f32 v44, v44;
	v9 =	vmul.f32 v45, v45  }
0x186: {  	v2 =	vadd.f32 v3, v2;
	v3 =	vadd.f32 v5, v4  }
0x187: {  	v46 =	vadd.f32 v7, v6;
	v47 =	vadd.f32 v9, v8;
	_ =	sdelay $0x1  }
0x188: {  	v2 =	vadd.f32 v3, v2;
	v3 =	vadd.f32 v47, v46;
	_ =	sdelay $0x1  }
0x189: {  	v2 =	vadd.f32 v3, v2  }
0x18a: {  	[tilespmem:s29+$0x49B0] =	vst v1  }
0x18b: {  	[tilespmem:s29+$0x49A0] =	vst v2  }
0x18c: {  	v2 =	vld [tilespmem:s28+$0xFFFFFF10]  }
0x18d: {  	v3 =	vld [tilespmem:s28+$0xFFFFFF20]  }
0x18e: {  	v48 =	vld [tilespmem:s28+$0xFFFFFF30]  }
0x18f: {  	v49 =	vld [tilespmem:s28+$0xFFFFFF40]  }
0x190: {  	v50 =	vld [tilespmem:s28+$0xFFFFFF50]  }
0x191: {  	v51 =	vld [tilespmem:s28+$0xFFFFFF60]  }
0x192: {  	v52 =	vld [tilespmem:s28+$0xFFFFFF70]  }
0x193: {  	v53 =	vld [tilespmem:s28+$0xFFFFFF80];
	_ =	sdelay $0x1  }
0x194: {  	v2 =	vmul.f32 v2, v2;
	v3 =	vmul.f32 v3, v3  }
0x195: {  	v4 =	vmul.f32 v48, v48;
	v5 =	vmul.f32 v49, v49  }
0x196: {  	v6 =	vmul.f32 v50, v50;
	v7 =	vmul.f32 v51, v51  }
0x197: {  	v8 =	vmul.f32 v52, v52;
	v9 =	vmul.f32 v53, v53  }
0x198: {  	v2 =	vadd.f32 v3, v2;
	v3 =	vadd.f32 v5, v4  }
0x199: {  	v54 =	vadd.f32 v7, v6;
	v55 =	vadd.f32 v9, v8;
	_ =	sdelay $0x1  }
0x19a: {  	v2 =	vadd.f32 v3, v2;
	v3 =	vadd.f32 v55, v54;
	_ =	sdelay $0x1  }
0x19b: {  	v2 =	vadd.f32 v3, v2  }
0x19c: {  	[tilespmem:s29+$0x49D0] =	vst v1  }
0x19d: {  	[tilespmem:s29+$0x49C0] =	vst v2  }
0x19e: {  	v2 =	vld [tilespmem:s28+$0xFFFFFF90]  }
0x19f: {  	v3 =	vld [tilespmem:s28+$0xFFFFFFA0]  }
0x1a0: {  	v56 =	vld [tilespmem:s28+$0xFFFFFFB0]  }
0x1a1: {  	v57 =	vld [tilespmem:s28+$0xFFFFFFC0]  }
0x1a2: {  	v58 =	vld [tilespmem:s28+$0xFFFFFFD0]  }
0x1a3: {  	v59 =	vld [tilespmem:s28+$0xFFFFFFE0]  }
0x1a4: {  	v60 =	vld [tilespmem:s28+$0xFFFFFFF0]  }
0x1a5: {  	v61 =	vld [tilespmem:s28+$0x0];
	_ =	sdelay $0x1  }
0x1a6: {  	v2 =	vmul.f32 v2, v2;
	v3 =	vmul.f32 v3, v3  }
0x1a7: {  	v4 =	vmul.f32 v56, v56;
	v5 =	vmul.f32 v57, v57  }
0x1a8: {  	v6 =	vmul.f32 v58, v58;
	v7 =	vmul.f32 v59, v59  }
0x1a9: {  	v8 =	vmul.f32 v60, v60;
	v9 =	vmul.f32 v61, v61  }
0x1aa: {  	v2 =	vadd.f32 v3, v2;
	v3 =	vadd.f32 v5, v4  }
0x1ab: {  	v62 =	vadd.f32 v7, v6;
	v63 =	vadd.f32 v9, v8  }
0x1ac: {  	p0 =	sne.s32 s26, $0x1C00  }
.Ltmp1:
0x1ad: {  	v2 =	vadd.f32 v3, v2;
	v3 =	vadd.f32 v63, v62;
	(pc) =	sbr.rel @p0 .LBB2_4-.Ltmp1, $4  }
0x1ae: {  	_ = 	snop  }
0x1af: {  	v2 =	vadd.f32 v3, v2  }
0x1b0: {  	[tilespmem:s29+$0x49F0] =	vst v1  }
0x1b1: {  	s26 =	sadd.s32 $0x400, s26;
	s28 =	sadd.s32 $0x400, s28;
	[tilespmem:s29+$0x49E0] =	vst v2  }
0x1b2: {  	[spmem:s1] =	stream.indirect.scatter.add.f32 [tilespmem:s13], [sflag:$0x2], $0x80, s22, s19, $0xb8;
	[tilespmem:$0x5B00] =	vst v63  }
0x1b3: {  	_ = 	snop  }
0x1b4: {  	[spmem:s2] =	stream.indirect.scatter.add.f32 [tilespmem:s23], [sflag:$0x2], $0x20, s22, s19, $0xb8;
	[tilespmem:$0x5B00] =	vst v63  }
0x1b5: {  	_ =	swait.ge [sflag:s24], $0x2000  }
0x1b6: {  	[sflag:s24] =	ssyncset.done $0x0  }
0x1b7: {  	[sflag:s24] =	ssyncadd.s32 $0xFFFFE000  }
0x1b8: {  	_ =	swait.ge [sflag:s24], $0x800  }
0x1b9: {  	[sflag:s24] =	ssyncset.done $0x0  }
0x1ba: {  	[sflag:s24] =	ssyncadd.s32 $0xFFFFF800  }
0x1bb: {  	_ =	swait.ge [sflag:s24], $0x2000  }
0x1bc: {  	[sflag:s24] =	ssyncset.done $0x0  }
0x1bd: {  	[sflag:s24] =	ssyncadd.s32 $0xFFFFE000  }
0x1be: {  	_ =	swait.ge [sflag:s24], $0x800  }
0x1bf: {  	[sflag:s24] =	ssyncset.done $0x0  }
0x1c0: {  	[sflag:s24] =	ssyncadd.s32 $0xFFFFF800  }
0x1c1: {  	[bflag:$0x0] =	sbarrier.arrive $0xFFFF  }
0x1c2: {  	[tilespmem:s16], [sflag:$0x3] =	stream.linear.gather [spmem:s8], $0x100, $0x38;
	[tilespmem:$0x5B00] =	vst v63  }
0x1c3: {  	_ =	swait.ge [sflag:s15], $0x100  }
0x1c4: {  	[sflag:s15] =	ssyncset.done $0x0  }
0x1c5: {  	[sflag:s15] =	ssyncadd.s32 $0xFFFFFF00  }
0x1c6: {  	v2 =	vld [tilespmem:$0x5500]  }
0x1c7: {  	v3 =	vld [tilespmem:$0x5510]  }
0x1c8: {  	v4 =	vld [tilespmem:$0x5520]  }
0x1c9: {  	v5 =	vld [tilespmem:$0x5530]  }
0x1ca: {  	v6 =	vld [tilespmem:$0x5540]  }
0x1cb: {  	[tilespmem:$0x5100] =	vst v2;
	v2 =	vld [tilespmem:$0x5550]  }
0x1cc: {  	v58 =	vld [tilespmem:$0x5570];
	[tilespmem:$0x5110] =	vst v3  }
0x1cd: {  	v59 =	vld [tilespmem:$0x5580];
	[tilespmem:$0x5180] =	vst v4  }
0x1ce: {  	v60 =	vld [tilespmem:$0x5590];
	[tilespmem:$0x5190] =	vst v5  }
0x1cf: {  	v3 =	vld [tilespmem:$0x5560];
	[tilespmem:$0x5200] =	vst v6  }
0x1d0: {  	[tilespmem:$0x5210] =	vst v2;
	v2 =	vld [tilespmem:$0x55A0]  }
0x1d1: {  	v61 =	vld [tilespmem:$0x55C0];
	[tilespmem:$0x5290] =	vst v58  }
0x1d2: {  	v62 =	vld [tilespmem:$0x55D0];
	[tilespmem:$0x5300] =	vst v59  }
0x1d3: {  	v63 =	vld [tilespmem:$0x55E0];
	[tilespmem:$0x5310] =	vst v60  }
0x1d4: {  	[tilespmem:$0x5280] =	vst v3;
	v3 =	vld [tilespmem:$0x55B0]  }
0x1d5: {  	[tilespmem:$0x5380] =	vst v2;
	v2 =	vld [tilespmem:$0x55F0]  }
0x1d6: {  	[tilespmem:$0x5400] =	vst v61  }
0x1d7: {  	[tilespmem:$0x5410] =	vst v62  }
0x1d8: {  	[tilespmem:$0x5480] =	vst v63  }
0x1d9: {  	[tilespmem:$0x5390] =	vst v3  }
0x1da: {  	[tilespmem:$0x5490] =	vst v2  }
0x1db: {  	[hbm4b:s10+s4] =	stream.linear.scatter [tilespmem:s14], [sflag:$0x3], $0x400, $0x38;
	[tilespmem:$0x5B00] =	vst v63  }
0x1dc: {  	_ =	swait.ge [sflag:s15], $0x400  }
0x1dd: {  	[sflag:s15] =	ssyncset.done $0x0  }
0x1de: {  	[sflag:s15] =	ssyncadd.s32 $0xFFFFFC00  }
0x1df: {  	[tilespmem:s14], [sflag:$0x3] =	stream.linear.gather [spmem:s7], $0x400, $0x38;
	[tilespmem:$0x5B00] =	vst v63  }
0x1e0: {  	s25 =	sadd.s32 $0x1, s25;
	_ =	swait.ge [sflag:s15], $0x400  }
0x1e1: {  	p0 =	sne.s32 s25, s12;
	[sflag:s15] =	ssyncset.done $0x0  }
.Ltmp2:
0x1e2: {  	[sflag:s15] =	ssyncadd.s32 $0xFFFFFC00;
	(pc) =	sbr.rel @p0 .LBB2_1-.Ltmp2, $4  }
0x1e3: {  	[hbm4b:s11+s4] =	stream.linear.scatter [tilespmem:s14], [sflag:$0x3], $0x400, $0x38;
	[tilespmem:$0x5B00] =	vst v63  }
0x1e4: {  	_ =	swait.ge [sflag:s15], $0x400  }
0x1e5: {  	[sflag:s15] =	ssyncset.done $0x0  }
0x1e6: {  	[sflag:s15] =	ssyncadd.s32 $0xFFFFFC00  }
0x1e7: {  	_ =	sfence.sel $0x180000  }
0x1e8: {  	[bflag:$0x0] =	sbarrier.arrive $0xFFFF  }
0x1e9: {  	p0 =	sne.s32 s3, $0x0;
	_ =	strace $0x90000047  }
0x1ea: {  	s0 =	sadd.s32 @!p0 $0x100000, s0;
	[bflag:$0x2] =	sbarrier.arrive $0xFFFF  }
0x1eb: {  	[sflag:s0] =	ssyncadd.tile.s32 @!p0 $0x1;
	_ =	shalt  }
.Lfunc_end2:
_tile_overlayer_lowered:
.L_overlay_start_2:
0x1ec: {  	(tag) =	ssettag $0x2  }
0x1ed: {  	s0 =	rddreg [dreg:$0x0];
	s2 =	stileid.u32  }
0x1ee: {  	s1 =	rddreg [dreg:$0x1];
	p0 =	sne.s32 s2, $0x0  }
0x1ef: {  	s3 =	rddreg [dreg:$0x2];
	[bflag:$0x3] =	sbarrier.arrive $0xFFFF;
	s2 =	simm.s32 @!p0 $0x1C03  }
0x1f0: {  	[timem:s3], [sflag:s2] =	dma.local @!p0 [hbm:s0], s1  }
0x1f1: {  	s0 =	simm.s32 @!p0 $0x3  }
0x1f2: {  	_ =	swait.ge @!p0 [sflag:s0], s1  }
0x1f3: {  	s1 =	ssub.s32 @!p0 $0x0, s1;
	[sflag:s0] =	ssyncset.done @!p0 $0x0  }
0x1f4: {  	[sflag:s0] =	ssyncadd.s32 @!p0 s1  }
0x1f5: {  	[bflag:$0x3] =	sbarrier.arrive $0xFFFF  }
0x1f6: {  	_ =	shalt  }

</sc_bundles>
